<compile_context>
chip_gen: v7x
topology: tpu7x:2x2x1
jax: 0.10.2.dev20260603
libtpu: 0.0.44.dev20260713+nightly
codegen_flags: <defaults>
</compile_context>

<pallas_src>
import functools

import jax
import jax.numpy as jnp
from jax import lax
from jax.experimental import pallas as pl
from jax.experimental.pallas import tpu as pltpu
from jax.experimental.pallas import tpu_sc as plsc

N = 10000
E = 320000
G = 64
D = 128

NC = 2
NS = 16
NW = NC * NS
CHUNK = 128

EC = 80
E_PAD = NW * EC * CHUNK
N_PAD = 10112
RPT = N_PAD // NS

def _seg_sum_kernel(n_chunks, out_rows):
    mesh = plsc.VectorSubcoreMesh(core_axis_name="c", subcore_axis_name="s")
    rpt = out_rows // NS

    npass = 2
    hp = n_chunks // npass
    assert hp % 2 == 0 and hp % 8 == 0

    @functools.partial(
        pl.kernel,
        mesh=mesh,
        out_type=jax.ShapeDtypeStruct((NC, out_rows, D), jnp.float32),
        scratch_types=[
            pltpu.VMEM((hp, CHUNK), jnp.int32),
            pltpu.VMEM((hp, CHUNK), jnp.int32),
            pltpu.VMEM((CHUNK, D), jnp.float32),
            pltpu.VMEM((CHUNK, D), jnp.float32),
            pltpu.VMEM_SHARED((out_rows, D), jnp.float32),
            pltpu.SemaphoreType.DMA,
            pltpu.SemaphoreType.DMA,
            pltpu.SemaphoreType.DMA,
            pltpu.SemaphoreType.DMA,
        ],
    )
    def k(table, src, dst, zeros, out, src_v, dst_v, b0, b1, agg_sh,
          t0, t1, g0, g1):
        c = lax.axis_index("c")
        s = lax.axis_index("s")
        wid = s * NC + c
        pltpu.sync_copy(zeros.at[pl.ds(0, rpt)], agg_sh.at[pl.ds(s * rpt, rpt)])
        plsc.subcore_barrier()

        for p in range(npass):
            pltpu.sync_copy(src.at[wid, pl.ds(p * hp, hp)], src_v)
            pltpu.sync_copy(dst.at[wid, pl.ds(p * hp, hp)], dst_v)

            pltpu.async_copy(table.at[src_v.at[0]], b0, g0)
            pltpu.async_copy(table.at[src_v.at[1]], b1, g1)

            def body(i, carry):
                j = 2 * i
                pltpu.make_async_copy(table.at[src_v.at[j]], b0, g0).wait()
                cs0 = pltpu.async_copy(b0, agg_sh.at[dst_v.at[j]], t0,
                                       add=True)
                pltpu.make_async_copy(table.at[src_v.at[j + 1]], b1,
                                      g1).wait()
                cs1 = pltpu.async_copy(b1, agg_sh.at[dst_v.at[j + 1]], t1,
                                       add=True)
                cs0.wait()
                pltpu.async_copy(table.at[src_v.at[j + 2]], b0, g0)
                cs1.wait()
                pltpu.async_copy(table.at[src_v.at[j + 3]], b1, g1)
                return carry

            lax.fori_loop(0, hp // 2 - 1, body, 0)

            j = hp - 2
            pltpu.make_async_copy(table.at[src_v.at[j]], b0, g0).wait()
            cs0 = pltpu.async_copy(b0, agg_sh.at[dst_v.at[j]], t0, add=True)
            pltpu.make_async_copy(table.at[src_v.at[j + 1]], b1, g1).wait()
            cs1 = pltpu.async_copy(b1, agg_sh.at[dst_v.at[j + 1]], t1,
                                   add=True)
            cs0.wait()
            cs1.wait()

        plsc.subcore_barrier()
        pltpu.sync_copy(agg_sh.at[pl.ds(s * rpt, rpt)],
                        out.at[c, pl.ds(s * rpt, rpt)])

    return k


_edge_seg_sum = _seg_sum_kernel(EC, N_PAD)


BN = 632
TC_GRID = N_PAD // BN


def _elu(v):
    return jnp.where(v > 0, v, jnp.exp(v) - 1.0)


def _dense_body(p_ref, h_ref, wrel_ref, wroot_ref, b_ref, out_ref):
    agg = p_ref[0] + p_ref[1]
    acc = jnp.dot(agg, wrel_ref[...], preferred_element_type=jnp.float32)
    acc += jnp.dot(h_ref[...], wroot_ref[...], preferred_element_type=jnp.float32)
    out_ref[...] = _elu(acc + b_ref[...])


def _dense_layer(p, h, wrel, wroot, b, d_out):
    d_in = h.shape[-1]
    return pl.pallas_call(
        _dense_body,
        grid=(TC_GRID,),
        in_specs=[
            pl.BlockSpec((2, BN, D), lambda i: (0, i, 0)),
            pl.BlockSpec((BN, d_in), lambda i: (i, 0)),
            pl.BlockSpec((D, d_out), lambda i: (0, 0)),
            pl.BlockSpec((d_in, d_out), lambda i: (0, 0)),
            pl.BlockSpec((1, d_out), lambda i: (0, 0)),
        ],
        out_specs=pl.BlockSpec((BN, d_out), lambda i: (i, 0)),
        out_shape=jax.ShapeDtypeStruct((N_PAD, d_out), jnp.float32),
    )(p, h, wrel, wroot, b)


def _dense2_body(p_ref, h_ref, wrel_ref, wroot_ref, b_ref, w3rel_ref,
                 h2_ref, y3_ref):
    agg = p_ref[0] + p_ref[1]
    acc = jnp.dot(agg, wrel_ref[...], preferred_element_type=jnp.float32)
    acc += jnp.dot(h_ref[...], wroot_ref[...], preferred_element_type=jnp.float32)
    h2 = _elu(acc + b_ref[...])
    h2_ref[...] = h2
    y3_ref[...] = jnp.dot(h2, w3rel_ref[...], preferred_element_type=jnp.float32)


def _dense_layer2(p, h, wrel, wroot, b, w3rel):
    return pl.pallas_call(
        _dense2_body,
        grid=(TC_GRID,),
        in_specs=[
            pl.BlockSpec((2, BN, D), lambda i: (0, i, 0)),
            pl.BlockSpec((BN, D), lambda i: (i, 0)),
            pl.BlockSpec((D, 2 * D), lambda i: (0, 0)),
            pl.BlockSpec((D, 2 * D), lambda i: (0, 0)),
            pl.BlockSpec((1, 2 * D), lambda i: (0, 0)),
            pl.BlockSpec((2 * D, D), lambda i: (0, 0)),
        ],
        out_specs=[
            pl.BlockSpec((BN, 2 * D), lambda i: (i, 0)),
            pl.BlockSpec((BN, D), lambda i: (i, 0)),
        ],
        out_shape=[
            jax.ShapeDtypeStruct((N_PAD, 2 * D), jnp.float32),
            jax.ShapeDtypeStruct((N_PAD, D), jnp.float32),
        ],
    )(p, h, wrel, wroot, b, w3rel)


def _dense3_body(p_ref, h_ref, wroot_ref, b_ref, batch_ref, out_ref,
                 acc_ref, cnt_ref):
    i = pl.program_id(0)
    agg = p_ref[0] + p_ref[1]
    acc = agg + jnp.dot(h_ref[...], wroot_ref[...],
                        preferred_element_type=jnp.float32)
    h3 = _elu(acc + b_ref[...])
    gids = jax.lax.broadcasted_iota(jnp.int32, (BN, G), 1).astype(jnp.float32)
    m = (batch_ref[...] == gids).astype(jnp.float32)
    psum = jax.lax.dot_general(m, h3, (((0,), (0,)), ((), ())),
                               preferred_element_type=jnp.float32)
    pcnt = jnp.sum(m, axis=0)[:, None]

    @pl.when(i == 0)
    def _():
        acc_ref[...] = psum
        cnt_ref[...] = pcnt

    @pl.when(i > 0)
    def _():
        acc_ref[...] += psum
        cnt_ref[...] += pcnt

    @pl.when(i == TC_GRID - 1)
    def _():
        out_ref[...] = acc_ref[...] / jnp.maximum(cnt_ref[...], 1.0)


def _dense_layer3_pool(p, h, wroot, b, batch2d):
    return pl.pallas_call(
        _dense3_body,
        grid=(TC_GRID,),
        in_specs=[
            pl.BlockSpec((2, BN, D), lambda i: (0, i, 0)),
            pl.BlockSpec((BN, 2 * D), lambda i: (i, 0)),
            pl.BlockSpec((2 * D, D), lambda i: (0, 0)),
            pl.BlockSpec((1, D), lambda i: (0, 0)),
            pl.BlockSpec((BN, 1), lambda i: (i, 0)),
        ],
        out_specs=pl.BlockSpec((G, D), lambda i: (0, 0)),
        out_shape=jax.ShapeDtypeStruct((G, D), jnp.float32),
        scratch_shapes=[
            pltpu.VMEM((G, D), jnp.float32),
            pltpu.VMEM((G, 1), jnp.float32),
        ],
    )(p, h, wroot, b, batch2d)


def kernel(x, edge_index, batch, W1_rel, W1_root, b1, W2_rel, W2_root, b2,
           W3_rel, W3_root, b3):
    f32 = jnp.float32
    x_pad = jnp.concatenate([x, jnp.zeros((N_PAD - N, D), f32)], axis=0)
    src = edge_index[0]
    dst = edge_index[1]
    pad_src = jnp.arange(E_PAD - E, dtype=jnp.int32) % N
    src_p = jnp.concatenate([src, pad_src]).reshape(NW, EC, CHUNK)
    pad_dst = N + (jnp.arange(E_PAD - E, dtype=jnp.int32) % (N_PAD - N))
    dst_p = jnp.concatenate([dst, pad_dst]).reshape(NW, EC, CHUNK)
    zeros_hbm = jnp.zeros((RPT, D), f32)
    batch2d = jnp.concatenate(
        [batch, jnp.full((N_PAD - N,), G, jnp.int32)]
    ).astype(f32).reshape(N_PAD, 1)
    b1r = b1.reshape(1, -1)
    b2r = b2.reshape(1, -1)
    b3r = b3.reshape(1, -1)

    p1 = _edge_seg_sum(x_pad, src_p, dst_p, zeros_hbm)
    h1 = _dense_layer(p1, x_pad, W1_rel, W1_root, b1r, D)
    p2 = _edge_seg_sum(h1, src_p, dst_p, zeros_hbm)
    h2, y3 = _dense_layer2(p2, h1, W2_rel, W2_root, b2r, W3_rel)
    p3 = _edge_seg_sum(y3, src_p, dst_p, zeros_hbm)
    return _dense_layer3_pool(p3, h2, W3_root, b3r, batch2d)

# --- scband reference (transcript-rebuilt; emitter-appended) ---
"""Pipeline reference for scband-graph-conv-net-55052890800550 (READ-ONLY COPY).

The authoritative reference and input builder live on the scoring server;
editing this copy changes nothing except your own understanding.
"""

import jax, jax.numpy as jnp
import numpy as np

N = 10000
E = 320000
G = 64
N_FEAT = 128
N_HID = 128
N_OUT = 128


def setup_inputs(seed: int = 0) -> dict:
    key = jax.random.key(seed)
    ks = jax.random.split(key, 12)
    x = jax.random.normal(ks[0], (N, N_FEAT), dtype=jnp.float32)
    edge_index = jax.random.randint(ks[1], (2, E), 0, N, dtype=jnp.int32)
    batch = jnp.sort(jax.random.randint(ks[2], (N,), 0, G, dtype=jnp.int32))
    # GraphConv params: out = aggr(x_j) @ W_rel + x @ W_root + b  (PyG GraphConv, aggr='add')
    W1_rel = jax.random.normal(ks[3], (N_FEAT, N_HID), dtype=jnp.float32) / jnp.sqrt(N_FEAT)
    W1_root = jax.random.normal(ks[4], (N_FEAT, N_HID), dtype=jnp.float32) / jnp.sqrt(N_FEAT)
    b1 = jnp.zeros((N_HID,), dtype=jnp.float32)
    W2_rel = jax.random.normal(ks[5], (N_HID, N_HID * 2), dtype=jnp.float32) / jnp.sqrt(N_HID)
    W2_root = jax.random.normal(ks[6], (N_HID, N_HID * 2), dtype=jnp.float32) / jnp.sqrt(N_HID)
    b2 = jnp.zeros((N_HID * 2,), dtype=jnp.float32)
    W3_rel = jax.random.normal(ks[7], (N_HID * 2, N_OUT), dtype=jnp.float32) / jnp.sqrt(N_HID * 2)
    W3_root = jax.random.normal(ks[8], (N_HID * 2, N_OUT), dtype=jnp.float32) / jnp.sqrt(N_HID * 2)
    b3 = jnp.zeros((N_OUT,), dtype=jnp.float32)
    return {"x": x, "edge_index": edge_index, "batch": batch,
            "W1_rel": W1_rel, "W1_root": W1_root, "b1": b1,
            "W2_rel": W2_rel, "W2_root": W2_root, "b2": b2,
            "W3_rel": W3_rel, "W3_root": W3_root, "b3": b3}


def _graph_conv(x, edge_index, W_rel, W_root, b):
    src = edge_index[0]
    dst = edge_index[1]
    msgs = jnp.take(x, src, axis=0)                       # gather x_j
    agg = jax.ops.segment_sum(msgs, dst, num_segments=N)  # scatter-add to dst
    return agg @ W_rel + x @ W_root + b


def reference(x, edge_index, batch, W1_rel, W1_root, b1, W2_rel, W2_root, b2, W3_rel, W3_root, b3):
    h = jax.nn.elu(_graph_conv(x, edge_index, W1_rel, W1_root, b1))
    h = jax.nn.elu(_graph_conv(h, edge_index, W2_rel, W2_root, b2))
    h = jax.nn.elu(_graph_conv(h, edge_index, W3_rel, W3_root, b3))
    # scatter_mean over graph-id segments
    sums = jax.ops.segment_sum(h, batch, num_segments=G)
    counts = jax.ops.segment_sum(jnp.ones((N, 1), dtype=h.dtype), batch, num_segments=G)
    return sums / jnp.maximum(counts, 1.0)

if __name__ == "__main__":
    import jax
    _d = setup_inputs()
    print(jax.jit(kernel)(*tuple(_d.values())))

</pallas_src>

<mosaic_0001>
#map = affine_map<(d0, d1) -> (0, 0)>
#map1 = affine_map<(d0, d1) -> (0, 0, 0)>
module attributes {stable_mosaic.version = 14 : i64} {
  func.func @k(%arg0: i32, %arg1: i32, %arg2: memref<10112x128xf32, #tpu.memory_space<hbm>>, %arg3: memref<32x80x128xi32, #tpu.memory_space<hbm>>, %arg4: memref<32x80x128xi32, #tpu.memory_space<hbm>>, %arg5: memref<632x128xf32, #tpu.memory_space<hbm>>, %arg6: memref<2x10112x128xf32, #tpu.memory_space<hbm>>, %arg7: memref<40x128xi32, #tpu.memory_space<vmem>>, %arg8: memref<40x128xi32, #tpu.memory_space<vmem>>, %arg9: memref<128x128xf32, #tpu.memory_space<vmem>>, %arg10: memref<128x128xf32, #tpu.memory_space<vmem>>, %arg11: memref<10112x128xf32, #tpu.memory_space<vmem_shared>>, %arg12: memref<!tpu.dma_semaphore, #tpu.memory_space<semaphore_mem>>, %arg13: memref<!tpu.dma_semaphore, #tpu.memory_space<semaphore_mem>>, %arg14: memref<!tpu.dma_semaphore, #tpu.memory_space<semaphore_mem>>, %arg15: memref<!tpu.dma_semaphore, #tpu.memory_space<semaphore_mem>>) attributes {dimension_semantics = [#tpu.dimension_semantics<core_parallel>, #tpu.dimension_semantics<subcore_parallel>], iteration_bounds = array<i64: 2, 16>, scalar_prefetch = 0 : i64, scratch_operands = 9 : i64, tpu.core_type = #tpu.core_type<sc_vector_subcore>, window_params = [{transform_indices = #map}, {transform_indices = #map1}, {transform_indices = #map1}, {transform_indices = #map}, {transform_indices = #map1}]} {
    %mul3A = arith.constant 2 : i32
    %mul3A_0 = arith.muli %arg1, %mul3A : i32
    %add3A = arith.addi %mul3A_0, %arg0 : i32
    %mul3A_1 = arith.constant 632 : i32
    %mul3A_2 = arith.muli %arg1, %mul3A_1 : i32
    "tpu.region"() ({
      %run_scoped3A = tpu.sem_alloc : memref<!tpu.dma_semaphore, #tpu.memory_space<semaphore_mem>>
      %dma_start3A_129 = arith.constant 0 : i32
      %dma_start3A_130 = tpu.memref_slice %arg11[%mul3A_2, %dma_start3A_129] : memref<10112x128xf32, #tpu.memory_space<vmem_shared>> -> memref<632x128xf32, #tpu.memory_space<vmem_shared>>
      %dma_start3A_131 = arith.constant 0 : i32
      %dma_start3A_132 = arith.constant 0 : i32
      %dma_start3A_133 = tpu.memref_slice %arg5[%dma_start3A_131, %dma_start3A_132] : memref<632x128xf32, #tpu.memory_space<hbm>> -> memref<632x128xf32, #tpu.memory_space<hbm>>
      tpu.enqueue_dma source(%dma_start3A_133 : memref<632x128xf32, #tpu.memory_space<hbm>>) target(%dma_start3A_130 : memref<632x128xf32, #tpu.memory_space<vmem_shared>>) target_semaphore(%run_scoped3A : memref<!tpu.dma_semaphore, #tpu.memory_space<semaphore_mem>>)
      %dma_wait3A_134 = arith.constant 0 : i32
      %dma_wait3A_135 = tpu.memref_slice %arg11[%mul3A_2, %dma_wait3A_134] : memref<10112x128xf32, #tpu.memory_space<vmem_shared>> -> memref<632x128xf32, #tpu.memory_space<vmem_shared>>
      %dma_wait3A_136 = arith.constant 0 : i32
      %dma_wait3A_137 = arith.constant 0 : i32
      %dma_wait3A_138 = tpu.memref_slice %arg5[%dma_wait3A_136, %dma_wait3A_137] : memref<632x128xf32, #tpu.memory_space<hbm>> -> memref<632x128xf32, #tpu.memory_space<hbm>>
      tpu.wait_dma2 semaphore(%run_scoped3A : memref<!tpu.dma_semaphore, #tpu.memory_space<semaphore_mem>>) src(%dma_wait3A_138 : memref<632x128xf32, #tpu.memory_space<hbm>>) dst(%dma_wait3A_135 : memref<632x128xf32, #tpu.memory_space<vmem_shared>>)
      tpu.yield
    }) : () -> ()
    %barrier3A = arith.constant 0 : index
    tpu.barrier barrier_id(%barrier3A)
    "tpu.region"() ({
      %run_scoped3A = tpu.sem_alloc : memref<!tpu.dma_semaphore, #tpu.memory_space<semaphore_mem>>
      %dma_start3A_129 = arith.constant 0 : i32
      %dma_start3A_130 = arith.constant 0 : i32
      %dma_start3A_131 = tpu.memref_slice %arg3[%add3A, %dma_start3A_129, %dma_start3A_130] : memref<32x80x128xi32, #tpu.memory_space<hbm>> -> memref<1x40x128xi32, #tpu.memory_space<hbm>>
      %dma_start3A_132 = tpu.memref_squeeze %dma_start3A_131 : memref<1x40x128xi32, #tpu.memory_space<hbm>> -> memref<40x128xi32, #tpu.memory_space<hbm>>
      %dma_start3A_133 = arith.constant 0 : i32
      %dma_start3A_134 = arith.constant 0 : i32
      %dma_start3A_135 = tpu.memref_slice %arg3[%add3A, %dma_start3A_133, %dma_start3A_134] : memref<32x80x128xi32, #tpu.memory_space<hbm>> -> memref<1x40x128xi32, #tpu.memory_space<hbm>>
      %dma_start3A_136 = tpu.memref_squeeze %dma_start3A_135 : memref<1x40x128xi32, #tpu.memory_space<hbm>> -> memref<40x128xi32, #tpu.memory_space<hbm>>
      tpu.enqueue_dma source(%dma_start3A_136 : memref<40x128xi32, #tpu.memory_space<hbm>>) target(%arg7 : memref<40x128xi32, #tpu.memory_space<vmem>>) target_semaphore(%run_scoped3A : memref<!tpu.dma_semaphore, #tpu.memory_space<semaphore_mem>>)
      %dma_wait3A_137 = arith.constant 0 : i32
      %dma_wait3A_138 = arith.constant 0 : i32
      %dma_wait3A_139 = tpu.memref_slice %arg3[%add3A, %dma_wait3A_137, %dma_wait3A_138] : memref<32x80x128xi32, #tpu.memory_space<hbm>> -> memref<1x40x128xi32, #tpu.memory_space<hbm>>
      %dma_wait3A_140 = tpu.memref_squeeze %dma_wait3A_139 : memref<1x40x128xi32, #tpu.memory_space<hbm>> -> memref<40x128xi32, #tpu.memory_space<hbm>>
      %dma_wait3A_141 = arith.constant 0 : i32
      %dma_wait3A_142 = arith.constant 0 : i32
      %dma_wait3A_143 = tpu.memref_slice %arg3[%add3A, %dma_wait3A_141, %dma_wait3A_142] : memref<32x80x128xi32, #tpu.memory_space<hbm>> -> memref<1x40x128xi32, #tpu.memory_space<hbm>>
      %dma_wait3A_144 = tpu.memref_squeeze %dma_wait3A_143 : memref<1x40x128xi32, #tpu.memory_space<hbm>> -> memref<40x128xi32, #tpu.memory_space<hbm>>
      tpu.wait_dma2 semaphore(%run_scoped3A : memref<!tpu.dma_semaphore, #tpu.memory_space<semaphore_mem>>) src(%dma_wait3A_144 : memref<40x128xi32, #tpu.memory_space<hbm>>) dst(%arg7 : memref<40x128xi32, #tpu.memory_space<vmem>>)
      tpu.yield
    }) : () -> ()
    "tpu.region"() ({
      %run_scoped3A = tpu.sem_alloc : memref<!tpu.dma_semaphore, #tpu.memory_space<semaphore_mem>>
      %dma_start3A_129 = arith.constant 0 : i32
      %dma_start3A_130 = arith.constant 0 : i32
      %dma_start3A_131 = tpu.memref_slice %arg4[%add3A, %dma_start3A_129, %dma_start3A_130] : memref<32x80x128xi32, #tpu.memory_space<hbm>> -> memref<1x40x128xi32, #tpu.memory_space<hbm>>
      %dma_start3A_132 = tpu.memref_squeeze %dma_start3A_131 : memref<1x40x128xi32, #tpu.memory_space<hbm>> -> memref<40x128xi32, #tpu.memory_space<hbm>>
      %dma_start3A_133 = arith.constant 0 : i32
      %dma_start3A_134 = arith.constant 0 : i32
      %dma_start3A_135 = tpu.memref_slice %arg4[%add3A, %dma_start3A_133, %dma_start3A_134] : memref<32x80x128xi32, #tpu.memory_space<hbm>> -> memref<1x40x128xi32, #tpu.memory_space<hbm>>
      %dma_start3A_136 = tpu.memref_squeeze %dma_start3A_135 : memref<1x40x128xi32, #tpu.memory_space<hbm>> -> memref<40x128xi32, #tpu.memory_space<hbm>>
      tpu.enqueue_dma source(%dma_start3A_136 : memref<40x128xi32, #tpu.memory_space<hbm>>) target(%arg8 : memref<40x128xi32, #tpu.memory_space<vmem>>) target_semaphore(%run_scoped3A : memref<!tpu.dma_semaphore, #tpu.memory_space<semaphore_mem>>)
      %dma_wait3A_137 = arith.constant 0 : i32
      %dma_wait3A_138 = arith.constant 0 : i32
      %dma_wait3A_139 = tpu.memref_slice %arg4[%add3A, %dma_wait3A_137, %dma_wait3A_138] : memref<32x80x128xi32, #tpu.memory_space<hbm>> -> memref<1x40x128xi32, #tpu.memory_space<hbm>>
      %dma_wait3A_140 = tpu.memref_squeeze %dma_wait3A_139 : memref<1x40x128xi32, #tpu.memory_space<hbm>> -> memref<40x128xi32, #tpu.memory_space<hbm>>
      %dma_wait3A_141 = arith.constant 0 : i32
      %dma_wait3A_142 = arith.constant 0 : i32
      %dma_wait3A_143 = tpu.memref_slice %arg4[%add3A, %dma_wait3A_141, %dma_wait3A_142] : memref<32x80x128xi32, #tpu.memory_space<hbm>> -> memref<1x40x128xi32, #tpu.memory_space<hbm>>
      %dma_wait3A_144 = tpu.memref_squeeze %dma_wait3A_143 : memref<1x40x128xi32, #tpu.memory_space<hbm>> -> memref<40x128xi32, #tpu.memory_space<hbm>>
      tpu.wait_dma2 semaphore(%run_scoped3A : memref<!tpu.dma_semaphore, #tpu.memory_space<semaphore_mem>>) src(%dma_wait3A_144 : memref<40x128xi32, #tpu.memory_space<hbm>>) dst(%arg8 : memref<40x128xi32, #tpu.memory_space<vmem>>)
      tpu.yield
    }) : () -> ()
    %dma_start3A = arith.constant 0 : i32
    %dma_start3A_3 = arith.constant 0 : i32
    %dma_start3A_4 = tpu.memref_slice %arg7[%dma_start3A, %dma_start3A_3] : memref<40x128xi32, #tpu.memory_space<vmem>> -> memref<1x128xi32, #tpu.memory_space<vmem>>
    %dma_start3A_5 = tpu.memref_squeeze %dma_start3A_4 : memref<1x128xi32, #tpu.memory_space<vmem>> -> memref<128xi32, #tpu.memory_space<vmem>>
    %dma_start3A_6 = arith.constant 0 : i32
    %dma_start3A_7 = arith.constant 0 : i32
    %dma_start3A_8 = tpu.memref_slice %arg2[%dma_start3A_6, %dma_start3A_7] : memref<10112x128xf32, #tpu.memory_space<hbm>> -> memref<10112x128xf32, #tpu.memory_space<hbm>>
    tpu.enqueue_indirect_dma source(%dma_start3A_8 : memref<10112x128xf32, #tpu.memory_space<hbm>>) target(%arg9 : memref<128x128xf32, #tpu.memory_space<vmem>>) offsets(%dma_start3A_5 : memref<128xi32, #tpu.memory_space<vmem>>) semaphore(%arg14 : memref<!tpu.dma_semaphore, #tpu.memory_space<semaphore_mem>>)
    %dma_start3A_9 = arith.constant 1 : i32
    %dma_start3A_10 = arith.constant 0 : i32
    %dma_start3A_11 = tpu.memref_slice %arg7[%dma_start3A_9, %dma_start3A_10] : memref<40x128xi32, #tpu.memory_space<vmem>> -> memref<1x128xi32, #tpu.memory_space<vmem>>
    %dma_start3A_12 = tpu.memref_squeeze %dma_start3A_11 : memref<1x128xi32, #tpu.memory_space<vmem>> -> memref<128xi32, #tpu.memory_space<vmem>>
    %dma_start3A_13 = arith.constant 0 : i32
    %dma_start3A_14 = arith.constant 0 : i32
    %dma_start3A_15 = tpu.memref_slice %arg2[%dma_start3A_13, %dma_start3A_14] : memref<10112x128xf32, #tpu.memory_space<hbm>> -> memref<10112x128xf32, #tpu.memory_space<hbm>>
    tpu.enqueue_indirect_dma source(%dma_start3A_15 : memref<10112x128xf32, #tpu.memory_space<hbm>>) target(%arg10 : memref<128x128xf32, #tpu.memory_space<vmem>>) offsets(%dma_start3A_12 : memref<128xi32, #tpu.memory_space<vmem>>) semaphore(%arg15 : memref<!tpu.dma_semaphore, #tpu.memory_space<semaphore_mem>>)
    %scan3A = arith.constant 0 : i32
    %scan3A_16 = arith.constant 0 : i32
    %scan3A_17 = arith.constant 19 : i32
    %scan3A_18 = arith.addi %scan3A_16, %scan3A_17 : i32
    %scan3A_19 = arith.constant 1 : i32
    scf.for %scan3A_129 = %scan3A_16 to %scan3A_18 step %scan3A_19  : i32 {
      %mul3A_130 = arith.constant 2 : i32
      %mul3A_131 = arith.muli %mul3A_130, %scan3A_129 : i32
      %dma_wait3A_132 = arith.constant 0 : i32
      %dma_wait3A_133 = tpu.memref_slice %arg7[%mul3A_131, %dma_wait3A_132] : memref<40x128xi32, #tpu.memory_space<vmem>> -> memref<1x128xi32, #tpu.memory_space<vmem>>
      %dma_wait3A_134 = tpu.memref_squeeze %dma_wait3A_133 : memref<1x128xi32, #tpu.memory_space<vmem>> -> memref<128xi32, #tpu.memory_space<vmem>>
      %dma_wait3A_135 = arith.constant 0 : i32
      %dma_wait3A_136 = arith.constant 0 : i32
      %dma_wait3A_137 = tpu.memref_slice %arg2[%dma_wait3A_135, %dma_wait3A_136] : memref<10112x128xf32, #tpu.memory_space<hbm>> -> memref<10112x128xf32, #tpu.memory_space<hbm>>
      tpu.wait_indirect_dma semaphore(%arg14 : memref<!tpu.dma_semaphore, #tpu.memory_space<semaphore_mem>>) src(%dma_wait3A_137 : memref<10112x128xf32, #tpu.memory_space<hbm>>) dst(%arg9 : memref<128x128xf32, #tpu.memory_space<vmem>>)
      %dma_start3A_138 = arith.constant 0 : i32
      %dma_start3A_139 = tpu.memref_slice %arg8[%mul3A_131, %dma_start3A_138] : memref<40x128xi32, #tpu.memory_space<vmem>> -> memref<1x128xi32, #tpu.memory_space<vmem>>
      %dma_start3A_140 = tpu.memref_squeeze %dma_start3A_139 : memref<1x128xi32, #tpu.memory_space<vmem>> -> memref<128xi32, #tpu.memory_space<vmem>>
      %dma_start3A_141 = arith.constant 0 : i32
      %dma_start3A_142 = arith.constant 0 : i32
      %dma_start3A_143 = tpu.memref_slice %arg11[%dma_start3A_141, %dma_start3A_142] : memref<10112x128xf32, #tpu.memory_space<vmem_shared>> -> memref<10112x128xf32, #tpu.memory_space<vmem_shared>>
      tpu.enqueue_indirect_dma source(%arg9 : memref<128x128xf32, #tpu.memory_space<vmem>>) target(%dma_start3A_143 : memref<10112x128xf32, #tpu.memory_space<vmem_shared>>) offsets(%dma_start3A_140 : memref<128xi32, #tpu.memory_space<vmem>>) semaphore(%arg12 : memref<!tpu.dma_semaphore, #tpu.memory_space<semaphore_mem>>) {add = true}
      %add3A_144 = arith.constant 1 : i32
      %add3A_145 = arith.addi %mul3A_131, %add3A_144 : i32
      %dma_wait3A_146 = arith.constant 0 : i32
      %dma_wait3A_147 = tpu.memref_slice %arg7[%add3A_145, %dma_wait3A_146] : memref<40x128xi32, #tpu.memory_space<vmem>> -> memref<1x128xi32, #tpu.memory_space<vmem>>
      %dma_wait3A_148 = tpu.memref_squeeze %dma_wait3A_147 : memref<1x128xi32, #tpu.memory_space<vmem>> -> memref<128xi32, #tpu.memory_space<vmem>>
      %dma_wait3A_149 = arith.constant 0 : i32
      %dma_wait3A_150 = arith.constant 0 : i32
      %dma_wait3A_151 = tpu.memref_slice %arg2[%dma_wait3A_149, %dma_wait3A_150] : memref<10112x128xf32, #tpu.memory_space<hbm>> -> memref<10112x128xf32, #tpu.memory_space<hbm>>
      tpu.wait_indirect_dma semaphore(%arg15 : memref<!tpu.dma_semaphore, #tpu.memory_space<semaphore_mem>>) src(%dma_wait3A_151 : memref<10112x128xf32, #tpu.memory_space<hbm>>) dst(%arg10 : memref<128x128xf32, #tpu.memory_space<vmem>>)
      %add3A_152 = arith.constant 1 : i32
      %add3A_153 = arith.addi %mul3A_131, %add3A_152 : i32
      %dma_start3A_154 = arith.constant 0 : i32
      %dma_start3A_155 = tpu.memref_slice %arg8[%add3A_153, %dma_start3A_154] : memref<40x128xi32, #tpu.memory_space<vmem>> -> memref<1x128xi32, #tpu.memory_space<vmem>>
      %dma_start3A_156 = tpu.memref_squeeze %dma_start3A_155 : memref<1x128xi32, #tpu.memory_space<vmem>> -> memref<128xi32, #tpu.memory_space<vmem>>
      %dma_start3A_157 = arith.constant 0 : i32
      %dma_start3A_158 = arith.constant 0 : i32
      %dma_start3A_159 = tpu.memref_slice %arg11[%dma_start3A_157, %dma_start3A_158] : memref<10112x128xf32, #tpu.memory_space<vmem_shared>> -> memref<10112x128xf32, #tpu.memory_space<vmem_shared>>
      tpu.enqueue_indirect_dma source(%arg10 : memref<128x128xf32, #tpu.memory_space<vmem>>) target(%dma_start3A_159 : memref<10112x128xf32, #tpu.memory_space<vmem_shared>>) offsets(%dma_start3A_156 : memref<128xi32, #tpu.memory_space<vmem>>) semaphore(%arg13 : memref<!tpu.dma_semaphore, #tpu.memory_space<semaphore_mem>>) {add = true}
      %dma_wait3A_160 = arith.constant 0 : i32
      %dma_wait3A_161 = tpu.memref_slice %arg8[%mul3A_131, %dma_wait3A_160] : memref<40x128xi32, #tpu.memory_space<vmem>> -> memref<1x128xi32, #tpu.memory_space<vmem>>
      %dma_wait3A_162 = tpu.memref_squeeze %dma_wait3A_161 : memref<1x128xi32, #tpu.memory_space<vmem>> -> memref<128xi32, #tpu.memory_space<vmem>>
      %dma_wait3A_163 = arith.constant 0 : i32
      %dma_wait3A_164 = arith.constant 0 : i32
      %dma_wait3A_165 = tpu.memref_slice %arg11[%dma_wait3A_163, %dma_wait3A_164] : memref<10112x128xf32, #tpu.memory_space<vmem_shared>> -> memref<10112x128xf32, #tpu.memory_space<vmem_shared>>
      tpu.wait_indirect_dma semaphore(%arg12 : memref<!tpu.dma_semaphore, #tpu.memory_space<semaphore_mem>>) src(%arg9 : memref<128x128xf32, #tpu.memory_space<vmem>>) dst(%dma_wait3A_165 : memref<10112x128xf32, #tpu.memory_space<vmem_shared>>)
      %add3A_166 = arith.constant 2 : i32
      %add3A_167 = arith.addi %mul3A_131, %add3A_166 : i32
      %dma_start3A_168 = arith.constant 0 : i32
      %dma_start3A_169 = tpu.memref_slice %arg7[%add3A_167, %dma_start3A_168] : memref<40x128xi32, #tpu.memory_space<vmem>> -> memref<1x128xi32, #tpu.memory_space<vmem>>
      %dma_start3A_170 = tpu.memref_squeeze %dma_start3A_169 : memref<1x128xi32, #tpu.memory_space<vmem>> -> memref<128xi32, #tpu.memory_space<vmem>>
      %dma_start3A_171 = arith.constant 0 : i32
      %dma_start3A_172 = arith.constant 0 : i32
      %dma_start3A_173 = tpu.memref_slice %arg2[%dma_start3A_171, %dma_start3A_172] : memref<10112x128xf32, #tpu.memory_space<hbm>> -> memref<10112x128xf32, #tpu.memory_space<hbm>>
      tpu.enqueue_indirect_dma source(%dma_start3A_173 : memref<10112x128xf32, #tpu.memory_space<hbm>>) target(%arg9 : memref<128x128xf32, #tpu.memory_space<vmem>>) offsets(%dma_start3A_170 : memref<128xi32, #tpu.memory_space<vmem>>) semaphore(%arg14 : memref<!tpu.dma_semaphore, #tpu.memory_space<semaphore_mem>>)
      %dma_wait3A_174 = arith.constant 0 : i32
      %dma_wait3A_175 = tpu.memref_slice %arg8[%add3A_153, %dma_wait3A_174] : memref<40x128xi32, #tpu.memory_space<vmem>> -> memref<1x128xi32, #tpu.memory_space<vmem>>
      %dma_wait3A_176 = tpu.memref_squeeze %dma_wait3A_175 : memref<1x128xi32, #tpu.memory_space<vmem>> -> memref<128xi32, #tpu.memory_space<vmem>>
      %dma_wait3A_177 = arith.constant 0 : i32
      %dma_wait3A_178 = arith.constant 0 : i32
      %dma_wait3A_179 = tpu.memref_slice %arg11[%dma_wait3A_177, %dma_wait3A_178] : memref<10112x128xf32, #tpu.memory_space<vmem_shared>> -> memref<10112x128xf32, #tpu.memory_space<vmem_shared>>
      tpu.wait_indirect_dma semaphore(%arg13 : memref<!tpu.dma_semaphore, #tpu.memory_space<semaphore_mem>>) src(%arg10 : memref<128x128xf32, #tpu.memory_space<vmem>>) dst(%dma_wait3A_179 : memref<10112x128xf32, #tpu.memory_space<vmem_shared>>)
      %add3A_180 = arith.constant 3 : i32
      %add3A_181 = arith.addi %mul3A_131, %add3A_180 : i32
      %dma_start3A_182 = arith.constant 0 : i32
      %dma_start3A_183 = tpu.memref_slice %arg7[%add3A_181, %dma_start3A_182] : memref<40x128xi32, #tpu.memory_space<vmem>> -> memref<1x128xi32, #tpu.memory_space<vmem>>
      %dma_start3A_184 = tpu.memref_squeeze %dma_start3A_183 : memref<1x128xi32, #tpu.memory_space<vmem>> -> memref<128xi32, #tpu.memory_space<vmem>>
      %dma_start3A_185 = arith.constant 0 : i32
      %dma_start3A_186 = arith.constant 0 : i32
      %dma_start3A_187 = tpu.memref_slice %arg2[%dma_start3A_185, %dma_start3A_186] : memref<10112x128xf32, #tpu.memory_space<hbm>> -> memref<10112x128xf32, #tpu.memory_space<hbm>>
      tpu.enqueue_indirect_dma source(%dma_start3A_187 : memref<10112x128xf32, #tpu.memory_space<hbm>>) target(%arg10 : memref<128x128xf32, #tpu.memory_space<vmem>>) offsets(%dma_start3A_184 : memref<128xi32, #tpu.memory_space<vmem>>) semaphore(%arg15 : memref<!tpu.dma_semaphore, #tpu.memory_space<semaphore_mem>>)
    }
    %scan3A_20 = arith.constant 19 : i32
    %dma_wait3A = arith.constant 38 : i32
    %dma_wait3A_21 = arith.constant 0 : i32
    %dma_wait3A_22 = tpu.memref_slice %arg7[%dma_wait3A, %dma_wait3A_21] : memref<40x128xi32, #tpu.memory_space<vmem>> -> memref<1x128xi32, #tpu.memory_space<vmem>>
    %dma_wait3A_23 = tpu.memref_squeeze %dma_wait3A_22 : memref<1x128xi32, #tpu.memory_space<vmem>> -> memref<128xi32, #tpu.memory_space<vmem>>
    %dma_wait3A_24 = arith.constant 0 : i32
    %dma_wait3A_25 = arith.constant 0 : i32
    %dma_wait3A_26 = tpu.memref_slice %arg2[%dma_wait3A_24, %dma_wait3A_25] : memref<10112x128xf32, #tpu.memory_space<hbm>> -> memref<10112x128xf32, #tpu.memory_space<hbm>>
    tpu.wait_indirect_dma semaphore(%arg14 : memref<!tpu.dma_semaphore, #tpu.memory_space<semaphore_mem>>) src(%dma_wait3A_26 : memref<10112x128xf32, #tpu.memory_space<hbm>>) dst(%arg9 : memref<128x128xf32, #tpu.memory_space<vmem>>)
    %dma_start3A_27 = arith.constant 38 : i32
    %dma_start3A_28 = arith.constant 0 : i32
    %dma_start3A_29 = tpu.memref_slice %arg8[%dma_start3A_27, %dma_start3A_28] : memref<40x128xi32, #tpu.memory_space<vmem>> -> memref<1x128xi32, #tpu.memory_space<vmem>>
    %dma_start3A_30 = tpu.memref_squeeze %dma_start3A_29 : memref<1x128xi32, #tpu.memory_space<vmem>> -> memref<128xi32, #tpu.memory_space<vmem>>
    %dma_start3A_31 = arith.constant 0 : i32
    %dma_start3A_32 = arith.constant 0 : i32
    %dma_start3A_33 = tpu.memref_slice %arg11[%dma_start3A_31, %dma_start3A_32] : memref<10112x128xf32, #tpu.memory_space<vmem_shared>> -> memref<10112x128xf32, #tpu.memory_space<vmem_shared>>
    tpu.enqueue_indirect_dma source(%arg9 : memref<128x128xf32, #tpu.memory_space<vmem>>) target(%dma_start3A_33 : memref<10112x128xf32, #tpu.memory_space<vmem_shared>>) offsets(%dma_start3A_30 : memref<128xi32, #tpu.memory_space<vmem>>) semaphore(%arg12 : memref<!tpu.dma_semaphore, #tpu.memory_space<semaphore_mem>>) {add = true}
    %dma_wait3A_34 = arith.constant 39 : i32
    %dma_wait3A_35 = arith.constant 0 : i32
    %dma_wait3A_36 = tpu.memref_slice %arg7[%dma_wait3A_34, %dma_wait3A_35] : memref<40x128xi32, #tpu.memory_space<vmem>> -> memref<1x128xi32, #tpu.memory_space<vmem>>
    %dma_wait3A_37 = tpu.memref_squeeze %dma_wait3A_36 : memref<1x128xi32, #tpu.memory_space<vmem>> -> memref<128xi32, #tpu.memory_space<vmem>>
    %dma_wait3A_38 = arith.constant 0 : i32
    %dma_wait3A_39 = arith.constant 0 : i32
    %dma_wait3A_40 = tpu.memref_slice %arg2[%dma_wait3A_38, %dma_wait3A_39] : memref<10112x128xf32, #tpu.memory_space<hbm>> -> memref<10112x128xf32, #tpu.memory_space<hbm>>
    tpu.wait_indirect_dma semaphore(%arg15 : memref<!tpu.dma_semaphore, #tpu.memory_space<semaphore_mem>>) src(%dma_wait3A_40 : memref<10112x128xf32, #tpu.memory_space<hbm>>) dst(%arg10 : memref<128x128xf32, #tpu.memory_space<vmem>>)
    %dma_start3A_41 = arith.constant 39 : i32
    %dma_start3A_42 = arith.constant 0 : i32
    %dma_start3A_43 = tpu.memref_slice %arg8[%dma_start3A_41, %dma_start3A_42] : memref<40x128xi32, #tpu.memory_space<vmem>> -> memref<1x128xi32, #tpu.memory_space<vmem>>
    %dma_start3A_44 = tpu.memref_squeeze %dma_start3A_43 : memref<1x128xi32, #tpu.memory_space<vmem>> -> memref<128xi32, #tpu.memory_space<vmem>>
    %dma_start3A_45 = arith.constant 0 : i32
    %dma_start3A_46 = arith.constant 0 : i32
    %dma_start3A_47 = tpu.memref_slice %arg11[%dma_start3A_45, %dma_start3A_46] : memref<10112x128xf32, #tpu.memory_space<vmem_shared>> -> memref<10112x128xf32, #tpu.memory_space<vmem_shared>>
    tpu.enqueue_indirect_dma source(%arg10 : memref<128x128xf32, #tpu.memory_space<vmem>>) target(%dma_start3A_47 : memref<10112x128xf32, #tpu.memory_space<vmem_shared>>) offsets(%dma_start3A_44 : memref<128xi32, #tpu.memory_space<vmem>>) semaphore(%arg13 : memref<!tpu.dma_semaphore, #tpu.memory_space<semaphore_mem>>) {add = true}
    %dma_wait3A_48 = arith.constant 38 : i32
    %dma_wait3A_49 = arith.constant 0 : i32
    %dma_wait3A_50 = tpu.memref_slice %arg8[%dma_wait3A_48, %dma_wait3A_49] : memref<40x128xi32, #tpu.memory_space<vmem>> -> memref<1x128xi32, #tpu.memory_space<vmem>>
    %dma_wait3A_51 = tpu.memref_squeeze %dma_wait3A_50 : memref<1x128xi32, #tpu.memory_space<vmem>> -> memref<128xi32, #tpu.memory_space<vmem>>
    %dma_wait3A_52 = arith.constant 0 : i32
    %dma_wait3A_53 = arith.constant 0 : i32
    %dma_wait3A_54 = tpu.memref_slice %arg11[%dma_wait3A_52, %dma_wait3A_53] : memref<10112x128xf32, #tpu.memory_space<vmem_shared>> -> memref<10112x128xf32, #tpu.memory_space<vmem_shared>>
    tpu.wait_indirect_dma semaphore(%arg12 : memref<!tpu.dma_semaphore, #tpu.memory_space<semaphore_mem>>) src(%arg9 : memref<128x128xf32, #tpu.memory_space<vmem>>) dst(%dma_wait3A_54 : memref<10112x128xf32, #tpu.memory_space<vmem_shared>>)
    %dma_wait3A_55 = arith.constant 39 : i32
    %dma_wait3A_56 = arith.constant 0 : i32
    %dma_wait3A_57 = tpu.memref_slice %arg8[%dma_wait3A_55, %dma_wait3A_56] : memref<40x128xi32, #tpu.memory_space<vmem>> -> memref<1x128xi32, #tpu.memory_space<vmem>>
    %dma_wait3A_58 = tpu.memref_squeeze %dma_wait3A_57 : memref<1x128xi32, #tpu.memory_space<vmem>> -> memref<128xi32, #tpu.memory_space<vmem>>
    %dma_wait3A_59 = arith.constant 0 : i32
    %dma_wait3A_60 = arith.constant 0 : i32
    %dma_wait3A_61 = tpu.memref_slice %arg11[%dma_wait3A_59, %dma_wait3A_60] : memref<10112x128xf32, #tpu.memory_space<vmem_shared>> -> memref<10112x128xf32, #tpu.memory_space<vmem_shared>>
    tpu.wait_indirect_dma semaphore(%arg13 : memref<!tpu.dma_semaphore, #tpu.memory_space<semaphore_mem>>) src(%arg10 : memref<128x128xf32, #tpu.memory_space<vmem>>) dst(%dma_wait3A_61 : memref<10112x128xf32, #tpu.memory_space<vmem_shared>>)
    "tpu.region"() ({
      %run_scoped3A = tpu.sem_alloc : memref<!tpu.dma_semaphore, #tpu.memory_space<semaphore_mem>>
      %dma_start3A_129 = arith.constant 40 : i32
      %dma_start3A_130 = arith.constant 0 : i32
      %dma_start3A_131 = tpu.memref_slice %arg3[%add3A, %dma_start3A_129, %dma_start3A_130] : memref<32x80x128xi32, #tpu.memory_space<hbm>> -> memref<1x40x128xi32, #tpu.memory_space<hbm>>
      %dma_start3A_132 = tpu.memref_squeeze %dma_start3A_131 : memref<1x40x128xi32, #tpu.memory_space<hbm>> -> memref<40x128xi32, #tpu.memory_space<hbm>>
      %dma_start3A_133 = arith.constant 40 : i32
      %dma_start3A_134 = arith.constant 0 : i32
      %dma_start3A_135 = tpu.memref_slice %arg3[%add3A, %dma_start3A_133, %dma_start3A_134] : memref<32x80x128xi32, #tpu.memory_space<hbm>> -> memref<1x40x128xi32, #tpu.memory_space<hbm>>
      %dma_start3A_136 = tpu.memref_squeeze %dma_start3A_135 : memref<1x40x128xi32, #tpu.memory_space<hbm>> -> memref<40x128xi32, #tpu.memory_space<hbm>>
      tpu.enqueue_dma source(%dma_start3A_136 : memref<40x128xi32, #tpu.memory_space<hbm>>) target(%arg7 : memref<40x128xi32, #tpu.memory_space<vmem>>) target_semaphore(%run_scoped3A : memref<!tpu.dma_semaphore, #tpu.memory_space<semaphore_mem>>)
      %dma_wait3A_137 = arith.constant 40 : i32
      %dma_wait3A_138 = arith.constant 0 : i32
      %dma_wait3A_139 = tpu.memref_slice %arg3[%add3A, %dma_wait3A_137, %dma_wait3A_138] : memref<32x80x128xi32, #tpu.memory_space<hbm>> -> memref<1x40x128xi32, #tpu.memory_space<hbm>>
      %dma_wait3A_140 = tpu.memref_squeeze %dma_wait3A_139 : memref<1x40x128xi32, #tpu.memory_space<hbm>> -> memref<40x128xi32, #tpu.memory_space<hbm>>
      %dma_wait3A_141 = arith.constant 40 : i32
      %dma_wait3A_142 = arith.constant 0 : i32
      %dma_wait3A_143 = tpu.memref_slice %arg3[%add3A, %dma_wait3A_141, %dma_wait3A_142] : memref<32x80x128xi32, #tpu.memory_space<hbm>> -> memref<1x40x128xi32, #tpu.memory_space<hbm>>
      %dma_wait3A_144 = tpu.memref_squeeze %dma_wait3A_143 : memref<1x40x128xi32, #tpu.memory_space<hbm>> -> memref<40x128xi32, #tpu.memory_space<hbm>>
      tpu.wait_dma2 semaphore(%run_scoped3A : memref<!tpu.dma_semaphore, #tpu.memory_space<semaphore_mem>>) src(%dma_wait3A_144 : memref<40x128xi32, #tpu.memory_space<hbm>>) dst(%arg7 : memref<40x128xi32, #tpu.memory_space<vmem>>)
      tpu.yield
    }) : () -> ()
    "tpu.region"() ({
      %run_scoped3A = tpu.sem_alloc : memref<!tpu.dma_semaphore, #tpu.memory_space<semaphore_mem>>
      %dma_start3A_129 = arith.constant 40 : i32
      %dma_start3A_130 = arith.constant 0 : i32
      %dma_start3A_131 = tpu.memref_slice %arg4[%add3A, %dma_start3A_129, %dma_start3A_130] : memref<32x80x128xi32, #tpu.memory_space<hbm>> -> memref<1x40x128xi32, #tpu.memory_space<hbm>>
      %dma_start3A_132 = tpu.memref_squeeze %dma_start3A_131 : memref<1x40x128xi32, #tpu.memory_space<hbm>> -> memref<40x128xi32, #tpu.memory_space<hbm>>
      %dma_start3A_133 = arith.constant 40 : i32
      %dma_start3A_134 = arith.constant 0 : i32
      %dma_start3A_135 = tpu.memref_slice %arg4[%add3A, %dma_start3A_133, %dma_start3A_134] : memref<32x80x128xi32, #tpu.memory_space<hbm>> -> memref<1x40x128xi32, #tpu.memory_space<hbm>>
      %dma_start3A_136 = tpu.memref_squeeze %dma_start3A_135 : memref<1x40x128xi32, #tpu.memory_space<hbm>> -> memref<40x128xi32, #tpu.memory_space<hbm>>
      tpu.enqueue_dma source(%dma_start3A_136 : memref<40x128xi32, #tpu.memory_space<hbm>>) target(%arg8 : memref<40x128xi32, #tpu.memory_space<vmem>>) target_semaphore(%run_scoped3A : memref<!tpu.dma_semaphore, #tpu.memory_space<semaphore_mem>>)
      %dma_wait3A_137 = arith.constant 40 : i32
      %dma_wait3A_138 = arith.constant 0 : i32
      %dma_wait3A_139 = tpu.memref_slice %arg4[%add3A, %dma_wait3A_137, %dma_wait3A_138] : memref<32x80x128xi32, #tpu.memory_space<hbm>> -> memref<1x40x128xi32, #tpu.memory_space<hbm>>
      %dma_wait3A_140 = tpu.memref_squeeze %dma_wait3A_139 : memref<1x40x128xi32, #tpu.memory_space<hbm>> -> memref<40x128xi32, #tpu.memory_space<hbm>>
      %dma_wait3A_141 = arith.constant 40 : i32
      %dma_wait3A_142 = arith.constant 0 : i32
      %dma_wait3A_143 = tpu.memref_slice %arg4[%add3A, %dma_wait3A_141, %dma_wait3A_142] : memref<32x80x128xi32, #tpu.memory_space<hbm>> -> memref<1x40x128xi32, #tpu.memory_space<hbm>>
      %dma_wait3A_144 = tpu.memref_squeeze %dma_wait3A_143 : memref<1x40x128xi32, #tpu.memory_space<hbm>> -> memref<40x128xi32, #tpu.memory_space<hbm>>
      tpu.wait_dma2 semaphore(%run_scoped3A : memref<!tpu.dma_semaphore, #tpu.memory_space<semaphore_mem>>) src(%dma_wait3A_144 : memref<40x128xi32, #tpu.memory_space<hbm>>) dst(%arg8 : memref<40x128xi32, #tpu.memory_space<vmem>>)
      tpu.yield
    }) : () -> ()
    %dma_start3A_62 = arith.constant 0 : i32
    %dma_start3A_63 = arith.constant 0 : i32
    %dma_start3A_64 = tpu.memref_slice %arg7[%dma_start3A_62, %dma_start3A_63] : memref<40x128xi32, #tpu.memory_space<vmem>> -> memref<1x128xi32, #tpu.memory_space<vmem>>
    %dma_start3A_65 = tpu.memref_squeeze %dma_start3A_64 : memref<1x128xi32, #tpu.memory_space<vmem>> -> memref<128xi32, #tpu.memory_space<vmem>>
    %dma_start3A_66 = arith.constant 0 : i32
    %dma_start3A_67 = arith.constant 0 : i32
    %dma_start3A_68 = tpu.memref_slice %arg2[%dma_start3A_66, %dma_start3A_67] : memref<10112x128xf32, #tpu.memory_space<hbm>> -> memref<10112x128xf32, #tpu.memory_space<hbm>>
    tpu.enqueue_indirect_dma source(%dma_start3A_68 : memref<10112x128xf32, #tpu.memory_space<hbm>>) target(%arg9 : memref<128x128xf32, #tpu.memory_space<vmem>>) offsets(%dma_start3A_65 : memref<128xi32, #tpu.memory_space<vmem>>) semaphore(%arg14 : memref<!tpu.dma_semaphore, #tpu.memory_space<semaphore_mem>>)
    %dma_start3A_69 = arith.constant 1 : i32
    %dma_start3A_70 = arith.constant 0 : i32
    %dma_start3A_71 = tpu.memref_slice %arg7[%dma_start3A_69, %dma_start3A_70] : memref<40x128xi32, #tpu.memory_space<vmem>> -> memref<1x128xi32, #tpu.memory_space<vmem>>
    %dma_start3A_72 = tpu.memref_squeeze %dma_start3A_71 : memref<1x128xi32, #tpu.memory_space<vmem>> -> memref<128xi32, #tpu.memory_space<vmem>>
    %dma_start3A_73 = arith.constant 0 : i32
    %dma_start3A_74 = arith.constant 0 : i32
    %dma_start3A_75 = tpu.memref_slice %arg2[%dma_start3A_73, %dma_start3A_74] : memref<10112x128xf32, #tpu.memory_space<hbm>> -> memref<10112x128xf32, #tpu.memory_space<hbm>>
    tpu.enqueue_indirect_dma source(%dma_start3A_75 : memref<10112x128xf32, #tpu.memory_space<hbm>>) target(%arg10 : memref<128x128xf32, #tpu.memory_space<vmem>>) offsets(%dma_start3A_72 : memref<128xi32, #tpu.memory_space<vmem>>) semaphore(%arg15 : memref<!tpu.dma_semaphore, #tpu.memory_space<semaphore_mem>>)
    %scan3A_76 = arith.constant 0 : i32
    %scan3A_77 = arith.constant 0 : i32
    %scan3A_78 = arith.constant 19 : i32
    %scan3A_79 = arith.addi %scan3A_77, %scan3A_78 : i32
    %scan3A_80 = arith.constant 1 : i32
    scf.for %scan3A_129 = %scan3A_77 to %scan3A_79 step %scan3A_80  : i32 {
      %mul3A_130 = arith.constant 2 : i32
      %mul3A_131 = arith.muli %mul3A_130, %scan3A_129 : i32
      %dma_wait3A_132 = arith.constant 0 : i32
      %dma_wait3A_133 = tpu.memref_slice %arg7[%mul3A_131, %dma_wait3A_132] : memref<40x128xi32, #tpu.memory_space<vmem>> -> memref<1x128xi32, #tpu.memory_space<vmem>>
      %dma_wait3A_134 = tpu.memref_squeeze %dma_wait3A_133 : memref<1x128xi32, #tpu.memory_space<vmem>> -> memref<128xi32, #tpu.memory_space<vmem>>
      %dma_wait3A_135 = arith.constant 0 : i32
      %dma_wait3A_136 = arith.constant 0 : i32
      %dma_wait3A_137 = tpu.memref_slice %arg2[%dma_wait3A_135, %dma_wait3A_136] : memref<10112x128xf32, #tpu.memory_space<hbm>> -> memref<10112x128xf32, #tpu.memory_space<hbm>>
      tpu.wait_indirect_dma semaphore(%arg14 : memref<!tpu.dma_semaphore, #tpu.memory_space<semaphore_mem>>) src(%dma_wait3A_137 : memref<10112x128xf32, #tpu.memory_space<hbm>>) dst(%arg9 : memref<128x128xf32, #tpu.memory_space<vmem>>)
      %dma_start3A_138 = arith.constant 0 : i32
      %dma_start3A_139 = tpu.memref_slice %arg8[%mul3A_131, %dma_start3A_138] : memref<40x128xi32, #tpu.memory_space<vmem>> -> memref<1x128xi32, #tpu.memory_space<vmem>>
      %dma_start3A_140 = tpu.memref_squeeze %dma_start3A_139 : memref<1x128xi32, #tpu.memory_space<vmem>> -> memref<128xi32, #tpu.memory_space<vmem>>
      %dma_start3A_141 = arith.constant 0 : i32
      %dma_start3A_142 = arith.constant 0 : i32
      %dma_start3A_143 = tpu.memref_slice %arg11[%dma_start3A_141, %dma_start3A_142] : memref<10112x128xf32, #tpu.memory_space<vmem_shared>> -> memref<10112x128xf32, #tpu.memory_space<vmem_shared>>
      tpu.enqueue_indirect_dma source(%arg9 : memref<128x128xf32, #tpu.memory_space<vmem>>) target(%dma_start3A_143 : memref<10112x128xf32, #tpu.memory_space<vmem_shared>>) offsets(%dma_start3A_140 : memref<128xi32, #tpu.memory_space<vmem>>) semaphore(%arg12 : memref<!tpu.dma_semaphore, #tpu.memory_space<semaphore_mem>>) {add = true}
      %add3A_144 = arith.constant 1 : i32
      %add3A_145 = arith.addi %mul3A_131, %add3A_144 : i32
      %dma_wait3A_146 = arith.constant 0 : i32
      %dma_wait3A_147 = tpu.memref_slice %arg7[%add3A_145, %dma_wait3A_146] : memref<40x128xi32, #tpu.memory_space<vmem>> -> memref<1x128xi32, #tpu.memory_space<vmem>>
      %dma_wait3A_148 = tpu.memref_squeeze %dma_wait3A_147 : memref<1x128xi32, #tpu.memory_space<vmem>> -> memref<128xi32, #tpu.memory_space<vmem>>
      %dma_wait3A_149 = arith.constant 0 : i32
      %dma_wait3A_150 = arith.constant 0 : i32
      %dma_wait3A_151 = tpu.memref_slice %arg2[%dma_wait3A_149, %dma_wait3A_150] : memref<10112x128xf32, #tpu.memory_space<hbm>> -> memref<10112x128xf32, #tpu.memory_space<hbm>>
      tpu.wait_indirect_dma semaphore(%arg15 : memref<!tpu.dma_semaphore, #tpu.memory_space<semaphore_mem>>) src(%dma_wait3A_151 : memref<10112x128xf32, #tpu.memory_space<hbm>>) dst(%arg10 : memref<128x128xf32, #tpu.memory_space<vmem>>)
      %add3A_152 = arith.constant 1 : i32
      %add3A_153 = arith.addi %mul3A_131, %add3A_152 : i32
      %dma_start3A_154 = arith.constant 0 : i32
      %dma_start3A_155 = tpu.memref_slice %arg8[%add3A_153, %dma_start3A_154] : memref<40x128xi32, #tpu.memory_space<vmem>> -> memref<1x128xi32, #tpu.memory_space<vmem>>
      %dma_start3A_156 = tpu.memref_squeeze %dma_start3A_155 : memref<1x128xi32, #tpu.memory_space<vmem>> -> memref<128xi32, #tpu.memory_space<vmem>>
      %dma_start3A_157 = arith.constant 0 : i32
      %dma_start3A_158 = arith.constant 0 : i32
      %dma_start3A_159 = tpu.memref_slice %arg11[%dma_start3A_157, %dma_start3A_158] : memref<10112x128xf32, #tpu.memory_space<vmem_shared>> -> memref<10112x128xf32, #tpu.memory_space<vmem_shared>>
      tpu.enqueue_indirect_dma source(%arg10 : memref<128x128xf32, #tpu.memory_space<vmem>>) target(%dma_start3A_159 : memref<10112x128xf32, #tpu.memory_space<vmem_shared>>) offsets(%dma_start3A_156 : memref<128xi32, #tpu.memory_space<vmem>>) semaphore(%arg13 : memref<!tpu.dma_semaphore, #tpu.memory_space<semaphore_mem>>) {add = true}
      %dma_wait3A_160 = arith.constant 0 : i32
      %dma_wait3A_161 = tpu.memref_slice %arg8[%mul3A_131, %dma_wait3A_160] : memref<40x128xi32, #tpu.memory_space<vmem>> -> memref<1x128xi32, #tpu.memory_space<vmem>>
      %dma_wait3A_162 = tpu.memref_squeeze %dma_wait3A_161 : memref<1x128xi32, #tpu.memory_space<vmem>> -> memref<128xi32, #tpu.memory_space<vmem>>
      %dma_wait3A_163 = arith.constant 0 : i32
      %dma_wait3A_164 = arith.constant 0 : i32
      %dma_wait3A_165 = tpu.memref_slice %arg11[%dma_wait3A_163, %dma_wait3A_164] : memref<10112x128xf32, #tpu.memory_space<vmem_shared>> -> memref<10112x128xf32, #tpu.memory_space<vmem_shared>>
      tpu.wait_indirect_dma semaphore(%arg12 : memref<!tpu.dma_semaphore, #tpu.memory_space<semaphore_mem>>) src(%arg9 : memref<128x128xf32, #tpu.memory_space<vmem>>) dst(%dma_wait3A_165 : memref<10112x128xf32, #tpu.memory_space<vmem_shared>>)
      %add3A_166 = arith.constant 2 : i32
      %add3A_167 = arith.addi %mul3A_131, %add3A_166 : i32
      %dma_start3A_168 = arith.constant 0 : i32
      %dma_start3A_169 = tpu.memref_slice %arg7[%add3A_167, %dma_start3A_168] : memref<40x128xi32, #tpu.memory_space<vmem>> -> memref<1x128xi32, #tpu.memory_space<vmem>>
      %dma_start3A_170 = tpu.memref_squeeze %dma_start3A_169 : memref<1x128xi32, #tpu.memory_space<vmem>> -> memref<128xi32, #tpu.memory_space<vmem>>
      %dma_start3A_171 = arith.constant 0 : i32
      %dma_start3A_172 = arith.constant 0 : i32
      %dma_start3A_173 = tpu.memref_slice %arg2[%dma_start3A_171, %dma_start3A_172] : memref<10112x128xf32, #tpu.memory_space<hbm>> -> memref<10112x128xf32, #tpu.memory_space<hbm>>
      tpu.enqueue_indirect_dma source(%dma_start3A_173 : memref<10112x128xf32, #tpu.memory_space<hbm>>) target(%arg9 : memref<128x128xf32, #tpu.memory_space<vmem>>) offsets(%dma_start3A_170 : memref<128xi32, #tpu.memory_space<vmem>>) semaphore(%arg14 : memref<!tpu.dma_semaphore, #tpu.memory_space<semaphore_mem>>)
      %dma_wait3A_174 = arith.constant 0 : i32
      %dma_wait3A_175 = tpu.memref_slice %arg8[%add3A_153, %dma_wait3A_174] : memref<40x128xi32, #tpu.memory_space<vmem>> -> memref<1x128xi32, #tpu.memory_space<vmem>>
      %dma_wait3A_176 = tpu.memref_squeeze %dma_wait3A_175 : memref<1x128xi32, #tpu.memory_space<vmem>> -> memref<128xi32, #tpu.memory_space<vmem>>
      %dma_wait3A_177 = arith.constant 0 : i32
      %dma_wait3A_178 = arith.constant 0 : i32
      %dma_wait3A_179 = tpu.memref_slice %arg11[%dma_wait3A_177, %dma_wait3A_178] : memref<10112x128xf32, #tpu.memory_space<vmem_shared>> -> memref<10112x128xf32, #tpu.memory_space<vmem_shared>>
      tpu.wait_indirect_dma semaphore(%arg13 : memref<!tpu.dma_semaphore, #tpu.memory_space<semaphore_mem>>) src(%arg10 : memref<128x128xf32, #tpu.memory_space<vmem>>) dst(%dma_wait3A_179 : memref<10112x128xf32, #tpu.memory_space<vmem_shared>>)
      %add3A_180 = arith.constant 3 : i32
      %add3A_181 = arith.addi %mul3A_131, %add3A_180 : i32
      %dma_start3A_182 = arith.constant 0 : i32
      %dma_start3A_183 = tpu.memref_slice %arg7[%add3A_181, %dma_start3A_182] : memref<40x128xi32, #tpu.memory_space<vmem>> -> memref<1x128xi32, #tpu.memory_space<vmem>>
      %dma_start3A_184 = tpu.memref_squeeze %dma_start3A_183 : memref<1x128xi32, #tpu.memory_space<vmem>> -> memref<128xi32, #tpu.memory_space<vmem>>
      %dma_start3A_185 = arith.constant 0 : i32
      %dma_start3A_186 = arith.constant 0 : i32
      %dma_start3A_187 = tpu.memref_slice %arg2[%dma_start3A_185, %dma_start3A_186] : memref<10112x128xf32, #tpu.memory_space<hbm>> -> memref<10112x128xf32, #tpu.memory_space<hbm>>
      tpu.enqueue_indirect_dma source(%dma_start3A_187 : memref<10112x128xf32, #tpu.memory_space<hbm>>) target(%arg10 : memref<128x128xf32, #tpu.memory_space<vmem>>) offsets(%dma_start3A_184 : memref<128xi32, #tpu.memory_space<vmem>>) semaphore(%arg15 : memref<!tpu.dma_semaphore, #tpu.memory_space<semaphore_mem>>)
    }
    %scan3A_81 = arith.constant 19 : i32
    %dma_wait3A_82 = arith.constant 38 : i32
    %dma_wait3A_83 = arith.constant 0 : i32
    %dma_wait3A_84 = tpu.memref_slice %arg7[%dma_wait3A_82, %dma_wait3A_83] : memref<40x128xi32, #tpu.memory_space<vmem>> -> memref<1x128xi32, #tpu.memory_space<vmem>>
    %dma_wait3A_85 = tpu.memref_squeeze %dma_wait3A_84 : memref<1x128xi32, #tpu.memory_space<vmem>> -> memref<128xi32, #tpu.memory_space<vmem>>
    %dma_wait3A_86 = arith.constant 0 : i32
    %dma_wait3A_87 = arith.constant 0 : i32
    %dma_wait3A_88 = tpu.memref_slice %arg2[%dma_wait3A_86, %dma_wait3A_87] : memref<10112x128xf32, #tpu.memory_space<hbm>> -> memref<10112x128xf32, #tpu.memory_space<hbm>>
    tpu.wait_indirect_dma semaphore(%arg14 : memref<!tpu.dma_semaphore, #tpu.memory_space<semaphore_mem>>) src(%dma_wait3A_88 : memref<10112x128xf32, #tpu.memory_space<hbm>>) dst(%arg9 : memref<128x128xf32, #tpu.memory_space<vmem>>)
    %dma_start3A_89 = arith.constant 38 : i32
    %dma_start3A_90 = arith.constant 0 : i32
    %dma_start3A_91 = tpu.memref_slice %arg8[%dma_start3A_89, %dma_start3A_90] : memref<40x128xi32, #tpu.memory_space<vmem>> -> memref<1x128xi32, #tpu.memory_space<vmem>>
    %dma_start3A_92 = tpu.memref_squeeze %dma_start3A_91 : memref<1x128xi32, #tpu.memory_space<vmem>> -> memref<128xi32, #tpu.memory_space<vmem>>
    %dma_start3A_93 = arith.constant 0 : i32
    %dma_start3A_94 = arith.constant 0 : i32
    %dma_start3A_95 = tpu.memref_slice %arg11[%dma_start3A_93, %dma_start3A_94] : memref<10112x128xf32, #tpu.memory_space<vmem_shared>> -> memref<10112x128xf32, #tpu.memory_space<vmem_shared>>
    tpu.enqueue_indirect_dma source(%arg9 : memref<128x128xf32, #tpu.memory_space<vmem>>) target(%dma_start3A_95 : memref<10112x128xf32, #tpu.memory_space<vmem_shared>>) offsets(%dma_start3A_92 : memref<128xi32, #tpu.memory_space<vmem>>) semaphore(%arg12 : memref<!tpu.dma_semaphore, #tpu.memory_space<semaphore_mem>>) {add = true}
    %dma_wait3A_96 = arith.constant 39 : i32
    %dma_wait3A_97 = arith.constant 0 : i32
    %dma_wait3A_98 = tpu.memref_slice %arg7[%dma_wait3A_96, %dma_wait3A_97] : memref<40x128xi32, #tpu.memory_space<vmem>> -> memref<1x128xi32, #tpu.memory_space<vmem>>
    %dma_wait3A_99 = tpu.memref_squeeze %dma_wait3A_98 : memref<1x128xi32, #tpu.memory_space<vmem>> -> memref<128xi32, #tpu.memory_space<vmem>>
    %dma_wait3A_100 = arith.constant 0 : i32
    %dma_wait3A_101 = arith.constant 0 : i32
    %dma_wait3A_102 = tpu.memref_slice %arg2[%dma_wait3A_100, %dma_wait3A_101] : memref<10112x128xf32, #tpu.memory_space<hbm>> -> memref<10112x128xf32, #tpu.memory_space<hbm>>
    tpu.wait_indirect_dma semaphore(%arg15 : memref<!tpu.dma_semaphore, #tpu.memory_space<semaphore_mem>>) src(%dma_wait3A_102 : memref<10112x128xf32, #tpu.memory_space<hbm>>) dst(%arg10 : memref<128x128xf32, #tpu.memory_space<vmem>>)
    %dma_start3A_103 = arith.constant 39 : i32
    %dma_start3A_104 = arith.constant 0 : i32
    %dma_start3A_105 = tpu.memref_slice %arg8[%dma_start3A_103, %dma_start3A_104] : memref<40x128xi32, #tpu.memory_space<vmem>> -> memref<1x128xi32, #tpu.memory_space<vmem>>
    %dma_start3A_106 = tpu.memref_squeeze %dma_start3A_105 : memref<1x128xi32, #tpu.memory_space<vmem>> -> memref<128xi32, #tpu.memory_space<vmem>>
    %dma_start3A_107 = arith.constant 0 : i32
    %dma_start3A_108 = arith.constant 0 : i32
    %dma_start3A_109 = tpu.memref_slice %arg11[%dma_start3A_107, %dma_start3A_108] : memref<10112x128xf32, #tpu.memory_space<vmem_shared>> -> memref<10112x128xf32, #tpu.memory_space<vmem_shared>>
    tpu.enqueue_indirect_dma source(%arg10 : memref<128x128xf32, #tpu.memory_space<vmem>>) target(%dma_start3A_109 : memref<10112x128xf32, #tpu.memory_space<vmem_shared>>) offsets(%dma_start3A_106 : memref<128xi32, #tpu.memory_space<vmem>>) semaphore(%arg13 : memref<!tpu.dma_semaphore, #tpu.memory_space<semaphore_mem>>) {add = true}
    %dma_wait3A_110 = arith.constant 38 : i32
    %dma_wait3A_111 = arith.constant 0 : i32
    %dma_wait3A_112 = tpu.memref_slice %arg8[%dma_wait3A_110, %dma_wait3A_111] : memref<40x128xi32, #tpu.memory_space<vmem>> -> memref<1x128xi32, #tpu.memory_space<vmem>>
    %dma_wait3A_113 = tpu.memref_squeeze %dma_wait3A_112 : memref<1x128xi32, #tpu.memory_space<vmem>> -> memref<128xi32, #tpu.memory_space<vmem>>
    %dma_wait3A_114 = arith.constant 0 : i32
    %dma_wait3A_115 = arith.constant 0 : i32
    %dma_wait3A_116 = tpu.memref_slice %arg11[%dma_wait3A_114, %dma_wait3A_115] : memref<10112x128xf32, #tpu.memory_space<vmem_shared>> -> memref<10112x128xf32, #tpu.memory_space<vmem_shared>>
    tpu.wait_indirect_dma semaphore(%arg12 : memref<!tpu.dma_semaphore, #tpu.memory_space<semaphore_mem>>) src(%arg9 : memref<128x128xf32, #tpu.memory_space<vmem>>) dst(%dma_wait3A_116 : memref<10112x128xf32, #tpu.memory_space<vmem_shared>>)
    %dma_wait3A_117 = arith.constant 39 : i32
    %dma_wait3A_118 = arith.constant 0 : i32
    %dma_wait3A_119 = tpu.memref_slice %arg8[%dma_wait3A_117, %dma_wait3A_118] : memref<40x128xi32, #tpu.memory_space<vmem>> -> memref<1x128xi32, #tpu.memory_space<vmem>>
    %dma_wait3A_120 = tpu.memref_squeeze %dma_wait3A_119 : memref<1x128xi32, #tpu.memory_space<vmem>> -> memref<128xi32, #tpu.memory_space<vmem>>
    %dma_wait3A_121 = arith.constant 0 : i32
    %dma_wait3A_122 = arith.constant 0 : i32
    %dma_wait3A_123 = tpu.memref_slice %arg11[%dma_wait3A_121, %dma_wait3A_122] : memref<10112x128xf32, #tpu.memory_space<vmem_shared>> -> memref<10112x128xf32, #tpu.memory_space<vmem_shared>>
    tpu.wait_indirect_dma semaphore(%arg13 : memref<!tpu.dma_semaphore, #tpu.memory_space<semaphore_mem>>) src(%arg10 : memref<128x128xf32, #tpu.memory_space<vmem>>) dst(%dma_wait3A_123 : memref<10112x128xf32, #tpu.memory_space<vmem_shared>>)
    %barrier3A_124 = arith.constant 0 : index
    tpu.barrier barrier_id(%barrier3A_124)
    %mul3A_125 = arith.constant 632 : i32
    %mul3A_126 = arith.muli %arg1, %mul3A_125 : i32
    %mul3A_127 = arith.constant 632 : i32
    %mul3A_128 = arith.muli %arg1, %mul3A_127 : i32
    "tpu.region"() ({
      %run_scoped3A = tpu.sem_alloc : memref<!tpu.dma_semaphore, #tpu.memory_space<semaphore_mem>>
      %dma_start3A_129 = arith.constant 0 : i32
      %dma_start3A_130 = tpu.memref_slice %arg6[%arg0, %mul3A_128, %dma_start3A_129] : memref<2x10112x128xf32, #tpu.memory_space<hbm>> -> memref<1x632x128xf32, #tpu.memory_space<hbm>>
      %dma_start3A_131 = tpu.memref_squeeze %dma_start3A_130 : memref<1x632x128xf32, #tpu.memory_space<hbm>> -> memref<632x128xf32, #tpu.memory_space<hbm>>
      %dma_start3A_132 = arith.constant 0 : i32
      %dma_start3A_133 = tpu.memref_slice %arg11[%mul3A_126, %dma_start3A_132] : memref<10112x128xf32, #tpu.memory_space<vmem_shared>> -> memref<632x128xf32, #tpu.memory_space<vmem_shared>>
      tpu.enqueue_dma source(%dma_start3A_133 : memref<632x128xf32, #tpu.memory_space<vmem_shared>>) target(%dma_start3A_131 : memref<632x128xf32, #tpu.memory_space<hbm>>) target_semaphore(%run_scoped3A : memref<!tpu.dma_semaphore, #tpu.memory_space<semaphore_mem>>)
      %dma_wait3A_134 = arith.constant 0 : i32
      %dma_wait3A_135 = tpu.memref_slice %arg6[%arg0, %mul3A_128, %dma_wait3A_134] : memref<2x10112x128xf32, #tpu.memory_space<hbm>> -> memref<1x632x128xf32, #tpu.memory_space<hbm>>
      %dma_wait3A_136 = tpu.memref_squeeze %dma_wait3A_135 : memref<1x632x128xf32, #tpu.memory_space<hbm>> -> memref<632x128xf32, #tpu.memory_space<hbm>>
      %dma_wait3A_137 = arith.constant 0 : i32
      %dma_wait3A_138 = tpu.memref_slice %arg11[%mul3A_126, %dma_wait3A_137] : memref<10112x128xf32, #tpu.memory_space<vmem_shared>> -> memref<632x128xf32, #tpu.memory_space<vmem_shared>>
      tpu.wait_dma2 semaphore(%run_scoped3A : memref<!tpu.dma_semaphore, #tpu.memory_space<semaphore_mem>>) src(%dma_wait3A_138 : memref<632x128xf32, #tpu.memory_space<vmem_shared>>) dst(%dma_wait3A_136 : memref<632x128xf32, #tpu.memory_space<hbm>>)
      tpu.yield
    }) : () -> ()
    return
  }
}

#map = affine_map<(d0, d1) -> (0, 0)>
#map1 = affine_map<(d0, d1) -> (0, 0, 0)>
module attributes {stable_mosaic.version = 14 : i64} {
  func.func @k(%arg0: i32, %arg1: i32, %arg2: memref<10112x128xf32, #tpu.memory_space<hbm>>, %arg3: memref<32x80x128xi32, #tpu.memory_space<hbm>>, %arg4: memref<32x80x128xi32, #tpu.memory_space<hbm>>, %arg5: memref<632x128xf32, #tpu.memory_space<hbm>>, %arg6: memref<2x10112x128xf32, #tpu.memory_space<hbm>>, %arg7: memref<40x128xi32, #tpu.memory_space<vmem>>, %arg8: memref<40x128xi32, #tpu.memory_space<vmem>>, %arg9: memref<128x128xf32, #tpu.memory_space<vmem>>, %arg10: memref<128x128xf32, #tpu.memory_space<vmem>>, %arg11: memref<10112x128xf32, #tpu.memory_space<vmem_shared>>, %arg12: memref<!tpu.dma_semaphore, #tpu.memory_space<semaphore_mem>>, %arg13: memref<!tpu.dma_semaphore, #tpu.memory_space<semaphore_mem>>, %arg14: memref<!tpu.dma_semaphore, #tpu.memory_space<semaphore_mem>>, %arg15: memref<!tpu.dma_semaphore, #tpu.memory_space<semaphore_mem>>) attributes {dimension_semantics = [#tpu.dimension_semantics<core_parallel>, #tpu.dimension_semantics<subcore_parallel>], iteration_bounds = array<i64: 2, 16>, scalar_prefetch = 0 : i64, scratch_operands = 9 : i64, tpu.core_type = #tpu.core_type<sc_vector_subcore>, window_params = [{transform_indices = #map}, {transform_indices = #map1}, {transform_indices = #map1}, {transform_indices = #map}, {transform_indices = #map1}]} {
    %mul3A = arith.constant 2 : i32
    %mul3A_0 = arith.muli %arg1, %mul3A : i32
    %add3A = arith.addi %mul3A_0, %arg0 : i32
    %mul3A_1 = arith.constant 632 : i32
    %mul3A_2 = arith.muli %arg1, %mul3A_1 : i32
    "tpu.region"() ({
      %run_scoped3A = tpu.sem_alloc : memref<!tpu.dma_semaphore, #tpu.memory_space<semaphore_mem>>
      %dma_start3A_129 = arith.constant 0 : i32
      %dma_start3A_130 = tpu.memref_slice %arg11[%mul3A_2, %dma_start3A_129] : memref<10112x128xf32, #tpu.memory_space<vmem_shared>> -> memref<632x128xf32, #tpu.memory_space<vmem_shared>>
      %dma_start3A_131 = arith.constant 0 : i32
      %dma_start3A_132 = arith.constant 0 : i32
      %dma_start3A_133 = tpu.memref_slice %arg5[%dma_start3A_131, %dma_start3A_132] : memref<632x128xf32, #tpu.memory_space<hbm>> -> memref<632x128xf32, #tpu.memory_space<hbm>>
      tpu.enqueue_dma source(%dma_start3A_133 : memref<632x128xf32, #tpu.memory_space<hbm>>) target(%dma_start3A_130 : memref<632x128xf32, #tpu.memory_space<vmem_shared>>) target_semaphore(%run_scoped3A : memref<!tpu.dma_semaphore, #tpu.memory_space<semaphore_mem>>)
      %dma_wait3A_134 = arith.constant 0 : i32
      %dma_wait3A_135 = tpu.memref_slice %arg11[%mul3A_2, %dma_wait3A_134] : memref<10112x128xf32, #tpu.memory_space<vmem_shared>> -> memref<632x128xf32, #tpu.memory_space<vmem_shared>>
      %dma_wait3A_136 = arith.constant 0 : i32
      %dma_wait3A_137 = arith.constant 0 : i32
      %dma_wait3A_138 = tpu.memref_slice %arg5[%dma_wait3A_136, %dma_wait3A_137] : memref<632x128xf32, #tpu.memory_space<hbm>> -> memref<632x128xf32, #tpu.memory_space<hbm>>
      tpu.wait_dma2 semaphore(%run_scoped3A : memref<!tpu.dma_semaphore, #tpu.memory_space<semaphore_mem>>) src(%dma_wait3A_138 : memref<632x128xf32, #tpu.memory_space<hbm>>) dst(%dma_wait3A_135 : memref<632x128xf32, #tpu.memory_space<vmem_shared>>)
      tpu.yield
    }) : () -> ()
    %barrier3A = arith.constant 0 : index
    tpu.barrier barrier_id(%barrier3A)
    "tpu.region"() ({
      %run_scoped3A = tpu.sem_alloc : memref<!tpu.dma_semaphore, #tpu.memory_space<semaphore_mem>>
      %dma_start3A_129 = arith.constant 0 : i32
      %dma_start3A_130 = arith.constant 0 : i32
      %dma_start3A_131 = tpu.memref_slice %arg3[%add3A, %dma_start3A_129, %dma_start3A_130] : memref<32x80x128xi32, #tpu.memory_space<hbm>> -> memref<1x40x128xi32, #tpu.memory_space<hbm>>
      %dma_start3A_132 = tpu.memref_squeeze %dma_start3A_131 : memref<1x40x128xi32, #tpu.memory_space<hbm>> -> memref<40x128xi32, #tpu.memory_space<hbm>>
      %dma_start3A_133 = arith.constant 0 : i32
      %dma_start3A_134 = arith.constant 0 : i32
      %dma_start3A_135 = tpu.memref_slice %arg3[%add3A, %dma_start3A_133, %dma_start3A_134] : memref<32x80x128xi32, #tpu.memory_space<hbm>> -> memref<1x40x128xi32, #tpu.memory_space<hbm>>
      %dma_start3A_136 = tpu.memref_squeeze %dma_start3A_135 : memref<1x40x128xi32, #tpu.memory_space<hbm>> -> memref<40x128xi32, #tpu.memory_space<hbm>>
      tpu.enqueue_dma source(%dma_start3A_136 : memref<40x128xi32, #tpu.memory_space<hbm>>) target(%arg7 : memref<40x128xi32, #tpu.memory_space<vmem>>) target_semaphore(%run_scoped3A : memref<!tpu.dma_semaphore, #tpu.memory_space<semaphore_mem>>)
      %dma_wait3A_137 = arith.constant 0 : i32
      %dma_wait3A_138 = arith.constant 0 : i32
      %dma_wait3A_139 = tpu.memref_slice %arg3[%add3A, %dma_wait3A_137, %dma_wait3A_138] : memref<32x80x128xi32, #tpu.memory_space<hbm>> -> memref<1x40x128xi32, #tpu.memory_space<hbm>>
      %dma_wait3A_140 = tpu.memref_squeeze %dma_wait3A_139 : memref<1x40x128xi32, #tpu.memory_space<hbm>> -> memref<40x128xi32, #tpu.memory_space<hbm>>
      %dma_wait3A_141 = arith.constant 0 : i32
      %dma_wait3A_142 = arith.constant 0 : i32
      %dma_wait3A_143 = tpu.memref_slice %arg3[%add3A, %dma_wait3A_141, %dma_wait3A_142] : memref<32x80x128xi32, #tpu.memory_space<hbm>> -> memref<1x40x128xi32, #tpu.memory_space<hbm>>
      %dma_wait3A_144 = tpu.memref_squeeze %dma_wait3A_143 : memref<1x40x128xi32, #tpu.memory_space<hbm>> -> memref<40x128xi32, #tpu.memory_space<hbm>>
      tpu.wait_dma2 semaphore(%run_scoped3A : memref<!tpu.dma_semaphore, #tpu.memory_space<semaphore_mem>>) src(%dma_wait3A_144 : memref<40x128xi32, #tpu.memory_space<hbm>>) dst(%arg7 : memref<40x128xi32, #tpu.memory_space<vmem>>)
      tpu.yield
    }) : () -> ()
    "tpu.region"() ({
      %run_scoped3A = tpu.sem_alloc : memref<!tpu.dma_semaphore, #tpu.memory_space<semaphore_mem>>
      %dma_start3A_129 = arith.constant 0 : i32
      %dma_start3A_130 = arith.constant 0 : i32
      %dma_start3A_131 = tpu.memref_slice %arg4[%add3A, %dma_start3A_129, %dma_start3A_130] : memref<32x80x128xi32, #tpu.memory_space<hbm>> -> memref<1x40x128xi32, #tpu.memory_space<hbm>>
      %dma_start3A_132 = tpu.memref_squeeze %dma_start3A_131 : memref<1x40x128xi32, #tpu.memory_space<hbm>> -> memref<40x128xi32, #tpu.memory_space<hbm>>
      %dma_start3A_133 = arith.constant 0 : i32
      %dma_start3A_134 = arith.constant 0 : i32
      %dma_start3A_135 = tpu.memref_slice %arg4[%add3A, %dma_start3A_133, %dma_start3A_134] : memref<32x80x128xi32, #tpu.memory_space<hbm>> -> memref<1x40x128xi32, #tpu.memory_space<hbm>>
      %dma_start3A_136 = tpu.memref_squeeze %dma_start3A_135 : memref<1x40x128xi32, #tpu.memory_space<hbm>> -> memref<40x128xi32, #tpu.memory_space<hbm>>
      tpu.enqueue_dma source(%dma_start3A_136 : memref<40x128xi32, #tpu.memory_space<hbm>>) target(%arg8 : memref<40x128xi32, #tpu.memory_space<vmem>>) target_semaphore(%run_scoped3A : memref<!tpu.dma_semaphore, #tpu.memory_space<semaphore_mem>>)
      %dma_wait3A_137 = arith.constant 0 : i32
      %dma_wait3A_138 = arith.constant 0 : i32
      %dma_wait3A_139 = tpu.memref_slice %arg4[%add3A, %dma_wait3A_137, %dma_wait3A_138] : memref<32x80x128xi32, #tpu.memory_space<hbm>> -> memref<1x40x128xi32, #tpu.memory_space<hbm>>
      %dma_wait3A_140 = tpu.memref_squeeze %dma_wait3A_139 : memref<1x40x128xi32, #tpu.memory_space<hbm>> -> memref<40x128xi32, #tpu.memory_space<hbm>>
      %dma_wait3A_141 = arith.constant 0 : i32
      %dma_wait3A_142 = arith.constant 0 : i32
      %dma_wait3A_143 = tpu.memref_slice %arg4[%add3A, %dma_wait3A_141, %dma_wait3A_142] : memref<32x80x128xi32, #tpu.memory_space<hbm>> -> memref<1x40x128xi32, #tpu.memory_space<hbm>>
      %dma_wait3A_144 = tpu.memref_squeeze %dma_wait3A_143 : memref<1x40x128xi32, #tpu.memory_space<hbm>> -> memref<40x128xi32, #tpu.memory_space<hbm>>
      tpu.wait_dma2 semaphore(%run_scoped3A : memref<!tpu.dma_semaphore, #tpu.memory_space<semaphore_mem>>) src(%dma_wait3A_144 : memref<40x128xi32, #tpu.memory_space<hbm>>) dst(%arg8 : memref<40x128xi32, #tpu.memory_space<vmem>>)
      tpu.yield
    }) : () -> ()
    %dma_start3A = arith.constant 0 : i32
    %dma_start3A_3 = arith.constant 0 : i32
    %dma_start3A_4 = tpu.memref_slice %arg7[%dma_start3A, %dma_start3A_3] : memref<40x128xi32, #tpu.memory_space<vmem>> -> memref<1x128xi32, #tpu.memory_space<vmem>>
    %dma_start3A_5 = tpu.memref_squeeze %dma_start3A_4 : memref<1x128xi32, #tpu.memory_space<vmem>> -> memref<128xi32, #tpu.memory_space<vmem>>
    %dma_start3A_6 = arith.constant 0 : i32
    %dma_start3A_7 = arith.constant 0 : i32
    %dma_start3A_8 = tpu.memref_slice %arg2[%dma_start3A_6, %dma_start3A_7] : memref<10112x128xf32, #tpu.memory_space<hbm>> -> memref<10112x128xf32, #tpu.memory_space<hbm>>
    tpu.enqueue_indirect_dma source(%dma_start3A_8 : memref<10112x128xf32, #tpu.memory_space<hbm>>) target(%arg9 : memref<128x128xf32, #tpu.memory_space<vmem>>) offsets(%dma_start3A_5 : memref<128xi32, #tpu.memory_space<vmem>>) semaphore(%arg14 : memref<!tpu.dma_semaphore, #tpu.memory_space<semaphore_mem>>)
    %dma_start3A_9 = arith.constant 1 : i32
    %dma_start3A_10 = arith.constant 0 : i32
    %dma_start3A_11 = tpu.memref_slice %arg7[%dma_start3A_9, %dma_start3A_10] : memref<40x128xi32, #tpu.memory_space<vmem>> -> memref<1x128xi32, #tpu.memory_space<vmem>>
    %dma_start3A_12 = tpu.memref_squeeze %dma_start3A_11 : memref<1x128xi32, #tpu.memory_space<vmem>> -> memref<128xi32, #tpu.memory_space<vmem>>
    %dma_start3A_13 = arith.constant 0 : i32
    %dma_start3A_14 = arith.constant 0 : i32
    %dma_start3A_15 = tpu.memref_slice %arg2[%dma_start3A_13, %dma_start3A_14] : memref<10112x128xf32, #tpu.memory_space<hbm>> -> memref<10112x128xf32, #tpu.memory_space<hbm>>
    tpu.enqueue_indirect_dma source(%dma_start3A_15 : memref<10112x128xf32, #tpu.memory_space<hbm>>) target(%arg10 : memref<128x128xf32, #tpu.memory_space<vmem>>) offsets(%dma_start3A_12 : memref<128xi32, #tpu.memory_space<vmem>>) semaphore(%arg15 : memref<!tpu.dma_semaphore, #tpu.memory_space<semaphore_mem>>)
    %scan3A = arith.constant 0 : i32
    %scan3A_16 = arith.constant 0 : i32
    %scan3A_17 = arith.constant 19 : i32
    %scan3A_18 = arith.addi %scan3A_16, %scan3A_17 : i32
    %scan3A_19 = arith.constant 1 : i32
    scf.for %scan3A_129 = %scan3A_16 to %scan3A_18 step %scan3A_19  : i32 {
      %mul3A_130 = arith.constant 2 : i32
      %mul3A_131 = arith.muli %mul3A_130, %scan3A_129 : i32
      %dma_wait3A_132 = arith.constant 0 : i32
      %dma_wait3A_133 = tpu.memref_slice %arg7[%mul3A_131, %dma_wait3A_132] : memref<40x128xi32, #tpu.memory_space<vmem>> -> memref<1x128xi32, #tpu.memory_space<vmem>>
      %dma_wait3A_134 = tpu.memref_squeeze %dma_wait3A_133 : memref<1x128xi32, #tpu.memory_space<vmem>> -> memref<128xi32, #tpu.memory_space<vmem>>
      %dma_wait3A_135 = arith.constant 0 : i32
      %dma_wait3A_136 = arith.constant 0 : i32
      %dma_wait3A_137 = tpu.memref_slice %arg2[%dma_wait3A_135, %dma_wait3A_136] : memref<10112x128xf32, #tpu.memory_space<hbm>> -> memref<10112x128xf32, #tpu.memory_space<hbm>>
      tpu.wait_indirect_dma semaphore(%arg14 : memref<!tpu.dma_semaphore, #tpu.memory_space<semaphore_mem>>) src(%dma_wait3A_137 : memref<10112x128xf32, #tpu.memory_space<hbm>>) dst(%arg9 : memref<128x128xf32, #tpu.memory_space<vmem>>)
      %dma_start3A_138 = arith.constant 0 : i32
      %dma_start3A_139 = tpu.memref_slice %arg8[%mul3A_131, %dma_start3A_138] : memref<40x128xi32, #tpu.memory_space<vmem>> -> memref<1x128xi32, #tpu.memory_space<vmem>>
      %dma_start3A_140 = tpu.memref_squeeze %dma_start3A_139 : memref<1x128xi32, #tpu.memory_space<vmem>> -> memref<128xi32, #tpu.memory_space<vmem>>
      %dma_start3A_141 = arith.constant 0 : i32
      %dma_start3A_142 = arith.constant 0 : i32
      %dma_start3A_143 = tpu.memref_slice %arg11[%dma_start3A_141, %dma_start3A_142] : memref<10112x128xf32, #tpu.memory_space<vmem_shared>> -> memref<10112x128xf32, #tpu.memory_space<vmem_shared>>
      tpu.enqueue_indirect_dma source(%arg9 : memref<128x128xf32, #tpu.memory_space<vmem>>) target(%dma_start3A_143 : memref<10112x128xf32, #tpu.memory_space<vmem_shared>>) offsets(%dma_start3A_140 : memref<128xi32, #tpu.memory_space<vmem>>) semaphore(%arg12 : memref<!tpu.dma_semaphore, #tpu.memory_space<semaphore_mem>>) {add = true}
      %add3A_144 = arith.constant 1 : i32
      %add3A_145 = arith.addi %mul3A_131, %add3A_144 : i32
      %dma_wait3A_146 = arith.constant 0 : i32
      %dma_wait3A_147 = tpu.memref_slice %arg7[%add3A_145, %dma_wait3A_146] : memref<40x128xi32, #tpu.memory_space<vmem>> -> memref<1x128xi32, #tpu.memory_space<vmem>>
      %dma_wait3A_148 = tpu.memref_squeeze %dma_wait3A_147 : memref<1x128xi32, #tpu.memory_space<vmem>> -> memref<128xi32, #tpu.memory_space<vmem>>
      %dma_wait3A_149 = arith.constant 0 : i32
      %dma_wait3A_150 = arith.constant 0 : i32
      %dma_wait3A_151 = tpu.memref_slice %arg2[%dma_wait3A_149, %dma_wait3A_150] : memref<10112x128xf32, #tpu.memory_space<hbm>> -> memref<10112x128xf32, #tpu.memory_space<hbm>>
      tpu.wait_indirect_dma semaphore(%arg15 : memref<!tpu.dma_semaphore, #tpu.memory_space<semaphore_mem>>) src(%dma_wait3A_151 : memref<10112x128xf32, #tpu.memory_space<hbm>>) dst(%arg10 : memref<128x128xf32, #tpu.memory_space<vmem>>)
      %add3A_152 = arith.constant 1 : i32
      %add3A_153 = arith.addi %mul3A_131, %add3A_152 : i32
      %dma_start3A_154 = arith.constant 0 : i32
      %dma_start3A_155 = tpu.memref_slice %arg8[%add3A_153, %dma_start3A_154] : memref<40x128xi32, #tpu.memory_space<vmem>> -> memref<1x128xi32, #tpu.memory_space<vmem>>
      %dma_start3A_156 = tpu.memref_squeeze %dma_start3A_155 : memref<1x128xi32, #tpu.memory_space<vmem>> -> memref<128xi32, #tpu.memory_space<vmem>>
      %dma_start3A_157 = arith.constant 0 : i32
      %dma_start3A_158 = arith.constant 0 : i32
      %dma_start3A_159 = tpu.memref_slice %arg11[%dma_start3A_157, %dma_start3A_158] : memref<10112x128xf32, #tpu.memory_space<vmem_shared>> -> memref<10112x128xf32, #tpu.memory_space<vmem_shared>>
      tpu.enqueue_indirect_dma source(%arg10 : memref<128x128xf32, #tpu.memory_space<vmem>>) target(%dma_start3A_159 : memref<10112x128xf32, #tpu.memory_space<vmem_shared>>) offsets(%dma_start3A_156 : memref<128xi32, #tpu.memory_space<vmem>>) semaphore(%arg13 : memref<!tpu.dma_semaphore, #tpu.memory_space<semaphore_mem>>) {add = true}
      %dma_wait3A_160 = arith.constant 0 : i32
      %dma_wait3A_161 = tpu.memref_slice %arg8[%mul3A_131, %dma_wait3A_160] : memref<40x128xi32, #tpu.memory_space<vmem>> -> memref<1x128xi32, #tpu.memory_space<vmem>>
      %dma_wait3A_162 = tpu.memref_squeeze %dma_wait3A_161 : memref<1x128xi32, #tpu.memory_space<vmem>> -> memref<128xi32, #tpu.memory_space<vmem>>
      %dma_wait3A_163 = arith.constant 0 : i32
      %dma_wait3A_164 = arith.constant 0 : i32
      %dma_wait3A_165 = tpu.memref_slice %arg11[%dma_wait3A_163, %dma_wait3A_164] : memref<10112x128xf32, #tpu.memory_space<vmem_shared>> -> memref<10112x128xf32, #tpu.memory_space<vmem_shared>>
      tpu.wait_indirect_dma semaphore(%arg12 : memref<!tpu.dma_semaphore, #tpu.memory_space<semaphore_mem>>) src(%arg9 : memref<128x128xf32, #tpu.memory_space<vmem>>) dst(%dma_wait3A_165 : memref<10112x128xf32, #tpu.memory_space<vmem_shared>>)
      %add3A_166 = arith.constant 2 : i32
      %add3A_167 = arith.addi %mul3A_131, %add3A_166 : i32
      %dma_start3A_168 = arith.constant 0 : i32
      %dma_start3A_169 = tpu.memref_slice %arg7[%add3A_167, %dma_start3A_168] : memref<40x128xi32, #tpu.memory_space<vmem>> -> memref<1x128xi32, #tpu.memory_space<vmem>>
      %dma_start3A_170 = tpu.memref_squeeze %dma_start3A_169 : memref<1x128xi32, #tpu.memory_space<vmem>> -> memref<128xi32, #tpu.memory_space<vmem>>
      %dma_start3A_171 = arith.constant 0 : i32
      %dma_start3A_172 = arith.constant 0 : i32
      %dma_start3A_173 = tpu.memref_slice %arg2[%dma_start3A_171, %dma_start3A_172] : memref<10112x128xf32, #tpu.memory_space<hbm>> -> memref<10112x128xf32, #tpu.memory_space<hbm>>
      tpu.enqueue_indirect_dma source(%dma_start3A_173 : memref<10112x128xf32, #tpu.memory_space<hbm>>) target(%arg9 : memref<128x128xf32, #tpu.memory_space<vmem>>) offsets(%dma_start3A_170 : memref<128xi32, #tpu.memory_space<vmem>>) semaphore(%arg14 : memref<!tpu.dma_semaphore, #tpu.memory_space<semaphore_mem>>)
      %dma_wait3A_174 = arith.constant 0 : i32
      %dma_wait3A_175 = tpu.memref_slice %arg8[%add3A_153, %dma_wait3A_174] : memref<40x128xi32, #tpu.memory_space<vmem>> -> memref<1x128xi32, #tpu.memory_space<vmem>>
      %dma_wait3A_176 = tpu.memref_squeeze %dma_wait3A_175 : memref<1x128xi32, #tpu.memory_space<vmem>> -> memref<128xi32, #tpu.memory_space<vmem>>
      %dma_wait3A_177 = arith.constant 0 : i32
      %dma_wait3A_178 = arith.constant 0 : i32
      %dma_wait3A_179 = tpu.memref_slice %arg11[%dma_wait3A_177, %dma_wait3A_178] : memref<10112x128xf32, #tpu.memory_space<vmem_shared>> -> memref<10112x128xf32, #tpu.memory_space<vmem_shared>>
      tpu.wait_indirect_dma semaphore(%arg13 : memref<!tpu.dma_semaphore, #tpu.memory_space<semaphore_mem>>) src(%arg10 : memref<128x128xf32, #tpu.memory_space<vmem>>) dst(%dma_wait3A_179 : memref<10112x128xf32, #tpu.memory_space<vmem_shared>>)
      %add3A_180 = arith.constant 3 : i32
      %add3A_181 = arith.addi %mul3A_131, %add3A_180 : i32
      %dma_start3A_182 = arith.constant 0 : i32
      %dma_start3A_183 = tpu.memref_slice %arg7[%add3A_181, %dma_start3A_182] : memref<40x128xi32, #tpu.memory_space<vmem>> -> memref<1x128xi32, #tpu.memory_space<vmem>>
      %dma_start3A_184 = tpu.memref_squeeze %dma_start3A_183 : memref<1x128xi32, #tpu.memory_space<vmem>> -> memref<128xi32, #tpu.memory_space<vmem>>
      %dma_start3A_185 = arith.constant 0 : i32
      %dma_start3A_186 = arith.constant 0 : i32
      %dma_start3A_187 = tpu.memref_slice %arg2[%dma_start3A_185, %dma_start3A_186] : memref<10112x128xf32, #tpu.memory_space<hbm>> -> memref<10112x128xf32, #tpu.memory_space<hbm>>
      tpu.enqueue_indirect_dma source(%dma_start3A_187 : memref<10112x128xf32, #tpu.memory_space<hbm>>) target(%arg10 : memref<128x128xf32, #tpu.memory_space<vmem>>) offsets(%dma_start3A_184 : memref<128xi32, #tpu.memory_space<vmem>>) semaphore(%arg15 : memref<!tpu.dma_semaphore, #tpu.memory_space<semaphore_mem>>)
    }
    %scan3A_20 = arith.constant 19 : i32
    %dma_wait3A = arith.constant 38 : i32
    %dma_wait3A_21 = arith.constant 0 : i32
    %dma_wait3A_22 = tpu.memref_slice %arg7[%dma_wait3A, %dma_wait3A_21] : memref<40x128xi32, #tpu.memory_space<vmem>> -> memref<1x128xi32, #tpu.memory_space<vmem>>
    %dma_wait3A_23 = tpu.memref_squeeze %dma_wait3A_22 : memref<1x128xi32, #tpu.memory_space<vmem>> -> memref<128xi32, #tpu.memory_space<vmem>>
    %dma_wait3A_24 = arith.constant 0 : i32
    %dma_wait3A_25 = arith.constant 0 : i32
    %dma_wait3A_26 = tpu.memref_slice %arg2[%dma_wait3A_24, %dma_wait3A_25] : memref<10112x128xf32, #tpu.memory_space<hbm>> -> memref<10112x128xf32, #tpu.memory_space<hbm>>
    tpu.wait_indirect_dma semaphore(%arg14 : memref<!tpu.dma_semaphore, #tpu.memory_space<semaphore_mem>>) src(%dma_wait3A_26 : memref<10112x128xf32, #tpu.memory_space<hbm>>) dst(%arg9 : memref<128x128xf32, #tpu.memory_space<vmem>>)
    %dma_start3A_27 = arith.constant 38 : i32
    %dma_start3A_28 = arith.constant 0 : i32
    %dma_start3A_29 = tpu.memref_slice %arg8[%dma_start3A_27, %dma_start3A_28] : memref<40x128xi32, #tpu.memory_space<vmem>> -> memref<1x128xi32, #tpu.memory_space<vmem>>
    %dma_start3A_30 = tpu.memref_squeeze %dma_start3A_29 : memref<1x128xi32, #tpu.memory_space<vmem>> -> memref<128xi32, #tpu.memory_space<vmem>>
    %dma_start3A_31 = arith.constant 0 : i32
    %dma_start3A_32 = arith.constant 0 : i32
    %dma_start3A_33 = tpu.memref_slice %arg11[%dma_start3A_31, %dma_start3A_32] : memref<10112x128xf32, #tpu.memory_space<vmem_shared>> -> memref<10112x128xf32, #tpu.memory_space<vmem_shared>>
    tpu.enqueue_indirect_dma source(%arg9 : memref<128x128xf32, #tpu.memory_space<vmem>>) target(%dma_start3A_33 : memref<10112x128xf32, #tpu.memory_space<vmem_shared>>) offsets(%dma_start3A_30 : memref<128xi32, #tpu.memory_space<vmem>>) semaphore(%arg12 : memref<!tpu.dma_semaphore, #tpu.memory_space<semaphore_mem>>) {add = true}
    %dma_wait3A_34 = arith.constant 39 : i32
    %dma_wait3A_35 = arith.constant 0 : i32
    %dma_wait3A_36 = tpu.memref_slice %arg7[%dma_wait3A_34, %dma_wait3A_35] : memref<40x128xi32, #tpu.memory_space<vmem>> -> memref<1x128xi32, #tpu.memory_space<vmem>>
    %dma_wait3A_37 = tpu.memref_squeeze %dma_wait3A_36 : memref<1x128xi32, #tpu.memory_space<vmem>> -> memref<128xi32, #tpu.memory_space<vmem>>
    %dma_wait3A_38 = arith.constant 0 : i32
    %dma_wait3A_39 = arith.constant 0 : i32
    %dma_wait3A_40 = tpu.memref_slice %arg2[%dma_wait3A_38, %dma_wait3A_39] : memref<10112x128xf32, #tpu.memory_space<hbm>> -> memref<10112x128xf32, #tpu.memory_space<hbm>>
    tpu.wait_indirect_dma semaphore(%arg15 : memref<!tpu.dma_semaphore, #tpu.memory_space<semaphore_mem>>) src(%dma_wait3A_40 : memref<10112x128xf32, #tpu.memory_space<hbm>>) dst(%arg10 : memref<128x128xf32, #tpu.memory_space<vmem>>)
    %dma_start3A_41 = arith.constant 39 : i32
    %dma_start3A_42 = arith.constant 0 : i32
    %dma_start3A_43 = tpu.memref_slice %arg8[%dma_start3A_41, %dma_start3A_42] : memref<40x128xi32, #tpu.memory_space<vmem>> -> memref<1x128xi32, #tpu.memory_space<vmem>>
    %dma_start3A_44 = tpu.memref_squeeze %dma_start3A_43 : memref<1x128xi32, #tpu.memory_space<vmem>> -> memref<128xi32, #tpu.memory_space<vmem>>
    %dma_start3A_45 = arith.constant 0 : i32
    %dma_start3A_46 = arith.constant 0 : i32
    %dma_start3A_47 = tpu.memref_slice %arg11[%dma_start3A_45, %dma_start3A_46] : memref<10112x128xf32, #tpu.memory_space<vmem_shared>> -> memref<10112x128xf32, #tpu.memory_space<vmem_shared>>
    tpu.enqueue_indirect_dma source(%arg10 : memref<128x128xf32, #tpu.memory_space<vmem>>) target(%dma_start3A_47 : memref<10112x128xf32, #tpu.memory_space<vmem_shared>>) offsets(%dma_start3A_44 : memref<128xi32, #tpu.memory_space<vmem>>) semaphore(%arg13 : memref<!tpu.dma_semaphore, #tpu.memory_space<semaphore_mem>>) {add = true}
    %dma_wait3A_48 = arith.constant 38 : i32
    %dma_wait3A_49 = arith.constant 0 : i32
    %dma_wait3A_50 = tpu.memref_slice %arg8[%dma_wait3A_48, %dma_wait3A_49] : memref<40x128xi32, #tpu.memory_space<vmem>> -> memref<1x128xi32, #tpu.memory_space<vmem>>
    %dma_wait3A_51 = tpu.memref_squeeze %dma_wait3A_50 : memref<1x128xi32, #tpu.memory_space<vmem>> -> memref<128xi32, #tpu.memory_space<vmem>>
    %dma_wait3A_52 = arith.constant 0 : i32
    %dma_wait3A_53 = arith.constant 0 : i32
    %dma_wait3A_54 = tpu.memref_slice %arg11[%dma_wait3A_52, %dma_wait3A_53] : memref<10112x128xf32, #tpu.memory_space<vmem_shared>> -> memref<10112x128xf32, #tpu.memory_space<vmem_shared>>
    tpu.wait_indirect_dma semaphore(%arg12 : memref<!tpu.dma_semaphore, #tpu.memory_space<semaphore_mem>>) src(%arg9 : memref<128x128xf32, #tpu.memory_space<vmem>>) dst(%dma_wait3A_54 : memref<10112x128xf32, #tpu.memory_space<vmem_shared>>)
    %dma_wait3A_55 = arith.constant 39 : i32
    %dma_wait3A_56 = arith.constant 0 : i32
    %dma_wait3A_57 = tpu.memref_slice %arg8[%dma_wait3A_55, %dma_wait3A_56] : memref<40x128xi32, #tpu.memory_space<vmem>> -> memref<1x128xi32, #tpu.memory_space<vmem>>
    %dma_wait3A_58 = tpu.memref_squeeze %dma_wait3A_57 : memref<1x128xi32, #tpu.memory_space<vmem>> -> memref<128xi32, #tpu.memory_space<vmem>>
    %dma_wait3A_59 = arith.constant 0 : i32
    %dma_wait3A_60 = arith.constant 0 : i32
    %dma_wait3A_61 = tpu.memref_slice %arg11[%dma_wait3A_59, %dma_wait3A_60] : memref<10112x128xf32, #tpu.memory_space<vmem_shared>> -> memref<10112x128xf32, #tpu.memory_space<vmem_shared>>
    tpu.wait_indirect_dma semaphore(%arg13 : memref<!tpu.dma_semaphore, #tpu.memory_space<semaphore_mem>>) src(%arg10 : memref<128x128xf32, #tpu.memory_space<vmem>>) dst(%dma_wait3A_61 : memref<10112x128xf32, #tpu.memory_space<vmem_shared>>)
    "tpu.region"() ({
      %run_scoped3A = tpu.sem_alloc : memref<!tpu.dma_semaphore, #tpu.memory_space<semaphore_mem>>
      %dma_start3A_129 = arith.constant 40 : i32
      %dma_start3A_130 = arith.constant 0 : i32
      %dma_start3A_131 = tpu.memref_slice %arg3[%add3A, %dma_start3A_129, %dma_start3A_130] : memref<32x80x128xi32, #tpu.memory_space<hbm>> -> memref<1x40x128xi32, #tpu.memory_space<hbm>>
      %dma_start3A_132 = tpu.memref_squeeze %dma_start3A_131 : memref<1x40x128xi32, #tpu.memory_space<hbm>> -> memref<40x128xi32, #tpu.memory_space<hbm>>
      %dma_start3A_133 = arith.constant 40 : i32
      %dma_start3A_134 = arith.constant 0 : i32
      %dma_start3A_135 = tpu.memref_slice %arg3[%add3A, %dma_start3A_133, %dma_start3A_134] : memref<32x80x128xi32, #tpu.memory_space<hbm>> -> memref<1x40x128xi32, #tpu.memory_space<hbm>>
      %dma_start3A_136 = tpu.memref_squeeze %dma_start3A_135 : memref<1x40x128xi32, #tpu.memory_space<hbm>> -> memref<40x128xi32, #tpu.memory_space<hbm>>
      tpu.enqueue_dma source(%dma_start3A_136 : memref<40x128xi32, #tpu.memory_space<hbm>>) target(%arg7 : memref<40x128xi32, #tpu.memory_space<vmem>>) target_semaphore(%run_scoped3A : memref<!tpu.dma_semaphore, #tpu.memory_space<semaphore_mem>>)
      %dma_wait3A_137 = arith.constant 40 : i32
      %dma_wait3A_138 = arith.constant 0 : i32
      %dma_wait3A_139 = tpu.memref_slice %arg3[%add3A, %dma_wait3A_137, %dma_wait3A_138] : memref<32x80x128xi32, #tpu.memory_space<hbm>> -> memref<1x40x128xi32, #tpu.memory_space<hbm>>
      %dma_wait3A_140 = tpu.memref_squeeze %dma_wait3A_139 : memref<1x40x128xi32, #tpu.memory_space<hbm>> -> memref<40x128xi32, #tpu.memory_space<hbm>>
      %dma_wait3A_141 = arith.constant 40 : i32
      %dma_wait3A_142 = arith.constant 0 : i32
      %dma_wait3A_143 = tpu.memref_slice %arg3[%add3A, %dma_wait3A_141, %dma_wait3A_142] : memref<32x80x128xi32, #tpu.memory_space<hbm>> -> memref<1x40x128xi32, #tpu.memory_space<hbm>>
      %dma_wait3A_144 = tpu.memref_squeeze %dma_wait3A_143 : memref<1x40x128xi32, #tpu.memory_space<hbm>> -> memref<40x128xi32, #tpu.memory_space<hbm>>
      tpu.wait_dma2 semaphore(%run_scoped3A : memref<!tpu.dma_semaphore, #tpu.memory_space<semaphore_mem>>) src(%dma_wait3A_144 : memref<40x128xi32, #tpu.memory_space<hbm>>) dst(%arg7 : memref<40x128xi32, #tpu.memory_space<vmem>>)
      tpu.yield
    }) : () -> ()
    "tpu.region"() ({
      %run_scoped3A = tpu.sem_alloc : memref<!tpu.dma_semaphore, #tpu.memory_space<semaphore_mem>>
      %dma_start3A_129 = arith.constant 40 : i32
      %dma_start3A_130 = arith.constant 0 : i32
      %dma_start3A_131 = tpu.memref_slice %arg4[%add3A, %dma_start3A_129, %dma_start3A_130] : memref<32x80x128xi32, #tpu.memory_space<hbm>> -> memref<1x40x128xi32, #tpu.memory_space<hbm>>
      %dma_start3A_132 = tpu.memref_squeeze %dma_start3A_131 : memref<1x40x128xi32, #tpu.memory_space<hbm>> -> memref<40x128xi32, #tpu.memory_space<hbm>>
      %dma_start3A_133 = arith.constant 40 : i32
      %dma_start3A_134 = arith.constant 0 : i32
      %dma_start3A_135 = tpu.memref_slice %arg4[%add3A, %dma_start3A_133, %dma_start3A_134] : memref<32x80x128xi32, #tpu.memory_space<hbm>> -> memref<1x40x128xi32, #tpu.memory_space<hbm>>
      %dma_start3A_136 = tpu.memref_squeeze %dma_start3A_135 : memref<1x40x128xi32, #tpu.memory_space<hbm>> -> memref<40x128xi32, #tpu.memory_space<hbm>>
      tpu.enqueue_dma source(%dma_start3A_136 : memref<40x128xi32, #tpu.memory_space<hbm>>) target(%arg8 : memref<40x128xi32, #tpu.memory_space<vmem>>) target_semaphore(%run_scoped3A : memref<!tpu.dma_semaphore, #tpu.memory_space<semaphore_mem>>)
      %dma_wait3A_137 = arith.constant 40 : i32
      %dma_wait3A_138 = arith.constant 0 : i32
      %dma_wait3A_139 = tpu.memref_slice %arg4[%add3A, %dma_wait3A_137, %dma_wait3A_138] : memref<32x80x128xi32, #tpu.memory_space<hbm>> -> memref<1x40x128xi32, #tpu.memory_space<hbm>>
      %dma_wait3A_140 = tpu.memref_squeeze %dma_wait3A_139 : memref<1x40x128xi32, #tpu.memory_space<hbm>> -> memref<40x128xi32, #tpu.memory_space<hbm>>
      %dma_wait3A_141 = arith.constant 40 : i32
      %dma_wait3A_142 = arith.constant 0 : i32
      %dma_wait3A_143 = tpu.memref_slice %arg4[%add3A, %dma_wait3A_141, %dma_wait3A_142] : memref<32x80x128xi32, #tpu.memory_space<hbm>> -> memref<1x40x128xi32, #tpu.memory_space<hbm>>
      %dma_wait3A_144 = tpu.memref_squeeze %dma_wait3A_143 : memref<1x40x128xi32, #tpu.memory_space<hbm>> -> memref<40x128xi32, #tpu.memory_space<hbm>>
      tpu.wait_dma2 semaphore(%run_scoped3A : memref<!tpu.dma_semaphore, #tpu.memory_space<semaphore_mem>>) src(%dma_wait3A_144 : memref<40x128xi32, #tpu.memory_space<hbm>>) dst(%arg8 : memref<40x128xi32, #tpu.memory_space<vmem>>)
      tpu.yield
    }) : () -> ()
    %dma_start3A_62 = arith.constant 0 : i32
    %dma_start3A_63 = arith.constant 0 : i32
    %dma_start3A_64 = tpu.memref_slice %arg7[%dma_start3A_62, %dma_start3A_63] : memref<40x128xi32, #tpu.memory_space<vmem>> -> memref<1x128xi32, #tpu.memory_space<vmem>>
    %dma_start3A_65 = tpu.memref_squeeze %dma_start3A_64 : memref<1x128xi32, #tpu.memory_space<vmem>> -> memref<128xi32, #tpu.memory_space<vmem>>
    %dma_start3A_66 = arith.constant 0 : i32
    %dma_start3A_67 = arith.constant 0 : i32
    %dma_start3A_68 = tpu.memref_slice %arg2[%dma_start3A_66, %dma_start3A_67] : memref<10112x128xf32, #tpu.memory_space<hbm>> -> memref<10112x128xf32, #tpu.memory_space<hbm>>
    tpu.enqueue_indirect_dma source(%dma_start3A_68 : memref<10112x128xf32, #tpu.memory_space<hbm>>) target(%arg9 : memref<128x128xf32, #tpu.memory_space<vmem>>) offsets(%dma_start3A_65 : memref<128xi32, #tpu.memory_space<vmem>>) semaphore(%arg14 : memref<!tpu.dma_semaphore, #tpu.memory_space<semaphore_mem>>)
    %dma_start3A_69 = arith.constant 1 : i32
    %dma_start3A_70 = arith.constant 0 : i32
    %dma_start3A_71 = tpu.memref_slice %arg7[%dma_start3A_69, %dma_start3A_70] : memref<40x128xi32, #tpu.memory_space<vmem>> -> memref<1x128xi32, #tpu.memory_space<vmem>>
    %dma_start3A_72 = tpu.memref_squeeze %dma_start3A_71 : memref<1x128xi32, #tpu.memory_space<vmem>> -> memref<128xi32, #tpu.memory_space<vmem>>
    %dma_start3A_73 = arith.constant 0 : i32
    %dma_start3A_74 = arith.constant 0 : i32
    %dma_start3A_75 = tpu.memref_slice %arg2[%dma_start3A_73, %dma_start3A_74] : memref<10112x128xf32, #tpu.memory_space<hbm>> -> memref<10112x128xf32, #tpu.memory_space<hbm>>
    tpu.enqueue_indirect_dma source(%dma_start3A_75 : memref<10112x128xf32, #tpu.memory_space<hbm>>) target(%arg10 : memref<128x128xf32, #tpu.memory_space<vmem>>) offsets(%dma_start3A_72 : memref<128xi32, #tpu.memory_space<vmem>>) semaphore(%arg15 : memref<!tpu.dma_semaphore, #tpu.memory_space<semaphore_mem>>)
    %scan3A_76 = arith.constant 0 : i32
    %scan3A_77 = arith.constant 0 : i32
    %scan3A_78 = arith.constant 19 : i32
    %scan3A_79 = arith.addi %scan3A_77, %scan3A_78 : i32
    %scan3A_80 = arith.constant 1 : i32
    scf.for %scan3A_129 = %scan3A_77 to %scan3A_79 step %scan3A_80  : i32 {
      %mul3A_130 = arith.constant 2 : i32
      %mul3A_131 = arith.muli %mul3A_130, %scan3A_129 : i32
      %dma_wait3A_132 = arith.constant 0 : i32
      %dma_wait3A_133 = tpu.memref_slice %arg7[%mul3A_131, %dma_wait3A_132] : memref<40x128xi32, #tpu.memory_space<vmem>> -> memref<1x128xi32, #tpu.memory_space<vmem>>
      %dma_wait3A_134 = tpu.memref_squeeze %dma_wait3A_133 : memref<1x128xi32, #tpu.memory_space<vmem>> -> memref<128xi32, #tpu.memory_space<vmem>>
      %dma_wait3A_135 = arith.constant 0 : i32
      %dma_wait3A_136 = arith.constant 0 : i32
      %dma_wait3A_137 = tpu.memref_slice %arg2[%dma_wait3A_135, %dma_wait3A_136] : memref<10112x128xf32, #tpu.memory_space<hbm>> -> memref<10112x128xf32, #tpu.memory_space<hbm>>
      tpu.wait_indirect_dma semaphore(%arg14 : memref<!tpu.dma_semaphore, #tpu.memory_space<semaphore_mem>>) src(%dma_wait3A_137 : memref<10112x128xf32, #tpu.memory_space<hbm>>) dst(%arg9 : memref<128x128xf32, #tpu.memory_space<vmem>>)
      %dma_start3A_138 = arith.constant 0 : i32
      %dma_start3A_139 = tpu.memref_slice %arg8[%mul3A_131, %dma_start3A_138] : memref<40x128xi32, #tpu.memory_space<vmem>> -> memref<1x128xi32, #tpu.memory_space<vmem>>
      %dma_start3A_140 = tpu.memref_squeeze %dma_start3A_139 : memref<1x128xi32, #tpu.memory_space<vmem>> -> memref<128xi32, #tpu.memory_space<vmem>>
      %dma_start3A_141 = arith.constant 0 : i32
      %dma_start3A_142 = arith.constant 0 : i32
      %dma_start3A_143 = tpu.memref_slice %arg11[%dma_start3A_141, %dma_start3A_142] : memref<10112x128xf32, #tpu.memory_space<vmem_shared>> -> memref<10112x128xf32, #tpu.memory_space<vmem_shared>>
      tpu.enqueue_indirect_dma source(%arg9 : memref<128x128xf32, #tpu.memory_space<vmem>>) target(%dma_start3A_143 : memref<10112x128xf32, #tpu.memory_space<vmem_shared>>) offsets(%dma_start3A_140 : memref<128xi32, #tpu.memory_space<vmem>>) semaphore(%arg12 : memref<!tpu.dma_semaphore, #tpu.memory_space<semaphore_mem>>) {add = true}
      %add3A_144 = arith.constant 1 : i32
      %add3A_145 = arith.addi %mul3A_131, %add3A_144 : i32
      %dma_wait3A_146 = arith.constant 0 : i32
      %dma_wait3A_147 = tpu.memref_slice %arg7[%add3A_145, %dma_wait3A_146] : memref<40x128xi32, #tpu.memory_space<vmem>> -> memref<1x128xi32, #tpu.memory_space<vmem>>
      %dma_wait3A_148 = tpu.memref_squeeze %dma_wait3A_147 : memref<1x128xi32, #tpu.memory_space<vmem>> -> memref<128xi32, #tpu.memory_space<vmem>>
      %dma_wait3A_149 = arith.constant 0 : i32
      %dma_wait3A_150 = arith.constant 0 : i32
      %dma_wait3A_151 = tpu.memref_slice %arg2[%dma_wait3A_149, %dma_wait3A_150] : memref<10112x128xf32, #tpu.memory_space<hbm>> -> memref<10112x128xf32, #tpu.memory_space<hbm>>
      tpu.wait_indirect_dma semaphore(%arg15 : memref<!tpu.dma_semaphore, #tpu.memory_space<semaphore_mem>>) src(%dma_wait3A_151 : memref<10112x128xf32, #tpu.memory_space<hbm>>) dst(%arg10 : memref<128x128xf32, #tpu.memory_space<vmem>>)
      %add3A_152 = arith.constant 1 : i32
      %add3A_153 = arith.addi %mul3A_131, %add3A_152 : i32
      %dma_start3A_154 = arith.constant 0 : i32
      %dma_start3A_155 = tpu.memref_slice %arg8[%add3A_153, %dma_start3A_154] : memref<40x128xi32, #tpu.memory_space<vmem>> -> memref<1x128xi32, #tpu.memory_space<vmem>>
      %dma_start3A_156 = tpu.memref_squeeze %dma_start3A_155 : memref<1x128xi32, #tpu.memory_space<vmem>> -> memref<128xi32, #tpu.memory_space<vmem>>
      %dma_start3A_157 = arith.constant 0 : i32
      %dma_start3A_158 = arith.constant 0 : i32
      %dma_start3A_159 = tpu.memref_slice %arg11[%dma_start3A_157, %dma_start3A_158] : memref<10112x128xf32, #tpu.memory_space<vmem_shared>> -> memref<10112x128xf32, #tpu.memory_space<vmem_shared>>
      tpu.enqueue_indirect_dma source(%arg10 : memref<128x128xf32, #tpu.memory_space<vmem>>) target(%dma_start3A_159 : memref<10112x128xf32, #tpu.memory_space<vmem_shared>>) offsets(%dma_start3A_156 : memref<128xi32, #tpu.memory_space<vmem>>) semaphore(%arg13 : memref<!tpu.dma_semaphore, #tpu.memory_space<semaphore_mem>>) {add = true}
      %dma_wait3A_160 = arith.constant 0 : i32
      %dma_wait3A_161 = tpu.memref_slice %arg8[%mul3A_131, %dma_wait3A_160] : memref<40x128xi32, #tpu.memory_space<vmem>> -> memref<1x128xi32, #tpu.memory_space<vmem>>
      %dma_wait3A_162 = tpu.memref_squeeze %dma_wait3A_161 : memref<1x128xi32, #tpu.memory_space<vmem>> -> memref<128xi32, #tpu.memory_space<vmem>>
      %dma_wait3A_163 = arith.constant 0 : i32
      %dma_wait3A_164 = arith.constant 0 : i32
      %dma_wait3A_165 = tpu.memref_slice %arg11[%dma_wait3A_163, %dma_wait3A_164] : memref<10112x128xf32, #tpu.memory_space<vmem_shared>> -> memref<10112x128xf32, #tpu.memory_space<vmem_shared>>
      tpu.wait_indirect_dma semaphore(%arg12 : memref<!tpu.dma_semaphore, #tpu.memory_space<semaphore_mem>>) src(%arg9 : memref<128x128xf32, #tpu.memory_space<vmem>>) dst(%dma_wait3A_165 : memref<10112x128xf32, #tpu.memory_space<vmem_shared>>)
      %add3A_166 = arith.constant 2 : i32
      %add3A_167 = arith.addi %mul3A_131, %add3A_166 : i32
      %dma_start3A_168 = arith.constant 0 : i32
      %dma_start3A_169 = tpu.memref_slice %arg7[%add3A_167, %dma_start3A_168] : memref<40x128xi32, #tpu.memory_space<vmem>> -> memref<1x128xi32, #tpu.memory_space<vmem>>
      %dma_start3A_170 = tpu.memref_squeeze %dma_start3A_169 : memref<1x128xi32, #tpu.memory_space<vmem>> -> memref<128xi32, #tpu.memory_space<vmem>>
      %dma_start3A_171 = arith.constant 0 : i32
      %dma_start3A_172 = arith.constant 0 : i32
      %dma_start3A_173 = tpu.memref_slice %arg2[%dma_start3A_171, %dma_start3A_172] : memref<10112x128xf32, #tpu.memory_space<hbm>> -> memref<10112x128xf32, #tpu.memory_space<hbm>>
      tpu.enqueue_indirect_dma source(%dma_start3A_173 : memref<10112x128xf32, #tpu.memory_space<hbm>>) target(%arg9 : memref<128x128xf32, #tpu.memory_space<vmem>>) offsets(%dma_start3A_170 : memref<128xi32, #tpu.memory_space<vmem>>) semaphore(%arg14 : memref<!tpu.dma_semaphore, #tpu.memory_space<semaphore_mem>>)
      %dma_wait3A_174 = arith.constant 0 : i32
      %dma_wait3A_175 = tpu.memref_slice %arg8[%add3A_153, %dma_wait3A_174] : memref<40x128xi32, #tpu.memory_space<vmem>> -> memref<1x128xi32, #tpu.memory_space<vmem>>
      %dma_wait3A_176 = tpu.memref_squeeze %dma_wait3A_175 : memref<1x128xi32, #tpu.memory_space<vmem>> -> memref<128xi32, #tpu.memory_space<vmem>>
      %dma_wait3A_177 = arith.constant 0 : i32
      %dma_wait3A_178 = arith.constant 0 : i32
      %dma_wait3A_179 = tpu.memref_slice %arg11[%dma_wait3A_177, %dma_wait3A_178] : memref<10112x128xf32, #tpu.memory_space<vmem_shared>> -> memref<10112x128xf32, #tpu.memory_space<vmem_shared>>
      tpu.wait_indirect_dma semaphore(%arg13 : memref<!tpu.dma_semaphore, #tpu.memory_space<semaphore_mem>>) src(%arg10 : memref<128x128xf32, #tpu.memory_space<vmem>>) dst(%dma_wait3A_179 : memref<10112x128xf32, #tpu.memory_space<vmem_shared>>)
      %add3A_180 = arith.constant 3 : i32
      %add3A_181 = arith.addi %mul3A_131, %add3A_180 : i32
      %dma_start3A_182 = arith.constant 0 : i32
      %dma_start3A_183 = tpu.memref_slice %arg7[%add3A_181, %dma_start3A_182] : memref<40x128xi32, #tpu.memory_space<vmem>> -> memref<1x128xi32, #tpu.memory_space<vmem>>
      %dma_start3A_184 = tpu.memref_squeeze %dma_start3A_183 : memref<1x128xi32, #tpu.memory_space<vmem>> -> memref<128xi32, #tpu.memory_space<vmem>>
      %dma_start3A_185 = arith.constant 0 : i32
      %dma_start3A_186 = arith.constant 0 : i32
      %dma_start3A_187 = tpu.memref_slice %arg2[%dma_start3A_185, %dma_start3A_186] : memref<10112x128xf32, #tpu.memory_space<hbm>> -> memref<10112x128xf32, #tpu.memory_space<hbm>>
      tpu.enqueue_indirect_dma source(%dma_start3A_187 : memref<10112x128xf32, #tpu.memory_space<hbm>>) target(%arg10 : memref<128x128xf32, #tpu.memory_space<vmem>>) offsets(%dma_start3A_184 : memref<128xi32, #tpu.memory_space<vmem>>) semaphore(%arg15 : memref<!tpu.dma_semaphore, #tpu.memory_space<semaphore_mem>>)
    }
    %scan3A_81 = arith.constant 19 : i32
    %dma_wait3A_82 = arith.constant 38 : i32
    %dma_wait3A_83 = arith.constant 0 : i32
    %dma_wait3A_84 = tpu.memref_slice %arg7[%dma_wait3A_82, %dma_wait3A_83] : memref<40x128xi32, #tpu.memory_space<vmem>> -> memref<1x128xi32, #tpu.memory_space<vmem>>
    %dma_wait3A_85 = tpu.memref_squeeze %dma_wait3A_84 : memref<1x128xi32, #tpu.memory_space<vmem>> -> memref<128xi32, #tpu.memory_space<vmem>>
    %dma_wait3A_86 = arith.constant 0 : i32
    %dma_wait3A_87 = arith.constant 0 : i32
    %dma_wait3A_88 = tpu.memref_slice %arg2[%dma_wait3A_86, %dma_wait3A_87] : memref<10112x128xf32, #tpu.memory_space<hbm>> -> memref<10112x128xf32, #tpu.memory_space<hbm>>
    tpu.wait_indirect_dma semaphore(%arg14 : memref<!tpu.dma_semaphore, #tpu.memory_space<semaphore_mem>>) src(%dma_wait3A_88 : memref<10112x128xf32, #tpu.memory_space<hbm>>) dst(%arg9 : memref<128x128xf32, #tpu.memory_space<vmem>>)
    %dma_start3A_89 = arith.constant 38 : i32
    %dma_start3A_90 = arith.constant 0 : i32
    %dma_start3A_91 = tpu.memref_slice %arg8[%dma_start3A_89, %dma_start3A_90] : memref<40x128xi32, #tpu.memory_space<vmem>> -> memref<1x128xi32, #tpu.memory_space<vmem>>
    %dma_start3A_92 = tpu.memref_squeeze %dma_start3A_91 : memref<1x128xi32, #tpu.memory_space<vmem>> -> memref<128xi32, #tpu.memory_space<vmem>>
    %dma_start3A_93 = arith.constant 0 : i32
    %dma_start3A_94 = arith.constant 0 : i32
    %dma_start3A_95 = tpu.memref_slice %arg11[%dma_start3A_93, %dma_start3A_94] : memref<10112x128xf32, #tpu.memory_space<vmem_shared>> -> memref<10112x128xf32, #tpu.memory_space<vmem_shared>>
    tpu.enqueue_indirect_dma source(%arg9 : memref<128x128xf32, #tpu.memory_space<vmem>>) target(%dma_start3A_95 : memref<10112x128xf32, #tpu.memory_space<vmem_shared>>) offsets(%dma_start3A_92 : memref<128xi32, #tpu.memory_space<vmem>>) semaphore(%arg12 : memref<!tpu.dma_semaphore, #tpu.memory_space<semaphore_mem>>) {add = true}
    %dma_wait3A_96 = arith.constant 39 : i32
    %dma_wait3A_97 = arith.constant 0 : i32
    %dma_wait3A_98 = tpu.memref_slice %arg7[%dma_wait3A_96, %dma_wait3A_97] : memref<40x128xi32, #tpu.memory_space<vmem>> -> memref<1x128xi32, #tpu.memory_space<vmem>>
    %dma_wait3A_99 = tpu.memref_squeeze %dma_wait3A_98 : memref<1x128xi32, #tpu.memory_space<vmem>> -> memref<128xi32, #tpu.memory_space<vmem>>
    %dma_wait3A_100 = arith.constant 0 : i32
    %dma_wait3A_101 = arith.constant 0 : i32
    %dma_wait3A_102 = tpu.memref_slice %arg2[%dma_wait3A_100, %dma_wait3A_101] : memref<10112x128xf32, #tpu.memory_space<hbm>> -> memref<10112x128xf32, #tpu.memory_space<hbm>>
    tpu.wait_indirect_dma semaphore(%arg15 : memref<!tpu.dma_semaphore, #tpu.memory_space<semaphore_mem>>) src(%dma_wait3A_102 : memref<10112x128xf32, #tpu.memory_space<hbm>>) dst(%arg10 : memref<128x128xf32, #tpu.memory_space<vmem>>)
    %dma_start3A_103 = arith.constant 39 : i32
    %dma_start3A_104 = arith.constant 0 : i32
    %dma_start3A_105 = tpu.memref_slice %arg8[%dma_start3A_103, %dma_start3A_104] : memref<40x128xi32, #tpu.memory_space<vmem>> -> memref<1x128xi32, #tpu.memory_space<vmem>>
    %dma_start3A_106 = tpu.memref_squeeze %dma_start3A_105 : memref<1x128xi32, #tpu.memory_space<vmem>> -> memref<128xi32, #tpu.memory_space<vmem>>
    %dma_start3A_107 = arith.constant 0 : i32
    %dma_start3A_108 = arith.constant 0 : i32
    %dma_start3A_109 = tpu.memref_slice %arg11[%dma_start3A_107, %dma_start3A_108] : memref<10112x128xf32, #tpu.memory_space<vmem_shared>> -> memref<10112x128xf32, #tpu.memory_space<vmem_shared>>
    tpu.enqueue_indirect_dma source(%arg10 : memref<128x128xf32, #tpu.memory_space<vmem>>) target(%dma_start3A_109 : memref<10112x128xf32, #tpu.memory_space<vmem_shared>>) offsets(%dma_start3A_106 : memref<128xi32, #tpu.memory_space<vmem>>) semaphore(%arg13 : memref<!tpu.dma_semaphore, #tpu.memory_space<semaphore_mem>>) {add = true}
    %dma_wait3A_110 = arith.constant 38 : i32
    %dma_wait3A_111 = arith.constant 0 : i32
    %dma_wait3A_112 = tpu.memref_slice %arg8[%dma_wait3A_110, %dma_wait3A_111] : memref<40x128xi32, #tpu.memory_space<vmem>> -> memref<1x128xi32, #tpu.memory_space<vmem>>
    %dma_wait3A_113 = tpu.memref_squeeze %dma_wait3A_112 : memref<1x128xi32, #tpu.memory_space<vmem>> -> memref<128xi32, #tpu.memory_space<vmem>>
    %dma_wait3A_114 = arith.constant 0 : i32
    %dma_wait3A_115 = arith.constant 0 : i32
    %dma_wait3A_116 = tpu.memref_slice %arg11[%dma_wait3A_114, %dma_wait3A_115] : memref<10112x128xf32, #tpu.memory_space<vmem_shared>> -> memref<10112x128xf32, #tpu.memory_space<vmem_shared>>
    tpu.wait_indirect_dma semaphore(%arg12 : memref<!tpu.dma_semaphore, #tpu.memory_space<semaphore_mem>>) src(%arg9 : memref<128x128xf32, #tpu.memory_space<vmem>>) dst(%dma_wait3A_116 : memref<10112x128xf32, #tpu.memory_space<vmem_shared>>)
    %dma_wait3A_117 = arith.constant 39 : i32
    %dma_wait3A_118 = arith.constant 0 : i32
    %dma_wait3A_119 = tpu.memref_slice %arg8[%dma_wait3A_117, %dma_wait3A_118] : memref<40x128xi32, #tpu.memory_space<vmem>> -> memref<1x128xi32, #tpu.memory_space<vmem>>
    %dma_wait3A_120 = tpu.memref_squeeze %dma_wait3A_119 : memref<1x128xi32, #tpu.memory_space<vmem>> -> memref<128xi32, #tpu.memory_space<vmem>>
    %dma_wait3A_121 = arith.constant 0 : i32
    %dma_wait3A_122 = arith.constant 0 : i32
    %dma_wait3A_123 = tpu.memref_slice %arg11[%dma_wait3A_121, %dma_wait3A_122] : memref<10112x128xf32, #tpu.memory_space<vmem_shared>> -> memref<10112x128xf32, #tpu.memory_space<vmem_shared>>
    tpu.wait_indirect_dma semaphore(%arg13 : memref<!tpu.dma_semaphore, #tpu.memory_space<semaphore_mem>>) src(%arg10 : memref<128x128xf32, #tpu.memory_space<vmem>>) dst(%dma_wait3A_123 : memref<10112x128xf32, #tpu.memory_space<vmem_shared>>)
    %barrier3A_124 = arith.constant 0 : index
    tpu.barrier barrier_id(%barrier3A_124)
    %mul3A_125 = arith.constant 632 : i32
    %mul3A_126 = arith.muli %arg1, %mul3A_125 : i32
    %mul3A_127 = arith.constant 632 : i32
    %mul3A_128 = arith.muli %arg1, %mul3A_127 : i32
    "tpu.region"() ({
      %run_scoped3A = tpu.sem_alloc : memref<!tpu.dma_semaphore, #tpu.memory_space<semaphore_mem>>
      %dma_start3A_129 = arith.constant 0 : i32
      %dma_start3A_130 = tpu.memref_slice %arg6[%arg0, %mul3A_128, %dma_start3A_129] : memref<2x10112x128xf32, #tpu.memory_space<hbm>> -> memref<1x632x128xf32, #tpu.memory_space<hbm>>
      %dma_start3A_131 = tpu.memref_squeeze %dma_start3A_130 : memref<1x632x128xf32, #tpu.memory_space<hbm>> -> memref<632x128xf32, #tpu.memory_space<hbm>>
      %dma_start3A_132 = arith.constant 0 : i32
      %dma_start3A_133 = tpu.memref_slice %arg11[%mul3A_126, %dma_start3A_132] : memref<10112x128xf32, #tpu.memory_space<vmem_shared>> -> memref<632x128xf32, #tpu.memory_space<vmem_shared>>
      tpu.enqueue_dma source(%dma_start3A_133 : memref<632x128xf32, #tpu.memory_space<vmem_shared>>) target(%dma_start3A_131 : memref<632x128xf32, #tpu.memory_space<hbm>>) target_semaphore(%run_scoped3A : memref<!tpu.dma_semaphore, #tpu.memory_space<semaphore_mem>>)
      %dma_wait3A_134 = arith.constant 0 : i32
      %dma_wait3A_135 = tpu.memref_slice %arg6[%arg0, %mul3A_128, %dma_wait3A_134] : memref<2x10112x128xf32, #tpu.memory_space<hbm>> -> memref<1x632x128xf32, #tpu.memory_space<hbm>>
      %dma_wait3A_136 = tpu.memref_squeeze %dma_wait3A_135 : memref<1x632x128xf32, #tpu.memory_space<hbm>> -> memref<632x128xf32, #tpu.memory_space<hbm>>
      %dma_wait3A_137 = arith.constant 0 : i32
      %dma_wait3A_138 = tpu.memref_slice %arg11[%mul3A_126, %dma_wait3A_137] : memref<10112x128xf32, #tpu.memory_space<vmem_shared>> -> memref<632x128xf32, #tpu.memory_space<vmem_shared>>
      tpu.wait_dma2 semaphore(%run_scoped3A : memref<!tpu.dma_semaphore, #tpu.memory_space<semaphore_mem>>) src(%dma_wait3A_138 : memref<632x128xf32, #tpu.memory_space<vmem_shared>>) dst(%dma_wait3A_136 : memref<632x128xf32, #tpu.memory_space<hbm>>)
      tpu.yield
    }) : () -> ()
    return
  }
}

#map = affine_map<(d0, d1) -> (0, 0)>
#map1 = affine_map<(d0, d1) -> (0, 0, 0)>
module attributes {stable_mosaic.version = 14 : i64} {
  func.func @k(%arg0: i32, %arg1: i32, %arg2: memref<10112x128xf32, #tpu.memory_space<hbm>>, %arg3: memref<32x80x128xi32, #tpu.memory_space<hbm>>, %arg4: memref<32x80x128xi32, #tpu.memory_space<hbm>>, %arg5: memref<632x128xf32, #tpu.memory_space<hbm>>, %arg6: memref<2x10112x128xf32, #tpu.memory_space<hbm>>, %arg7: memref<40x128xi32, #tpu.memory_space<vmem>>, %arg8: memref<40x128xi32, #tpu.memory_space<vmem>>, %arg9: memref<128x128xf32, #tpu.memory_space<vmem>>, %arg10: memref<128x128xf32, #tpu.memory_space<vmem>>, %arg11: memref<10112x128xf32, #tpu.memory_space<vmem_shared>>, %arg12: memref<!tpu.dma_semaphore, #tpu.memory_space<semaphore_mem>>, %arg13: memref<!tpu.dma_semaphore, #tpu.memory_space<semaphore_mem>>, %arg14: memref<!tpu.dma_semaphore, #tpu.memory_space<semaphore_mem>>, %arg15: memref<!tpu.dma_semaphore, #tpu.memory_space<semaphore_mem>>) attributes {dimension_semantics = [#tpu.dimension_semantics<core_parallel>, #tpu.dimension_semantics<subcore_parallel>], iteration_bounds = array<i64: 2, 16>, scalar_prefetch = 0 : i64, scratch_operands = 9 : i64, tpu.core_type = #tpu.core_type<sc_vector_subcore>, window_params = [{transform_indices = #map}, {transform_indices = #map1}, {transform_indices = #map1}, {transform_indices = #map}, {transform_indices = #map1}]} {
    %mul3A = arith.constant 2 : i32
    %mul3A_0 = arith.muli %arg1, %mul3A : i32
    %add3A = arith.addi %mul3A_0, %arg0 : i32
    %mul3A_1 = arith.constant 632 : i32
    %mul3A_2 = arith.muli %arg1, %mul3A_1 : i32
    "tpu.region"() ({
      %run_scoped3A = tpu.sem_alloc : memref<!tpu.dma_semaphore, #tpu.memory_space<semaphore_mem>>
      %dma_start3A_129 = arith.constant 0 : i32
      %dma_start3A_130 = tpu.memref_slice %arg11[%mul3A_2, %dma_start3A_129] : memref<10112x128xf32, #tpu.memory_space<vmem_shared>> -> memref<632x128xf32, #tpu.memory_space<vmem_shared>>
      %dma_start3A_131 = arith.constant 0 : i32
      %dma_start3A_132 = arith.constant 0 : i32
      %dma_start3A_133 = tpu.memref_slice %arg5[%dma_start3A_131, %dma_start3A_132] : memref<632x128xf32, #tpu.memory_space<hbm>> -> memref<632x128xf32, #tpu.memory_space<hbm>>
      tpu.enqueue_dma source(%dma_start3A_133 : memref<632x128xf32, #tpu.memory_space<hbm>>) target(%dma_start3A_130 : memref<632x128xf32, #tpu.memory_space<vmem_shared>>) target_semaphore(%run_scoped3A : memref<!tpu.dma_semaphore, #tpu.memory_space<semaphore_mem>>)
      %dma_wait3A_134 = arith.constant 0 : i32
      %dma_wait3A_135 = tpu.memref_slice %arg11[%mul3A_2, %dma_wait3A_134] : memref<10112x128xf32, #tpu.memory_space<vmem_shared>> -> memref<632x128xf32, #tpu.memory_space<vmem_shared>>
      %dma_wait3A_136 = arith.constant 0 : i32
      %dma_wait3A_137 = arith.constant 0 : i32
      %dma_wait3A_138 = tpu.memref_slice %arg5[%dma_wait3A_136, %dma_wait3A_137] : memref<632x128xf32, #tpu.memory_space<hbm>> -> memref<632x128xf32, #tpu.memory_space<hbm>>
      tpu.wait_dma2 semaphore(%run_scoped3A : memref<!tpu.dma_semaphore, #tpu.memory_space<semaphore_mem>>) src(%dma_wait3A_138 : memref<632x128xf32, #tpu.memory_space<hbm>>) dst(%dma_wait3A_135 : memref<632x128xf32, #tpu.memory_space<vmem_shared>>)
      tpu.yield
    }) : () -> ()
    %barrier3A = arith.constant 0 : index
    tpu.barrier barrier_id(%barrier3A)
    "tpu.region"() ({
      %run_scoped3A = tpu.sem_alloc : memref<!tpu.dma_semaphore, #tpu.memory_space<semaphore_mem>>
      %dma_start3A_129 = arith.constant 0 : i32
      %dma_start3A_130 = arith.constant 0 : i32
      %dma_start3A_131 = tpu.memref_slice %arg3[%add3A, %dma_start3A_129, %dma_start3A_130] : memref<32x80x128xi32, #tpu.memory_space<hbm>> -> memref<1x40x128xi32, #tpu.memory_space<hbm>>
      %dma_start3A_132 = tpu.memref_squeeze %dma_start3A_131 : memref<1x40x128xi32, #tpu.memory_space<hbm>> -> memref<40x128xi32, #tpu.memory_space<hbm>>
      %dma_start3A_133 = arith.constant 0 : i32
      %dma_start3A_134 = arith.constant 0 : i32
      %dma_start3A_135 = tpu.memref_slice %arg3[%add3A, %dma_start3A_133, %dma_start3A_134] : memref<32x80x128xi32, #tpu.memory_space<hbm>> -> memref<1x40x128xi32, #tpu.memory_space<hbm>>
      %dma_start3A_136 = tpu.memref_squeeze %dma_start3A_135 : memref<1x40x128xi32, #tpu.memory_space<hbm>> -> memref<40x128xi32, #tpu.memory_space<hbm>>
      tpu.enqueue_dma source(%dma_start3A_136 : memref<40x128xi32, #tpu.memory_space<hbm>>) target(%arg7 : memref<40x128xi32, #tpu.memory_space<vmem>>) target_semaphore(%run_scoped3A : memref<!tpu.dma_semaphore, #tpu.memory_space<semaphore_mem>>)
      %dma_wait3A_137 = arith.constant 0 : i32
      %dma_wait3A_138 = arith.constant 0 : i32
      %dma_wait3A_139 = tpu.memref_slice %arg3[%add3A, %dma_wait3A_137, %dma_wait3A_138] : memref<32x80x128xi32, #tpu.memory_space<hbm>> -> memref<1x40x128xi32, #tpu.memory_space<hbm>>
      %dma_wait3A_140 = tpu.memref_squeeze %dma_wait3A_139 : memref<1x40x128xi32, #tpu.memory_space<hbm>> -> memref<40x128xi32, #tpu.memory_space<hbm>>
      %dma_wait3A_141 = arith.constant 0 : i32
      %dma_wait3A_142 = arith.constant 0 : i32
      %dma_wait3A_143 = tpu.memref_slice %arg3[%add3A, %dma_wait3A_141, %dma_wait3A_142] : memref<32x80x128xi32, #tpu.memory_space<hbm>> -> memref<1x40x128xi32, #tpu.memory_space<hbm>>
      %dma_wait3A_144 = tpu.memref_squeeze %dma_wait3A_143 : memref<1x40x128xi32, #tpu.memory_space<hbm>> -> memref<40x128xi32, #tpu.memory_space<hbm>>
      tpu.wait_dma2 semaphore(%run_scoped3A : memref<!tpu.dma_semaphore, #tpu.memory_space<semaphore_mem>>) src(%dma_wait3A_144 : memref<40x128xi32, #tpu.memory_space<hbm>>) dst(%arg7 : memref<40x128xi32, #tpu.memory_space<vmem>>)
      tpu.yield
    }) : () -> ()
    "tpu.region"() ({
      %run_scoped3A = tpu.sem_alloc : memref<!tpu.dma_semaphore, #tpu.memory_space<semaphore_mem>>
      %dma_start3A_129 = arith.constant 0 : i32
      %dma_start3A_130 = arith.constant 0 : i32
      %dma_start3A_131 = tpu.memref_slice %arg4[%add3A, %dma_start3A_129, %dma_start3A_130] : memref<32x80x128xi32, #tpu.memory_space<hbm>> -> memref<1x40x128xi32, #tpu.memory_space<hbm>>
      %dma_start3A_132 = tpu.memref_squeeze %dma_start3A_131 : memref<1x40x128xi32, #tpu.memory_space<hbm>> -> memref<40x128xi32, #tpu.memory_space<hbm>>
      %dma_start3A_133 = arith.constant 0 : i32
      %dma_start3A_134 = arith.constant 0 : i32
      %dma_start3A_135 = tpu.memref_slice %arg4[%add3A, %dma_start3A_133, %dma_start3A_134] : memref<32x80x128xi32, #tpu.memory_space<hbm>> -> memref<1x40x128xi32, #tpu.memory_space<hbm>>
      %dma_start3A_136 = tpu.memref_squeeze %dma_start3A_135 : memref<1x40x128xi32, #tpu.memory_space<hbm>> -> memref<40x128xi32, #tpu.memory_space<hbm>>
      tpu.enqueue_dma source(%dma_start3A_136 : memref<40x128xi32, #tpu.memory_space<hbm>>) target(%arg8 : memref<40x128xi32, #tpu.memory_space<vmem>>) target_semaphore(%run_scoped3A : memref<!tpu.dma_semaphore, #tpu.memory_space<semaphore_mem>>)
      %dma_wait3A_137 = arith.constant 0 : i32
      %dma_wait3A_138 = arith.constant 0 : i32
      %dma_wait3A_139 = tpu.memref_slice %arg4[%add3A, %dma_wait3A_137, %dma_wait3A_138] : memref<32x80x128xi32, #tpu.memory_space<hbm>> -> memref<1x40x128xi32, #tpu.memory_space<hbm>>
      %dma_wait3A_140 = tpu.memref_squeeze %dma_wait3A_139 : memref<1x40x128xi32, #tpu.memory_space<hbm>> -> memref<40x128xi32, #tpu.memory_space<hbm>>
      %dma_wait3A_141 = arith.constant 0 : i32
      %dma_wait3A_142 = arith.constant 0 : i32
      %dma_wait3A_143 = tpu.memref_slice %arg4[%add3A, %dma_wait3A_141, %dma_wait3A_142] : memref<32x80x128xi32, #tpu.memory_space<hbm>> -> memref<1x40x128xi32, #tpu.memory_space<hbm>>
      %dma_wait3A_144 = tpu.memref_squeeze %dma_wait3A_143 : memref<1x40x128xi32, #tpu.memory_space<hbm>> -> memref<40x128xi32, #tpu.memory_space<hbm>>
      tpu.wait_dma2 semaphore(%run_scoped3A : memref<!tpu.dma_semaphore, #tpu.memory_space<semaphore_mem>>) src(%dma_wait3A_144 : memref<40x128xi32, #tpu.memory_space<hbm>>) dst(%arg8 : memref<40x128xi32, #tpu.memory_space<vmem>>)
      tpu.yield
    }) : () -> ()
    %dma_start3A = arith.constant 0 : i32
    %dma_start3A_3 = arith.constant 0 : i32
    %dma_start3A_4 = tpu.memref_slice %arg7[%dma_start3A, %dma_start3A_3] : memref<40x128xi32, #tpu.memory_space<vmem>> -> memref<1x128xi32, #tpu.memory_space<vmem>>
    %dma_start3A_5 = tpu.memref_squeeze %dma_start3A_4 : memref<1x128xi32, #tpu.memory_space<vmem>> -> memref<128xi32, #tpu.memory_space<vmem>>
    %dma_start3A_6 = arith.constant 0 : i32
    %dma_start3A_7 = arith.constant 0 : i32
    %dma_start3A_8 = tpu.memref_slice %arg2[%dma_start3A_6, %dma_start3A_7] : memref<10112x128xf32, #tpu.memory_space<hbm>> -> memref<10112x128xf32, #tpu.memory_space<hbm>>
    tpu.enqueue_indirect_dma source(%dma_start3A_8 : memref<10112x128xf32, #tpu.memory_space<hbm>>) target(%arg9 : memref<128x128xf32, #tpu.memory_space<vmem>>) offsets(%dma_start3A_5 : memref<128xi32, #tpu.memory_space<vmem>>) semaphore(%arg14 : memref<!tpu.dma_semaphore, #tpu.memory_space<semaphore_mem>>)
    %dma_start3A_9 = arith.constant 1 : i32
    %dma_start3A_10 = arith.constant 0 : i32
    %dma_start3A_11 = tpu.memref_slice %arg7[%dma_start3A_9, %dma_start3A_10] : memref<40x128xi32, #tpu.memory_space<vmem>> -> memref<1x128xi32, #tpu.memory_space<vmem>>
    %dma_start3A_12 = tpu.memref_squeeze %dma_start3A_11 : memref<1x128xi32, #tpu.memory_space<vmem>> -> memref<128xi32, #tpu.memory_space<vmem>>
    %dma_start3A_13 = arith.constant 0 : i32
    %dma_start3A_14 = arith.constant 0 : i32
    %dma_start3A_15 = tpu.memref_slice %arg2[%dma_start3A_13, %dma_start3A_14] : memref<10112x128xf32, #tpu.memory_space<hbm>> -> memref<10112x128xf32, #tpu.memory_space<hbm>>
    tpu.enqueue_indirect_dma source(%dma_start3A_15 : memref<10112x128xf32, #tpu.memory_space<hbm>>) target(%arg10 : memref<128x128xf32, #tpu.memory_space<vmem>>) offsets(%dma_start3A_12 : memref<128xi32, #tpu.memory_space<vmem>>) semaphore(%arg15 : memref<!tpu.dma_semaphore, #tpu.memory_space<semaphore_mem>>)
    %scan3A = arith.constant 0 : i32
    %scan3A_16 = arith.constant 0 : i32
    %scan3A_17 = arith.constant 19 : i32
    %scan3A_18 = arith.addi %scan3A_16, %scan3A_17 : i32
    %scan3A_19 = arith.constant 1 : i32
    scf.for %scan3A_129 = %scan3A_16 to %scan3A_18 step %scan3A_19  : i32 {
      %mul3A_130 = arith.constant 2 : i32
      %mul3A_131 = arith.muli %mul3A_130, %scan3A_129 : i32
      %dma_wait3A_132 = arith.constant 0 : i32
      %dma_wait3A_133 = tpu.memref_slice %arg7[%mul3A_131, %dma_wait3A_132] : memref<40x128xi32, #tpu.memory_space<vmem>> -> memref<1x128xi32, #tpu.memory_space<vmem>>
      %dma_wait3A_134 = tpu.memref_squeeze %dma_wait3A_133 : memref<1x128xi32, #tpu.memory_space<vmem>> -> memref<128xi32, #tpu.memory_space<vmem>>
      %dma_wait3A_135 = arith.constant 0 : i32
      %dma_wait3A_136 = arith.constant 0 : i32
      %dma_wait3A_137 = tpu.memref_slice %arg2[%dma_wait3A_135, %dma_wait3A_136] : memref<10112x128xf32, #tpu.memory_space<hbm>> -> memref<10112x128xf32, #tpu.memory_space<hbm>>
      tpu.wait_indirect_dma semaphore(%arg14 : memref<!tpu.dma_semaphore, #tpu.memory_space<semaphore_mem>>) src(%dma_wait3A_137 : memref<10112x128xf32, #tpu.memory_space<hbm>>) dst(%arg9 : memref<128x128xf32, #tpu.memory_space<vmem>>)
      %dma_start3A_138 = arith.constant 0 : i32
      %dma_start3A_139 = tpu.memref_slice %arg8[%mul3A_131, %dma_start3A_138] : memref<40x128xi32, #tpu.memory_space<vmem>> -> memref<1x128xi32, #tpu.memory_space<vmem>>
      %dma_start3A_140 = tpu.memref_squeeze %dma_start3A_139 : memref<1x128xi32, #tpu.memory_space<vmem>> -> memref<128xi32, #tpu.memory_space<vmem>>
      %dma_start3A_141 = arith.constant 0 : i32
      %dma_start3A_142 = arith.constant 0 : i32
      %dma_start3A_143 = tpu.memref_slice %arg11[%dma_start3A_141, %dma_start3A_142] : memref<10112x128xf32, #tpu.memory_space<vmem_shared>> -> memref<10112x128xf32, #tpu.memory_space<vmem_shared>>
      tpu.enqueue_indirect_dma source(%arg9 : memref<128x128xf32, #tpu.memory_space<vmem>>) target(%dma_start3A_143 : memref<10112x128xf32, #tpu.memory_space<vmem_shared>>) offsets(%dma_start3A_140 : memref<128xi32, #tpu.memory_space<vmem>>) semaphore(%arg12 : memref<!tpu.dma_semaphore, #tpu.memory_space<semaphore_mem>>) {add = true}
      %add3A_144 = arith.constant 1 : i32
      %add3A_145 = arith.addi %mul3A_131, %add3A_144 : i32
      %dma_wait3A_146 = arith.constant 0 : i32
      %dma_wait3A_147 = tpu.memref_slice %arg7[%add3A_145, %dma_wait3A_146] : memref<40x128xi32, #tpu.memory_space<vmem>> -> memref<1x128xi32, #tpu.memory_space<vmem>>
      %dma_wait3A_148 = tpu.memref_squeeze %dma_wait3A_147 : memref<1x128xi32, #tpu.memory_space<vmem>> -> memref<128xi32, #tpu.memory_space<vmem>>
      %dma_wait3A_149 = arith.constant 0 : i32
      %dma_wait3A_150 = arith.constant 0 : i32
      %dma_wait3A_151 = tpu.memref_slice %arg2[%dma_wait3A_149, %dma_wait3A_150] : memref<10112x128xf32, #tpu.memory_space<hbm>> -> memref<10112x128xf32, #tpu.memory_space<hbm>>
      tpu.wait_indirect_dma semaphore(%arg15 : memref<!tpu.dma_semaphore, #tpu.memory_space<semaphore_mem>>) src(%dma_wait3A_151 : memref<10112x128xf32, #tpu.memory_space<hbm>>) dst(%arg10 : memref<128x128xf32, #tpu.memory_space<vmem>>)
      %add3A_152 = arith.constant 1 : i32
      %add3A_153 = arith.addi %mul3A_131, %add3A_152 : i32
      %dma_start3A_154 = arith.constant 0 : i32
      %dma_start3A_155 = tpu.memref_slice %arg8[%add3A_153, %dma_start3A_154] : memref<40x128xi32, #tpu.memory_space<vmem>> -> memref<1x128xi32, #tpu.memory_space<vmem>>
      %dma_start3A_156 = tpu.memref_squeeze %dma_start3A_155 : memref<1x128xi32, #tpu.memory_space<vmem>> -> memref<128xi32, #tpu.memory_space<vmem>>
      %dma_start3A_157 = arith.constant 0 : i32
      %dma_start3A_158 = arith.constant 0 : i32
      %dma_start3A_159 = tpu.memref_slice %arg11[%dma_start3A_157, %dma_start3A_158] : memref<10112x128xf32, #tpu.memory_space<vmem_shared>> -> memref<10112x128xf32, #tpu.memory_space<vmem_shared>>
      tpu.enqueue_indirect_dma source(%arg10 : memref<128x128xf32, #tpu.memory_space<vmem>>) target(%dma_start3A_159 : memref<10112x128xf32, #tpu.memory_space<vmem_shared>>) offsets(%dma_start3A_156 : memref<128xi32, #tpu.memory_space<vmem>>) semaphore(%arg13 : memref<!tpu.dma_semaphore, #tpu.memory_space<semaphore_mem>>) {add = true}
      %dma_wait3A_160 = arith.constant 0 : i32
      %dma_wait3A_161 = tpu.memref_slice %arg8[%mul3A_131, %dma_wait3A_160] : memref<40x128xi32, #tpu.memory_space<vmem>> -> memref<1x128xi32, #tpu.memory_space<vmem>>
      %dma_wait3A_162 = tpu.memref_squeeze %dma_wait3A_161 : memref<1x128xi32, #tpu.memory_space<vmem>> -> memref<128xi32, #tpu.memory_space<vmem>>
      %dma_wait3A_163 = arith.constant 0 : i32
      %dma_wait3A_164 = arith.constant 0 : i32
      %dma_wait3A_165 = tpu.memref_slice %arg11[%dma_wait3A_163, %dma_wait3A_164] : memref<10112x128xf32, #tpu.memory_space<vmem_shared>> -> memref<10112x128xf32, #tpu.memory_space<vmem_shared>>
      tpu.wait_indirect_dma semaphore(%arg12 : memref<!tpu.dma_semaphore, #tpu.memory_space<semaphore_mem>>) src(%arg9 : memref<128x128xf32, #tpu.memory_space<vmem>>) dst(%dma_wait3A_165 : memref<10112x128xf32, #tpu.memory_space<vmem_shared>>)
      %add3A_166 = arith.constant 2 : i32
      %add3A_167 = arith.addi %mul3A_131, %add3A_166 : i32
      %dma_start3A_168 = arith.constant 0 : i32
      %dma_start3A_169 = tpu.memref_slice %arg7[%add3A_167, %dma_start3A_168] : memref<40x128xi32, #tpu.memory_space<vmem>> -> memref<1x128xi32, #tpu.memory_space<vmem>>
      %dma_start3A_170 = tpu.memref_squeeze %dma_start3A_169 : memref<1x128xi32, #tpu.memory_space<vmem>> -> memref<128xi32, #tpu.memory_space<vmem>>
      %dma_start3A_171 = arith.constant 0 : i32
      %dma_start3A_172 = arith.constant 0 : i32
      %dma_start3A_173 = tpu.memref_slice %arg2[%dma_start3A_171, %dma_start3A_172] : memref<10112x128xf32, #tpu.memory_space<hbm>> -> memref<10112x128xf32, #tpu.memory_space<hbm>>
      tpu.enqueue_indirect_dma source(%dma_start3A_173 : memref<10112x128xf32, #tpu.memory_space<hbm>>) target(%arg9 : memref<128x128xf32, #tpu.memory_space<vmem>>) offsets(%dma_start3A_170 : memref<128xi32, #tpu.memory_space<vmem>>) semaphore(%arg14 : memref<!tpu.dma_semaphore, #tpu.memory_space<semaphore_mem>>)
      %dma_wait3A_174 = arith.constant 0 : i32
      %dma_wait3A_175 = tpu.memref_slice %arg8[%add3A_153, %dma_wait3A_174] : memref<40x128xi32, #tpu.memory_space<vmem>> -> memref<1x128xi32, #tpu.memory_space<vmem>>
      %dma_wait3A_176 = tpu.memref_squeeze %dma_wait3A_175 : memref<1x128xi32, #tpu.memory_space<vmem>> -> memref<128xi32, #tpu.memory_space<vmem>>
      %dma_wait3A_177 = arith.constant 0 : i32
      %dma_wait3A_178 = arith.constant 0 : i32
      %dma_wait3A_179 = tpu.memref_slice %arg11[%dma_wait3A_177, %dma_wait3A_178] : memref<10112x128xf32, #tpu.memory_space<vmem_shared>> -> memref<10112x128xf32, #tpu.memory_space<vmem_shared>>
      tpu.wait_indirect_dma semaphore(%arg13 : memref<!tpu.dma_semaphore, #tpu.memory_space<semaphore_mem>>) src(%arg10 : memref<128x128xf32, #tpu.memory_space<vmem>>) dst(%dma_wait3A_179 : memref<10112x128xf32, #tpu.memory_space<vmem_shared>>)
      %add3A_180 = arith.constant 3 : i32
      %add3A_181 = arith.addi %mul3A_131, %add3A_180 : i32
      %dma_start3A_182 = arith.constant 0 : i32
      %dma_start3A_183 = tpu.memref_slice %arg7[%add3A_181, %dma_start3A_182] : memref<40x128xi32, #tpu.memory_space<vmem>> -> memref<1x128xi32, #tpu.memory_space<vmem>>
      %dma_start3A_184 = tpu.memref_squeeze %dma_start3A_183 : memref<1x128xi32, #tpu.memory_space<vmem>> -> memref<128xi32, #tpu.memory_space<vmem>>
      %dma_start3A_185 = arith.constant 0 : i32
      %dma_start3A_186 = arith.constant 0 : i32
      %dma_start3A_187 = tpu.memref_slice %arg2[%dma_start3A_185, %dma_start3A_186] : memref<10112x128xf32, #tpu.memory_space<hbm>> -> memref<10112x128xf32, #tpu.memory_space<hbm>>
      tpu.enqueue_indirect_dma source(%dma_start3A_187 : memref<10112x128xf32, #tpu.memory_space<hbm>>) target(%arg10 : memref<128x128xf32, #tpu.memory_space<vmem>>) offsets(%dma_start3A_184 : memref<128xi32, #tpu.memory_space<vmem>>) semaphore(%arg15 : memref<!tpu.dma_semaphore, #tpu.memory_space<semaphore_mem>>)
    }
    %scan3A_20 = arith.constant 19 : i32
    %dma_wait3A = arith.constant 38 : i32
    %dma_wait3A_21 = arith.constant 0 : i32
    %dma_wait3A_22 = tpu.memref_slice %arg7[%dma_wait3A, %dma_wait3A_21] : memref<40x128xi32, #tpu.memory_space<vmem>> -> memref<1x128xi32, #tpu.memory_space<vmem>>
    %dma_wait3A_23 = tpu.memref_squeeze %dma_wait3A_22 : memref<1x128xi32, #tpu.memory_space<vmem>> -> memref<128xi32, #tpu.memory_space<vmem>>
    %dma_wait3A_24 = arith.constant 0 : i32
    %dma_wait3A_25 = arith.constant 0 : i32
    %dma_wait3A_26 = tpu.memref_slice %arg2[%dma_wait3A_24, %dma_wait3A_25] : memref<10112x128xf32, #tpu.memory_space<hbm>> -> memref<10112x128xf32, #tpu.memory_space<hbm>>
    tpu.wait_indirect_dma semaphore(%arg14 : memref<!tpu.dma_semaphore, #tpu.memory_space<semaphore_mem>>) src(%dma_wait3A_26 : memref<10112x128xf32, #tpu.memory_space<hbm>>) dst(%arg9 : memref<128x128xf32, #tpu.memory_space<vmem>>)
    %dma_start3A_27 = arith.constant 38 : i32
    %dma_start3A_28 = arith.constant 0 : i32
    %dma_start3A_29 = tpu.memref_slice %arg8[%dma_start3A_27, %dma_start3A_28] : memref<40x128xi32, #tpu.memory_space<vmem>> -> memref<1x128xi32, #tpu.memory_space<vmem>>
    %dma_start3A_30 = tpu.memref_squeeze %dma_start3A_29 : memref<1x128xi32, #tpu.memory_space<vmem>> -> memref<128xi32, #tpu.memory_space<vmem>>
    %dma_start3A_31 = arith.constant 0 : i32
    %dma_start3A_32 = arith.constant 0 : i32
    %dma_start3A_33 = tpu.memref_slice %arg11[%dma_start3A_31, %dma_start3A_32] : memref<10112x128xf32, #tpu.memory_space<vmem_shared>> -> memref<10112x128xf32, #tpu.memory_space<vmem_shared>>
    tpu.enqueue_indirect_dma source(%arg9 : memref<128x128xf32, #tpu.memory_space<vmem>>) target(%dma_start3A_33 : memref<10112x128xf32, #tpu.memory_space<vmem_shared>>) offsets(%dma_start3A_30 : memref<128xi32, #tpu.memory_space<vmem>>) semaphore(%arg12 : memref<!tpu.dma_semaphore, #tpu.memory_space<semaphore_mem>>) {add = true}
    %dma_wait3A_34 = arith.constant 39 : i32
    %dma_wait3A_35 = arith.constant 0 : i32
    %dma_wait3A_36 = tpu.memref_slice %arg7[%dma_wait3A_34, %dma_wait3A_35] : memref<40x128xi32, #tpu.memory_space<vmem>> -> memref<1x128xi32, #tpu.memory_space<vmem>>
    %dma_wait3A_37 = tpu.memref_squeeze %dma_wait3A_36 : memref<1x128xi32, #tpu.memory_space<vmem>> -> memref<128xi32, #tpu.memory_space<vmem>>
    %dma_wait3A_38 = arith.constant 0 : i32
    %dma_wait3A_39 = arith.constant 0 : i32
    %dma_wait3A_40 = tpu.memref_slice %arg2[%dma_wait3A_38, %dma_wait3A_39] : memref<10112x128xf32, #tpu.memory_space<hbm>> -> memref<10112x128xf32, #tpu.memory_space<hbm>>
    tpu.wait_indirect_dma semaphore(%arg15 : memref<!tpu.dma_semaphore, #tpu.memory_space<semaphore_mem>>) src(%dma_wait3A_40 : memref<10112x128xf32, #tpu.memory_space<hbm>>) dst(%arg10 : memref<128x128xf32, #tpu.memory_space<vmem>>)
    %dma_start3A_41 = arith.constant 39 : i32
    %dma_start3A_42 = arith.constant 0 : i32
    %dma_start3A_43 = tpu.memref_slice %arg8[%dma_start3A_41, %dma_start3A_42] : memref<40x128xi32, #tpu.memory_space<vmem>> -> memref<1x128xi32, #tpu.memory_space<vmem>>
    %dma_start3A_44 = tpu.memref_squeeze %dma_start3A_43 : memref<1x128xi32, #tpu.memory_space<vmem>> -> memref<128xi32, #tpu.memory_space<vmem>>
    %dma_start3A_45 = arith.constant 0 : i32
    %dma_start3A_46 = arith.constant 0 : i32
    %dma_start3A_47 = tpu.memref_slice %arg11[%dma_start3A_45, %dma_start3A_46] : memref<10112x128xf32, #tpu.memory_space<vmem_shared>> -> memref<10112x128xf32, #tpu.memory_space<vmem_shared>>
    tpu.enqueue_indirect_dma source(%arg10 : memref<128x128xf32, #tpu.memory_space<vmem>>) target(%dma_start3A_47 : memref<10112x128xf32, #tpu.memory_space<vmem_shared>>) offsets(%dma_start3A_44 : memref<128xi32, #tpu.memory_space<vmem>>) semaphore(%arg13 : memref<!tpu.dma_semaphore, #tpu.memory_space<semaphore_mem>>) {add = true}
    %dma_wait3A_48 = arith.constant 38 : i32
    %dma_wait3A_49 = arith.constant 0 : i32
    %dma_wait3A_50 = tpu.memref_slice %arg8[%dma_wait3A_48, %dma_wait3A_49] : memref<40x128xi32, #tpu.memory_space<vmem>> -> memref<1x128xi32, #tpu.memory_space<vmem>>
    %dma_wait3A_51 = tpu.memref_squeeze %dma_wait3A_50 : memref<1x128xi32, #tpu.memory_space<vmem>> -> memref<128xi32, #tpu.memory_space<vmem>>
    %dma_wait3A_52 = arith.constant 0 : i32
    %dma_wait3A_53 = arith.constant 0 : i32
    %dma_wait3A_54 = tpu.memref_slice %arg11[%dma_wait3A_52, %dma_wait3A_53] : memref<10112x128xf32, #tpu.memory_space<vmem_shared>> -> memref<10112x128xf32, #tpu.memory_space<vmem_shared>>
    tpu.wait_indirect_dma semaphore(%arg12 : memref<!tpu.dma_semaphore, #tpu.memory_space<semaphore_mem>>) src(%arg9 : memref<128x128xf32, #tpu.memory_space<vmem>>) dst(%dma_wait3A_54 : memref<10112x128xf32, #tpu.memory_space<vmem_shared>>)
    %dma_wait3A_55 = arith.constant 39 : i32
    %dma_wait3A_56 = arith.constant 0 : i32
    %dma_wait3A_57 = tpu.memref_slice %arg8[%dma_wait3A_55, %dma_wait3A_56] : memref<40x128xi32, #tpu.memory_space<vmem>> -> memref<1x128xi32, #tpu.memory_space<vmem>>
    %dma_wait3A_58 = tpu.memref_squeeze %dma_wait3A_57 : memref<1x128xi32, #tpu.memory_space<vmem>> -> memref<128xi32, #tpu.memory_space<vmem>>
    %dma_wait3A_59 = arith.constant 0 : i32
    %dma_wait3A_60 = arith.constant 0 : i32
    %dma_wait3A_61 = tpu.memref_slice %arg11[%dma_wait3A_59, %dma_wait3A_60] : memref<10112x128xf32, #tpu.memory_space<vmem_shared>> -> memref<10112x128xf32, #tpu.memory_space<vmem_shared>>
    tpu.wait_indirect_dma semaphore(%arg13 : memref<!tpu.dma_semaphore, #tpu.memory_space<semaphore_mem>>) src(%arg10 : memref<128x128xf32, #tpu.memory_space<vmem>>) dst(%dma_wait3A_61 : memref<10112x128xf32, #tpu.memory_space<vmem_shared>>)
    "tpu.region"() ({
      %run_scoped3A = tpu.sem_alloc : memref<!tpu.dma_semaphore, #tpu.memory_space<semaphore_mem>>
      %dma_start3A_129 = arith.constant 40 : i32
      %dma_start3A_130 = arith.constant 0 : i32
      %dma_start3A_131 = tpu.memref_slice %arg3[%add3A, %dma_start3A_129, %dma_start3A_130] : memref<32x80x128xi32, #tpu.memory_space<hbm>> -> memref<1x40x128xi32, #tpu.memory_space<hbm>>
      %dma_start3A_132 = tpu.memref_squeeze %dma_start3A_131 : memref<1x40x128xi32, #tpu.memory_space<hbm>> -> memref<40x128xi32, #tpu.memory_space<hbm>>
      %dma_start3A_133 = arith.constant 40 : i32
      %dma_start3A_134 = arith.constant 0 : i32
      %dma_start3A_135 = tpu.memref_slice %arg3[%add3A, %dma_start3A_133, %dma_start3A_134] : memref<32x80x128xi32, #tpu.memory_space<hbm>> -> memref<1x40x128xi32, #tpu.memory_space<hbm>>
      %dma_start3A_136 = tpu.memref_squeeze %dma_start3A_135 : memref<1x40x128xi32, #tpu.memory_space<hbm>> -> memref<40x128xi32, #tpu.memory_space<hbm>>
      tpu.enqueue_dma source(%dma_start3A_136 : memref<40x128xi32, #tpu.memory_space<hbm>>) target(%arg7 : memref<40x128xi32, #tpu.memory_space<vmem>>) target_semaphore(%run_scoped3A : memref<!tpu.dma_semaphore, #tpu.memory_space<semaphore_mem>>)
      %dma_wait3A_137 = arith.constant 40 : i32
      %dma_wait3A_138 = arith.constant 0 : i32
      %dma_wait3A_139 = tpu.memref_slice %arg3[%add3A, %dma_wait3A_137, %dma_wait3A_138] : memref<32x80x128xi32, #tpu.memory_space<hbm>> -> memref<1x40x128xi32, #tpu.memory_space<hbm>>
      %dma_wait3A_140 = tpu.memref_squeeze %dma_wait3A_139 : memref<1x40x128xi32, #tpu.memory_space<hbm>> -> memref<40x128xi32, #tpu.memory_space<hbm>>
      %dma_wait3A_141 = arith.constant 40 : i32
      %dma_wait3A_142 = arith.constant 0 : i32
      %dma_wait3A_143 = tpu.memref_slice %arg3[%add3A, %dma_wait3A_141, %dma_wait3A_142] : memref<32x80x128xi32, #tpu.memory_space<hbm>> -> memref<1x40x128xi32, #tpu.memory_space<hbm>>
      %dma_wait3A_144 = tpu.memref_squeeze %dma_wait3A_143 : memref<1x40x128xi32, #tpu.memory_space<hbm>> -> memref<40x128xi32, #tpu.memory_space<hbm>>
      tpu.wait_dma2 semaphore(%run_scoped3A : memref<!tpu.dma_semaphore, #tpu.memory_space<semaphore_mem>>) src(%dma_wait3A_144 : memref<40x128xi32, #tpu.memory_space<hbm>>) dst(%arg7 : memref<40x128xi32, #tpu.memory_space<vmem>>)
      tpu.yield
    }) : () -> ()
    "tpu.region"() ({
      %run_scoped3A = tpu.sem_alloc : memref<!tpu.dma_semaphore, #tpu.memory_space<semaphore_mem>>
      %dma_start3A_129 = arith.constant 40 : i32
      %dma_start3A_130 = arith.constant 0 : i32
      %dma_start3A_131 = tpu.memref_slice %arg4[%add3A, %dma_start3A_129, %dma_start3A_130] : memref<32x80x128xi32, #tpu.memory_space<hbm>> -> memref<1x40x128xi32, #tpu.memory_space<hbm>>
      %dma_start3A_132 = tpu.memref_squeeze %dma_start3A_131 : memref<1x40x128xi32, #tpu.memory_space<hbm>> -> memref<40x128xi32, #tpu.memory_space<hbm>>
      %dma_start3A_133 = arith.constant 40 : i32
      %dma_start3A_134 = arith.constant 0 : i32
      %dma_start3A_135 = tpu.memref_slice %arg4[%add3A, %dma_start3A_133, %dma_start3A_134] : memref<32x80x128xi32, #tpu.memory_space<hbm>> -> memref<1x40x128xi32, #tpu.memory_space<hbm>>
      %dma_start3A_136 = tpu.memref_squeeze %dma_start3A_135 : memref<1x40x128xi32, #tpu.memory_space<hbm>> -> memref<40x128xi32, #tpu.memory_space<hbm>>
      tpu.enqueue_dma source(%dma_start3A_136 : memref<40x128xi32, #tpu.memory_space<hbm>>) target(%arg8 : memref<40x128xi32, #tpu.memory_space<vmem>>) target_semaphore(%run_scoped3A : memref<!tpu.dma_semaphore, #tpu.memory_space<semaphore_mem>>)
      %dma_wait3A_137 = arith.constant 40 : i32
      %dma_wait3A_138 = arith.constant 0 : i32
      %dma_wait3A_139 = tpu.memref_slice %arg4[%add3A, %dma_wait3A_137, %dma_wait3A_138] : memref<32x80x128xi32, #tpu.memory_space<hbm>> -> memref<1x40x128xi32, #tpu.memory_space<hbm>>
      %dma_wait3A_140 = tpu.memref_squeeze %dma_wait3A_139 : memref<1x40x128xi32, #tpu.memory_space<hbm>> -> memref<40x128xi32, #tpu.memory_space<hbm>>
      %dma_wait3A_141 = arith.constant 40 : i32
      %dma_wait3A_142 = arith.constant 0 : i32
      %dma_wait3A_143 = tpu.memref_slice %arg4[%add3A, %dma_wait3A_141, %dma_wait3A_142] : memref<32x80x128xi32, #tpu.memory_space<hbm>> -> memref<1x40x128xi32, #tpu.memory_space<hbm>>
      %dma_wait3A_144 = tpu.memref_squeeze %dma_wait3A_143 : memref<1x40x128xi32, #tpu.memory_space<hbm>> -> memref<40x128xi32, #tpu.memory_space<hbm>>
      tpu.wait_dma2 semaphore(%run_scoped3A : memref<!tpu.dma_semaphore, #tpu.memory_space<semaphore_mem>>) src(%dma_wait3A_144 : memref<40x128xi32, #tpu.memory_space<hbm>>) dst(%arg8 : memref<40x128xi32, #tpu.memory_space<vmem>>)
      tpu.yield
    }) : () -> ()
    %dma_start3A_62 = arith.constant 0 : i32
    %dma_start3A_63 = arith.constant 0 : i32
    %dma_start3A_64 = tpu.memref_slice %arg7[%dma_start3A_62, %dma_start3A_63] : memref<40x128xi32, #tpu.memory_space<vmem>> -> memref<1x128xi32, #tpu.memory_space<vmem>>
    %dma_start3A_65 = tpu.memref_squeeze %dma_start3A_64 : memref<1x128xi32, #tpu.memory_space<vmem>> -> memref<128xi32, #tpu.memory_space<vmem>>
    %dma_start3A_66 = arith.constant 0 : i32
    %dma_start3A_67 = arith.constant 0 : i32
    %dma_start3A_68 = tpu.memref_slice %arg2[%dma_start3A_66, %dma_start3A_67] : memref<10112x128xf32, #tpu.memory_space<hbm>> -> memref<10112x128xf32, #tpu.memory_space<hbm>>
    tpu.enqueue_indirect_dma source(%dma_start3A_68 : memref<10112x128xf32, #tpu.memory_space<hbm>>) target(%arg9 : memref<128x128xf32, #tpu.memory_space<vmem>>) offsets(%dma_start3A_65 : memref<128xi32, #tpu.memory_space<vmem>>) semaphore(%arg14 : memref<!tpu.dma_semaphore, #tpu.memory_space<semaphore_mem>>)
    %dma_start3A_69 = arith.constant 1 : i32
    %dma_start3A_70 = arith.constant 0 : i32
    %dma_start3A_71 = tpu.memref_slice %arg7[%dma_start3A_69, %dma_start3A_70] : memref<40x128xi32, #tpu.memory_space<vmem>> -> memref<1x128xi32, #tpu.memory_space<vmem>>
    %dma_start3A_72 = tpu.memref_squeeze %dma_start3A_71 : memref<1x128xi32, #tpu.memory_space<vmem>> -> memref<128xi32, #tpu.memory_space<vmem>>
    %dma_start3A_73 = arith.constant 0 : i32
    %dma_start3A_74 = arith.constant 0 : i32
    %dma_start3A_75 = tpu.memref_slice %arg2[%dma_start3A_73, %dma_start3A_74] : memref<10112x128xf32, #tpu.memory_space<hbm>> -> memref<10112x128xf32, #tpu.memory_space<hbm>>
    tpu.enqueue_indirect_dma source(%dma_start3A_75 : memref<10112x128xf32, #tpu.memory_space<hbm>>) target(%arg10 : memref<128x128xf32, #tpu.memory_space<vmem>>) offsets(%dma_start3A_72 : memref<128xi32, #tpu.memory_space<vmem>>) semaphore(%arg15 : memref<!tpu.dma_semaphore, #tpu.memory_space<semaphore_mem>>)
    %scan3A_76 = arith.constant 0 : i32
    %scan3A_77 = arith.constant 0 : i32
    %scan3A_78 = arith.constant 19 : i32
    %scan3A_79 = arith.addi %scan3A_77, %scan3A_78 : i32
    %scan3A_80 = arith.constant 1 : i32
    scf.for %scan3A_129 = %scan3A_77 to %scan3A_79 step %scan3A_80  : i32 {
      %mul3A_130 = arith.constant 2 : i32
      %mul3A_131 = arith.muli %mul3A_130, %scan3A_129 : i32
      %dma_wait3A_132 = arith.constant 0 : i32
      %dma_wait3A_133 = tpu.memref_slice %arg7[%mul3A_131, %dma_wait3A_132] : memref<40x128xi32, #tpu.memory_space<vmem>> -> memref<1x128xi32, #tpu.memory_space<vmem>>
      %dma_wait3A_134 = tpu.memref_squeeze %dma_wait3A_133 : memref<1x128xi32, #tpu.memory_space<vmem>> -> memref<128xi32, #tpu.memory_space<vmem>>
      %dma_wait3A_135 = arith.constant 0 : i32
      %dma_wait3A_136 = arith.constant 0 : i32
      %dma_wait3A_137 = tpu.memref_slice %arg2[%dma_wait3A_135, %dma_wait3A_136] : memref<10112x128xf32, #tpu.memory_space<hbm>> -> memref<10112x128xf32, #tpu.memory_space<hbm>>
      tpu.wait_indirect_dma semaphore(%arg14 : memref<!tpu.dma_semaphore, #tpu.memory_space<semaphore_mem>>) src(%dma_wait3A_137 : memref<10112x128xf32, #tpu.memory_space<hbm>>) dst(%arg9 : memref<128x128xf32, #tpu.memory_space<vmem>>)
      %dma_start3A_138 = arith.constant 0 : i32
      %dma_start3A_139 = tpu.memref_slice %arg8[%mul3A_131, %dma_start3A_138] : memref<40x128xi32, #tpu.memory_space<vmem>> -> memref<1x128xi32, #tpu.memory_space<vmem>>
      %dma_start3A_140 = tpu.memref_squeeze %dma_start3A_139 : memref<1x128xi32, #tpu.memory_space<vmem>> -> memref<128xi32, #tpu.memory_space<vmem>>
      %dma_start3A_141 = arith.constant 0 : i32
      %dma_start3A_142 = arith.constant 0 : i32
      %dma_start3A_143 = tpu.memref_slice %arg11[%dma_start3A_141, %dma_start3A_142] : memref<10112x128xf32, #tpu.memory_space<vmem_shared>> -> memref<10112x128xf32, #tpu.memory_space<vmem_shared>>
      tpu.enqueue_indirect_dma source(%arg9 : memref<128x128xf32, #tpu.memory_space<vmem>>) target(%dma_start3A_143 : memref<10112x128xf32, #tpu.memory_space<vmem_shared>>) offsets(%dma_start3A_140 : memref<128xi32, #tpu.memory_space<vmem>>) semaphore(%arg12 : memref<!tpu.dma_semaphore, #tpu.memory_space<semaphore_mem>>) {add = true}
      %add3A_144 = arith.constant 1 : i32
      %add3A_145 = arith.addi %mul3A_131, %add3A_144 : i32
      %dma_wait3A_146 = arith.constant 0 : i32
      %dma_wait3A_147 = tpu.memref_slice %arg7[%add3A_145, %dma_wait3A_146] : memref<40x128xi32, #tpu.memory_space<vmem>> -> memref<1x128xi32, #tpu.memory_space<vmem>>
      %dma_wait3A_148 = tpu.memref_squeeze %dma_wait3A_147 : memref<1x128xi32, #tpu.memory_space<vmem>> -> memref<128xi32, #tpu.memory_space<vmem>>
      %dma_wait3A_149 = arith.constant 0 : i32
      %dma_wait3A_150 = arith.constant 0 : i32
      %dma_wait3A_151 = tpu.memref_slice %arg2[%dma_wait3A_149, %dma_wait3A_150] : memref<10112x128xf32, #tpu.memory_space<hbm>> -> memref<10112x128xf32, #tpu.memory_space<hbm>>
      tpu.wait_indirect_dma semaphore(%arg15 : memref<!tpu.dma_semaphore, #tpu.memory_space<semaphore_mem>>) src(%dma_wait3A_151 : memref<10112x128xf32, #tpu.memory_space<hbm>>) dst(%arg10 : memref<128x128xf32, #tpu.memory_space<vmem>>)
      %add3A_152 = arith.constant 1 : i32
      %add3A_153 = arith.addi %mul3A_131, %add3A_152 : i32
      %dma_start3A_154 = arith.constant 0 : i32
      %dma_start3A_155 = tpu.memref_slice %arg8[%add3A_153, %dma_start3A_154] : memref<40x128xi32, #tpu.memory_space<vmem>> -> memref<1x128xi32, #tpu.memory_space<vmem>>
      %dma_start3A_156 = tpu.memref_squeeze %dma_start3A_155 : memref<1x128xi32, #tpu.memory_space<vmem>> -> memref<128xi32, #tpu.memory_space<vmem>>
      %dma_start3A_157 = arith.constant 0 : i32
      %dma_start3A_158 = arith.constant 0 : i32
      %dma_start3A_159 = tpu.memref_slice %arg11[%dma_start3A_157, %dma_start3A_158] : memref<10112x128xf32, #tpu.memory_space<vmem_shared>> -> memref<10112x128xf32, #tpu.memory_space<vmem_shared>>
      tpu.enqueue_indirect_dma source(%arg10 : memref<128x128xf32, #tpu.memory_space<vmem>>) target(%dma_start3A_159 : memref<10112x128xf32, #tpu.memory_space<vmem_shared>>) offsets(%dma_start3A_156 : memref<128xi32, #tpu.memory_space<vmem>>) semaphore(%arg13 : memref<!tpu.dma_semaphore, #tpu.memory_space<semaphore_mem>>) {add = true}
      %dma_wait3A_160 = arith.constant 0 : i32
      %dma_wait3A_161 = tpu.memref_slice %arg8[%mul3A_131, %dma_wait3A_160] : memref<40x128xi32, #tpu.memory_space<vmem>> -> memref<1x128xi32, #tpu.memory_space<vmem>>
      %dma_wait3A_162 = tpu.memref_squeeze %dma_wait3A_161 : memref<1x128xi32, #tpu.memory_space<vmem>> -> memref<128xi32, #tpu.memory_space<vmem>>
      %dma_wait3A_163 = arith.constant 0 : i32
      %dma_wait3A_164 = arith.constant 0 : i32
      %dma_wait3A_165 = tpu.memref_slice %arg11[%dma_wait3A_163, %dma_wait3A_164] : memref<10112x128xf32, #tpu.memory_space<vmem_shared>> -> memref<10112x128xf32, #tpu.memory_space<vmem_shared>>
      tpu.wait_indirect_dma semaphore(%arg12 : memref<!tpu.dma_semaphore, #tpu.memory_space<semaphore_mem>>) src(%arg9 : memref<128x128xf32, #tpu.memory_space<vmem>>) dst(%dma_wait3A_165 : memref<10112x128xf32, #tpu.memory_space<vmem_shared>>)
      %add3A_166 = arith.constant 2 : i32
      %add3A_167 = arith.addi %mul3A_131, %add3A_166 : i32
      %dma_start3A_168 = arith.constant 0 : i32
      %dma_start3A_169 = tpu.memref_slice %arg7[%add3A_167, %dma_start3A_168] : memref<40x128xi32, #tpu.memory_space<vmem>> -> memref<1x128xi32, #tpu.memory_space<vmem>>
      %dma_start3A_170 = tpu.memref_squeeze %dma_start3A_169 : memref<1x128xi32, #tpu.memory_space<vmem>> -> memref<128xi32, #tpu.memory_space<vmem>>
      %dma_start3A_171 = arith.constant 0 : i32
      %dma_start3A_172 = arith.constant 0 : i32
      %dma_start3A_173 = tpu.memref_slice %arg2[%dma_start3A_171, %dma_start3A_172] : memref<10112x128xf32, #tpu.memory_space<hbm>> -> memref<10112x128xf32, #tpu.memory_space<hbm>>
      tpu.enqueue_indirect_dma source(%dma_start3A_173 : memref<10112x128xf32, #tpu.memory_space<hbm>>) target(%arg9 : memref<128x128xf32, #tpu.memory_space<vmem>>) offsets(%dma_start3A_170 : memref<128xi32, #tpu.memory_space<vmem>>) semaphore(%arg14 : memref<!tpu.dma_semaphore, #tpu.memory_space<semaphore_mem>>)
      %dma_wait3A_174 = arith.constant 0 : i32
      %dma_wait3A_175 = tpu.memref_slice %arg8[%add3A_153, %dma_wait3A_174] : memref<40x128xi32, #tpu.memory_space<vmem>> -> memref<1x128xi32, #tpu.memory_space<vmem>>
      %dma_wait3A_176 = tpu.memref_squeeze %dma_wait3A_175 : memref<1x128xi32, #tpu.memory_space<vmem>> -> memref<128xi32, #tpu.memory_space<vmem>>
      %dma_wait3A_177 = arith.constant 0 : i32
      %dma_wait3A_178 = arith.constant 0 : i32
      %dma_wait3A_179 = tpu.memref_slice %arg11[%dma_wait3A_177, %dma_wait3A_178] : memref<10112x128xf32, #tpu.memory_space<vmem_shared>> -> memref<10112x128xf32, #tpu.memory_space<vmem_shared>>
      tpu.wait_indirect_dma semaphore(%arg13 : memref<!tpu.dma_semaphore, #tpu.memory_space<semaphore_mem>>) src(%arg10 : memref<128x128xf32, #tpu.memory_space<vmem>>) dst(%dma_wait3A_179 : memref<10112x128xf32, #tpu.memory_space<vmem_shared>>)
      %add3A_180 = arith.constant 3 : i32
      %add3A_181 = arith.addi %mul3A_131, %add3A_180 : i32
      %dma_start3A_182 = arith.constant 0 : i32
      %dma_start3A_183 = tpu.memref_slice %arg7[%add3A_181, %dma_start3A_182] : memref<40x128xi32, #tpu.memory_space<vmem>> -> memref<1x128xi32, #tpu.memory_space<vmem>>
      %dma_start3A_184 = tpu.memref_squeeze %dma_start3A_183 : memref<1x128xi32, #tpu.memory_space<vmem>> -> memref<128xi32, #tpu.memory_space<vmem>>
      %dma_start3A_185 = arith.constant 0 : i32
      %dma_start3A_186 = arith.constant 0 : i32
      %dma_start3A_187 = tpu.memref_slice %arg2[%dma_start3A_185, %dma_start3A_186] : memref<10112x128xf32, #tpu.memory_space<hbm>> -> memref<10112x128xf32, #tpu.memory_space<hbm>>
      tpu.enqueue_indirect_dma source(%dma_start3A_187 : memref<10112x128xf32, #tpu.memory_space<hbm>>) target(%arg10 : memref<128x128xf32, #tpu.memory_space<vmem>>) offsets(%dma_start3A_184 : memref<128xi32, #tpu.memory_space<vmem>>) semaphore(%arg15 : memref<!tpu.dma_semaphore, #tpu.memory_space<semaphore_mem>>)
    }
    %scan3A_81 = arith.constant 19 : i32
    %dma_wait3A_82 = arith.constant 38 : i32
    %dma_wait3A_83 = arith.constant 0 : i32
    %dma_wait3A_84 = tpu.memref_slice %arg7[%dma_wait3A_82, %dma_wait3A_83] : memref<40x128xi32, #tpu.memory_space<vmem>> -> memref<1x128xi32, #tpu.memory_space<vmem>>
    %dma_wait3A_85 = tpu.memref_squeeze %dma_wait3A_84 : memref<1x128xi32, #tpu.memory_space<vmem>> -> memref<128xi32, #tpu.memory_space<vmem>>
    %dma_wait3A_86 = arith.constant 0 : i32
    %dma_wait3A_87 = arith.constant 0 : i32
    %dma_wait3A_88 = tpu.memref_slice %arg2[%dma_wait3A_86, %dma_wait3A_87] : memref<10112x128xf32, #tpu.memory_space<hbm>> -> memref<10112x128xf32, #tpu.memory_space<hbm>>
    tpu.wait_indirect_dma semaphore(%arg14 : memref<!tpu.dma_semaphore, #tpu.memory_space<semaphore_mem>>) src(%dma_wait3A_88 : memref<10112x128xf32, #tpu.memory_space<hbm>>) dst(%arg9 : memref<128x128xf32, #tpu.memory_space<vmem>>)
    %dma_start3A_89 = arith.constant 38 : i32
    %dma_start3A_90 = arith.constant 0 : i32
    %dma_start3A_91 = tpu.memref_slice %arg8[%dma_start3A_89, %dma_start3A_90] : memref<40x128xi32, #tpu.memory_space<vmem>> -> memref<1x128xi32, #tpu.memory_space<vmem>>
    %dma_start3A_92 = tpu.memref_squeeze %dma_start3A_91 : memref<1x128xi32, #tpu.memory_space<vmem>> -> memref<128xi32, #tpu.memory_space<vmem>>
    %dma_start3A_93 = arith.constant 0 : i32
    %dma_start3A_94 = arith.constant 0 : i32
    %dma_start3A_95 = tpu.memref_slice %arg11[%dma_start3A_93, %dma_start3A_94] : memref<10112x128xf32, #tpu.memory_space<vmem_shared>> -> memref<10112x128xf32, #tpu.memory_space<vmem_shared>>
    tpu.enqueue_indirect_dma source(%arg9 : memref<128x128xf32, #tpu.memory_space<vmem>>) target(%dma_start3A_95 : memref<10112x128xf32, #tpu.memory_space<vmem_shared>>) offsets(%dma_start3A_92 : memref<128xi32, #tpu.memory_space<vmem>>) semaphore(%arg12 : memref<!tpu.dma_semaphore, #tpu.memory_space<semaphore_mem>>) {add = true}
    %dma_wait3A_96 = arith.constant 39 : i32
    %dma_wait3A_97 = arith.constant 0 : i32
    %dma_wait3A_98 = tpu.memref_slice %arg7[%dma_wait3A_96, %dma_wait3A_97] : memref<40x128xi32, #tpu.memory_space<vmem>> -> memref<1x128xi32, #tpu.memory_space<vmem>>
    %dma_wait3A_99 = tpu.memref_squeeze %dma_wait3A_98 : memref<1x128xi32, #tpu.memory_space<vmem>> -> memref<128xi32, #tpu.memory_space<vmem>>
    %dma_wait3A_100 = arith.constant 0 : i32
    %dma_wait3A_101 = arith.constant 0 : i32
    %dma_wait3A_102 = tpu.memref_slice %arg2[%dma_wait3A_100, %dma_wait3A_101] : memref<10112x128xf32, #tpu.memory_space<hbm>> -> memref<10112x128xf32, #tpu.memory_space<hbm>>
    tpu.wait_indirect_dma semaphore(%arg15 : memref<!tpu.dma_semaphore, #tpu.memory_space<semaphore_mem>>) src(%dma_wait3A_102 : memref<10112x128xf32, #tpu.memory_space<hbm>>) dst(%arg10 : memref<128x128xf32, #tpu.memory_space<vmem>>)
    %dma_start3A_103 = arith.constant 39 : i32
    %dma_start3A_104 = arith.constant 0 : i32
    %dma_start3A_105 = tpu.memref_slice %arg8[%dma_start3A_103, %dma_start3A_104] : memref<40x128xi32, #tpu.memory_space<vmem>> -> memref<1x128xi32, #tpu.memory_space<vmem>>
    %dma_start3A_106 = tpu.memref_squeeze %dma_start3A_105 : memref<1x128xi32, #tpu.memory_space<vmem>> -> memref<128xi32, #tpu.memory_space<vmem>>
    %dma_start3A_107 = arith.constant 0 : i32
    %dma_start3A_108 = arith.constant 0 : i32
    %dma_start3A_109 = tpu.memref_slice %arg11[%dma_start3A_107, %dma_start3A_108] : memref<10112x128xf32, #tpu.memory_space<vmem_shared>> -> memref<10112x128xf32, #tpu.memory_space<vmem_shared>>
    tpu.enqueue_indirect_dma source(%arg10 : memref<128x128xf32, #tpu.memory_space<vmem>>) target(%dma_start3A_109 : memref<10112x128xf32, #tpu.memory_space<vmem_shared>>) offsets(%dma_start3A_106 : memref<128xi32, #tpu.memory_space<vmem>>) semaphore(%arg13 : memref<!tpu.dma_semaphore, #tpu.memory_space<semaphore_mem>>) {add = true}
    %dma_wait3A_110 = arith.constant 38 : i32
    %dma_wait3A_111 = arith.constant 0 : i32
    %dma_wait3A_112 = tpu.memref_slice %arg8[%dma_wait3A_110, %dma_wait3A_111] : memref<40x128xi32, #tpu.memory_space<vmem>> -> memref<1x128xi32, #tpu.memory_space<vmem>>
    %dma_wait3A_113 = tpu.memref_squeeze %dma_wait3A_112 : memref<1x128xi32, #tpu.memory_space<vmem>> -> memref<128xi32, #tpu.memory_space<vmem>>
    %dma_wait3A_114 = arith.constant 0 : i32
    %dma_wait3A_115 = arith.constant 0 : i32
    %dma_wait3A_116 = tpu.memref_slice %arg11[%dma_wait3A_114, %dma_wait3A_115] : memref<10112x128xf32, #tpu.memory_space<vmem_shared>> -> memref<10112x128xf32, #tpu.memory_space<vmem_shared>>
    tpu.wait_indirect_dma semaphore(%arg12 : memref<!tpu.dma_semaphore, #tpu.memory_space<semaphore_mem>>) src(%arg9 : memref<128x128xf32, #tpu.memory_space<vmem>>) dst(%dma_wait3A_116 : memref<10112x128xf32, #tpu.memory_space<vmem_shared>>)
    %dma_wait3A_117 = arith.constant 39 : i32
    %dma_wait3A_118 = arith.constant 0 : i32
    %dma_wait3A_119 = tpu.memref_slice %arg8[%dma_wait3A_117, %dma_wait3A_118] : memref<40x128xi32, #tpu.memory_space<vmem>> -> memref<1x128xi32, #tpu.memory_space<vmem>>
    %dma_wait3A_120 = tpu.memref_squeeze %dma_wait3A_119 : memref<1x128xi32, #tpu.memory_space<vmem>> -> memref<128xi32, #tpu.memory_space<vmem>>
    %dma_wait3A_121 = arith.constant 0 : i32
    %dma_wait3A_122 = arith.constant 0 : i32
    %dma_wait3A_123 = tpu.memref_slice %arg11[%dma_wait3A_121, %dma_wait3A_122] : memref<10112x128xf32, #tpu.memory_space<vmem_shared>> -> memref<10112x128xf32, #tpu.memory_space<vmem_shared>>
    tpu.wait_indirect_dma semaphore(%arg13 : memref<!tpu.dma_semaphore, #tpu.memory_space<semaphore_mem>>) src(%arg10 : memref<128x128xf32, #tpu.memory_space<vmem>>) dst(%dma_wait3A_123 : memref<10112x128xf32, #tpu.memory_space<vmem_shared>>)
    %barrier3A_124 = arith.constant 0 : index
    tpu.barrier barrier_id(%barrier3A_124)
    %mul3A_125 = arith.constant 632 : i32
    %mul3A_126 = arith.muli %arg1, %mul3A_125 : i32
    %mul3A_127 = arith.constant 632 : i32
    %mul3A_128 = arith.muli %arg1, %mul3A_127 : i32
    "tpu.region"() ({
      %run_scoped3A = tpu.sem_alloc : memref<!tpu.dma_semaphore, #tpu.memory_space<semaphore_mem>>
      %dma_start3A_129 = arith.constant 0 : i32
      %dma_start3A_130 = tpu.memref_slice %arg6[%arg0, %mul3A_128, %dma_start3A_129] : memref<2x10112x128xf32, #tpu.memory_space<hbm>> -> memref<1x632x128xf32, #tpu.memory_space<hbm>>
      %dma_start3A_131 = tpu.memref_squeeze %dma_start3A_130 : memref<1x632x128xf32, #tpu.memory_space<hbm>> -> memref<632x128xf32, #tpu.memory_space<hbm>>
      %dma_start3A_132 = arith.constant 0 : i32
      %dma_start3A_133 = tpu.memref_slice %arg11[%mul3A_126, %dma_start3A_132] : memref<10112x128xf32, #tpu.memory_space<vmem_shared>> -> memref<632x128xf32, #tpu.memory_space<vmem_shared>>
      tpu.enqueue_dma source(%dma_start3A_133 : memref<632x128xf32, #tpu.memory_space<vmem_shared>>) target(%dma_start3A_131 : memref<632x128xf32, #tpu.memory_space<hbm>>) target_semaphore(%run_scoped3A : memref<!tpu.dma_semaphore, #tpu.memory_space<semaphore_mem>>)
      %dma_wait3A_134 = arith.constant 0 : i32
      %dma_wait3A_135 = tpu.memref_slice %arg6[%arg0, %mul3A_128, %dma_wait3A_134] : memref<2x10112x128xf32, #tpu.memory_space<hbm>> -> memref<1x632x128xf32, #tpu.memory_space<hbm>>
      %dma_wait3A_136 = tpu.memref_squeeze %dma_wait3A_135 : memref<1x632x128xf32, #tpu.memory_space<hbm>> -> memref<632x128xf32, #tpu.memory_space<hbm>>
      %dma_wait3A_137 = arith.constant 0 : i32
      %dma_wait3A_138 = tpu.memref_slice %arg11[%mul3A_126, %dma_wait3A_137] : memref<10112x128xf32, #tpu.memory_space<vmem_shared>> -> memref<632x128xf32, #tpu.memory_space<vmem_shared>>
      tpu.wait_dma2 semaphore(%run_scoped3A : memref<!tpu.dma_semaphore, #tpu.memory_space<semaphore_mem>>) src(%dma_wait3A_138 : memref<632x128xf32, #tpu.memory_space<vmem_shared>>) dst(%dma_wait3A_136 : memref<632x128xf32, #tpu.memory_space<hbm>>)
      tpu.yield
    }) : () -> ()
    return
  }
}

module attributes {stable_mosaic.version = 14 : i64} {
  func.func @_dense_body(%arg0: i32, %arg1: memref<2x632x128xf32, #tpu.memory_space<vmem>>, %arg2: memref<632x128xf32, #tpu.memory_space<vmem>>, %arg3: memref<128x128xf32, #tpu.memory_space<vmem>>, %arg4: memref<128x128xf32, #tpu.memory_space<vmem>>, %arg5: memref<1x128xf32, #tpu.memory_space<vmem>>, %arg6: memref<632x128xf32, #tpu.memory_space<vmem>>) attributes {dimension_semantics = [#tpu.dimension_semantics<arbitrary>], iteration_bounds = array<i64: 16>, scalar_prefetch = 0 : i64, scratch_operands = 0 : i64, tpu.core_type = #tpu.core_type<tc>, window_params = [{transform_indices = @transform_0, window_bounds = array<i64: 2, 632, 128>}, {transform_indices = @transform_1, window_bounds = array<i64: 632, 128>}, {pipeline_mode = #tpu.pipeline_mode<synchronous>, transform_indices = @transform_2, window_bounds = array<i64: 128, 128>}, {pipeline_mode = #tpu.pipeline_mode<synchronous>, transform_indices = @transform_3, window_bounds = array<i64: 128, 128>}, {pipeline_mode = #tpu.pipeline_mode<synchronous>, transform_indices = @transform_4, window_bounds = array<i64: 1, 128>}, {transform_indices = @transform_5, window_bounds = array<i64: 632, 128>}]} {
    %get3A = arith.constant 0 : index
    %get3A_0 = arith.constant 0 : index
    %get3A_1 = arith.constant 0 : index
    %get3A_2 = vector.load %arg1[%get3A, %get3A_0, %get3A_1] : memref<2x632x128xf32, #tpu.memory_space<vmem>>, vector<1x632x128xf32>
    %get3A_3 = vector.shape_cast %get3A_2 : vector<1x632x128xf32> to vector<632x128xf32>
    %get3A_4 = arith.constant 1 : index
    %get3A_5 = arith.constant 0 : index
    %get3A_6 = arith.constant 0 : index
    %get3A_7 = vector.load %arg1[%get3A_4, %get3A_5, %get3A_6] : memref<2x632x128xf32, #tpu.memory_space<vmem>>, vector<1x632x128xf32>
    %get3A_8 = vector.shape_cast %get3A_7 : vector<1x632x128xf32> to vector<632x128xf32>
    %add3A = arith.addf %get3A_3, %get3A_8 : vector<632x128xf32>
    %get3A_9 = arith.constant 0 : index
    %get3A_10 = arith.constant 0 : index
    %get3A_11 = vector.load %arg3[%get3A_9, %get3A_10] : memref<128x128xf32, #tpu.memory_space<vmem>>, vector<128x128xf32>
    %dot_general3A = arith.constant dense<0.000000e+00> : vector<632x128xf32>
    %dot_general3A_12 = tpu.matmul %add3A, %get3A_11, %dot_general3A {dimension_numbers = #tpu.dot_dimension_numbers<[1], [0], [0], [1], [0, 0, 1, 1], [], []>, transpose_lhs_hint = false} : vector<632x128xf32>, vector<128x128xf32>, vector<632x128xf32> -> vector<632x128xf32>
    %get3A_13 = arith.constant 0 : index
    %get3A_14 = arith.constant 0 : index
    %get3A_15 = vector.load %arg2[%get3A_13, %get3A_14] : memref<632x128xf32, #tpu.memory_space<vmem>>, vector<632x128xf32>
    %get3A_16 = arith.constant 0 : index
    %get3A_17 = arith.constant 0 : index
    %get3A_18 = vector.load %arg4[%get3A_16, %get3A_17] : memref<128x128xf32, #tpu.memory_space<vmem>>, vector<128x128xf32>
    %dot_general3A_19 = arith.constant dense<0.000000e+00> : vector<632x128xf32>
    %dot_general3A_20 = tpu.matmul %get3A_15, %get3A_18, %dot_general3A_19 {dimension_numbers = #tpu.dot_dimension_numbers<[1], [0], [0], [1], [0, 0, 1, 1], [], []>, transpose_lhs_hint = false} : vector<632x128xf32>, vector<128x128xf32>, vector<632x128xf32> -> vector<632x128xf32>
    %add3A_21 = arith.addf %dot_general3A_12, %dot_general3A_20 : vector<632x128xf32>
    %get3A_22 = arith.constant 0 : index
    %get3A_23 = arith.constant 0 : index
    %get3A_24 = vector.load %arg5[%get3A_22, %get3A_23] : memref<1x128xf32, #tpu.memory_space<vmem>>, vector<1x128xf32>
    %add3A_25 = vector.broadcast %get3A_24 : vector<1x128xf32> to vector<632x128xf32>
    %add3A_26 = arith.addf %add3A_21, %add3A_25 : vector<632x128xf32>
    %gt3A = arith.constant 0.000000e+00 : f32
    %gt3A_27 = vector.broadcast %gt3A : f32 to vector<632x128xf32>
    %gt3A_28 = arith.cmpf ogt, %add3A_26, %gt3A_27 : vector<632x128xf32>
    %exp3A = math.exp %add3A_26 : vector<632x128xf32>
    %sub3A = arith.constant 1.000000e+00 : f32
    %sub3A_29 = vector.broadcast %sub3A : f32 to vector<632x128xf32>
    %sub3A_30 = arith.subf %exp3A, %sub3A_29 : vector<632x128xf32>
    %select_n3A = arith.select %gt3A_28, %add3A_26, %sub3A_30 : vector<632x128xi1>, vector<632x128xf32>
    %swap3A = arith.constant 0 : index
    %swap3A_31 = arith.constant 0 : index
    %swap3A_32 = vector.load %arg6[%swap3A, %swap3A_31] : memref<632x128xf32, #tpu.memory_space<vmem>>, vector<632x128xf32>
    tpu.vector_store %arg6[%swap3A, %swap3A_31], %select_n3A {strides = array<i32>} : memref<632x128xf32, #tpu.memory_space<vmem>>, vector<632x128xf32>,
    return
  }
  func.func @transform_0(%arg0: i32) -> (i32, i32, i32) {
    %c0_i32 = arith.constant 0 : i32
    %c0_i32_0 = arith.constant 0 : i32
    %c0_i32_1 = arith.constant 0 : i32
    return %c0_i32, %arg0, %c0_i32_0 : i32, i32, i32
  }
  func.func @transform_1(%arg0: i32) -> (i32, i32) {
    %c0_i32 = arith.constant 0 : i32
    %c0_i32_0 = arith.constant 0 : i32
    return %arg0, %c0_i32 : i32, i32
  }
  func.func @transform_2(%arg0: i32) -> (i32, i32) {
    %c0_i32 = arith.constant 0 : i32
    %c0_i32_0 = arith.constant 0 : i32
    %c0_i32_1 = arith.constant 0 : i32
    return %c0_i32, %c0_i32_0 : i32, i32
  }
  func.func @transform_3(%arg0: i32) -> (i32, i32) {
    %c0_i32 = arith.constant 0 : i32
    %c0_i32_0 = arith.constant 0 : i32
    %c0_i32_1 = arith.constant 0 : i32
    return %c0_i32, %c0_i32_0 : i32, i32
  }
  func.func @transform_4(%arg0: i32) -> (i32, i32) {
    %c0_i32 = arith.constant 0 : i32
    %c0_i32_0 = arith.constant 0 : i32
    %c0_i32_1 = arith.constant 0 : i32
    return %c0_i32, %c0_i32_0 : i32, i32
  }
  func.func @transform_5(%arg0: i32) -> (i32, i32) {
    %c0_i32 = arith.constant 0 : i32
    %c0_i32_0 = arith.constant 0 : i32
    return %arg0, %c0_i32 : i32, i32
  }
}

module attributes {stable_mosaic.version = 14 : i64} {
  func.func @_dense2_body(%arg0: i32, %arg1: memref<2x632x128xf32, #tpu.memory_space<vmem>>, %arg2: memref<632x128xf32, #tpu.memory_space<vmem>>, %arg3: memref<128x256xf32, #tpu.memory_space<vmem>>, %arg4: memref<128x256xf32, #tpu.memory_space<vmem>>, %arg5: memref<1x256xf32, #tpu.memory_space<vmem>>, %arg6: memref<256x128xf32, #tpu.memory_space<vmem>>, %arg7: memref<632x256xf32, #tpu.memory_space<vmem>>, %arg8: memref<632x128xf32, #tpu.memory_space<vmem>>) attributes {dimension_semantics = [#tpu.dimension_semantics<arbitrary>], iteration_bounds = array<i64: 16>, scalar_prefetch = 0 : i64, scratch_operands = 0 : i64, tpu.core_type = #tpu.core_type<tc>, window_params = [{transform_indices = @transform_0, window_bounds = array<i64: 2, 632, 128>}, {transform_indices = @transform_1, window_bounds = array<i64: 632, 128>}, {pipeline_mode = #tpu.pipeline_mode<synchronous>, transform_indices = @transform_2, window_bounds = array<i64: 128, 256>}, {pipeline_mode = #tpu.pipeline_mode<synchronous>, transform_indices = @transform_3, window_bounds = array<i64: 128, 256>}, {pipeline_mode = #tpu.pipeline_mode<synchronous>, transform_indices = @transform_4, window_bounds = array<i64: 1, 256>}, {pipeline_mode = #tpu.pipeline_mode<synchronous>, transform_indices = @transform_5, window_bounds = array<i64: 256, 128>}, {transform_indices = @transform_6, window_bounds = array<i64: 632, 256>}, {transform_indices = @transform_7, window_bounds = array<i64: 632, 128>}]} {
    %get3A = arith.constant 0 : index
    %get3A_0 = arith.constant 0 : index
    %get3A_1 = arith.constant 0 : index
    %get3A_2 = vector.load %arg1[%get3A, %get3A_0, %get3A_1] : memref<2x632x128xf32, #tpu.memory_space<vmem>>, vector<1x632x128xf32>
    %get3A_3 = vector.shape_cast %get3A_2 : vector<1x632x128xf32> to vector<632x128xf32>
    %get3A_4 = arith.constant 1 : index
    %get3A_5 = arith.constant 0 : index
    %get3A_6 = arith.constant 0 : index
    %get3A_7 = vector.load %arg1[%get3A_4, %get3A_5, %get3A_6] : memref<2x632x128xf32, #tpu.memory_space<vmem>>, vector<1x632x128xf32>
    %get3A_8 = vector.shape_cast %get3A_7 : vector<1x632x128xf32> to vector<632x128xf32>
    %add3A = arith.addf %get3A_3, %get3A_8 : vector<632x128xf32>
    %get3A_9 = arith.constant 0 : index
    %get3A_10 = arith.constant 0 : index
    %get3A_11 = vector.load %arg3[%get3A_9, %get3A_10] : memref<128x256xf32, #tpu.memory_space<vmem>>, vector<128x256xf32>
    %dot_general3A = arith.constant dense<0.000000e+00> : vector<632x256xf32>
    %dot_general3A_12 = tpu.matmul %add3A, %get3A_11, %dot_general3A {dimension_numbers = #tpu.dot_dimension_numbers<[1], [0], [0], [1], [0, 0, 1, 1], [], []>, transpose_lhs_hint = false} : vector<632x128xf32>, vector<128x256xf32>, vector<632x256xf32> -> vector<632x256xf32>
    %get3A_13 = arith.constant 0 : index
    %get3A_14 = arith.constant 0 : index
    %get3A_15 = vector.load %arg2[%get3A_13, %get3A_14] : memref<632x128xf32, #tpu.memory_space<vmem>>, vector<632x128xf32>
    %get3A_16 = arith.constant 0 : index
    %get3A_17 = arith.constant 0 : index
    %get3A_18 = vector.load %arg4[%get3A_16, %get3A_17] : memref<128x256xf32, #tpu.memory_space<vmem>>, vector<128x256xf32>
    %dot_general3A_19 = arith.constant dense<0.000000e+00> : vector<632x256xf32>
    %dot_general3A_20 = tpu.matmul %get3A_15, %get3A_18, %dot_general3A_19 {dimension_numbers = #tpu.dot_dimension_numbers<[1], [0], [0], [1], [0, 0, 1, 1], [], []>, transpose_lhs_hint = false} : vector<632x128xf32>, vector<128x256xf32>, vector<632x256xf32> -> vector<632x256xf32>
    %add3A_21 = arith.addf %dot_general3A_12, %dot_general3A_20 : vector<632x256xf32>
    %get3A_22 = arith.constant 0 : index
    %get3A_23 = arith.constant 0 : index
    %get3A_24 = vector.load %arg5[%get3A_22, %get3A_23] : memref<1x256xf32, #tpu.memory_space<vmem>>, vector<1x256xf32>
    %add3A_25 = vector.broadcast %get3A_24 : vector<1x256xf32> to vector<632x256xf32>
    %add3A_26 = arith.addf %add3A_21, %add3A_25 : vector<632x256xf32>
    %gt3A = arith.constant 0.000000e+00 : f32
    %gt3A_27 = vector.broadcast %gt3A : f32 to vector<632x256xf32>
    %gt3A_28 = arith.cmpf ogt, %add3A_26, %gt3A_27 : vector<632x256xf32>
    %exp3A = math.exp %add3A_26 : vector<632x256xf32>
    %sub3A = arith.constant 1.000000e+00 : f32
    %sub3A_29 = vector.broadcast %sub3A : f32 to vector<632x256xf32>
    %sub3A_30 = arith.subf %exp3A, %sub3A_29 : vector<632x256xf32>
    %select_n3A = arith.select %gt3A_28, %add3A_26, %sub3A_30 : vector<632x256xi1>, vector<632x256xf32>
    %swap3A = arith.constant 0 : index
    %swap3A_31 = arith.constant 0 : index
    %swap3A_32 = vector.load %arg7[%swap3A, %swap3A_31] : memref<632x256xf32, #tpu.memory_space<vmem>>, vector<632x256xf32>
    tpu.vector_store %arg7[%swap3A, %swap3A_31], %select_n3A {strides = array<i32>} : memref<632x256xf32, #tpu.memory_space<vmem>>, vector<632x256xf32>,
    %get3A_33 = arith.constant 0 : index
    %get3A_34 = arith.constant 0 : index
    %get3A_35 = vector.load %arg6[%get3A_33, %get3A_34] : memref<256x128xf32, #tpu.memory_space<vmem>>, vector<256x128xf32>
    %dot_general3A_36 = arith.constant dense<0.000000e+00> : vector<632x128xf32>
    %dot_general3A_37 = tpu.matmul %select_n3A, %get3A_35, %dot_general3A_36 {dimension_numbers = #tpu.dot_dimension_numbers<[1], [0], [0], [1], [0, 0, 1, 1], [], []>, transpose_lhs_hint = false} : vector<632x256xf32>, vector<256x128xf32>, vector<632x128xf32> -> vector<632x128xf32>
    %swap3A_38 = arith.constant 0 : index
    %swap3A_39 = arith.constant 0 : index
    %swap3A_40 = vector.load %arg8[%swap3A_38, %swap3A_39] : memref<632x128xf32, #tpu.memory_space<vmem>>, vector<632x128xf32>
    tpu.vector_store %arg8[%swap3A_38, %swap3A_39], %dot_general3A_37 {strides = array<i32>} : memref<632x128xf32, #tpu.memory_space<vmem>>, vector<632x128xf32>,
    return
  }
  func.func @transform_0(%arg0: i32) -> (i32, i32, i32) {
    %c0_i32 = arith.constant 0 : i32
    %c0_i32_0 = arith.constant 0 : i32
    %c0_i32_1 = arith.constant 0 : i32
    return %c0_i32, %arg0, %c0_i32_0 : i32, i32, i32
  }
  func.func @transform_1(%arg0: i32) -> (i32, i32) {
    %c0_i32 = arith.constant 0 : i32
    %c0_i32_0 = arith.constant 0 : i32
    return %arg0, %c0_i32 : i32, i32
  }
  func.func @transform_2(%arg0: i32) -> (i32, i32) {
    %c0_i32 = arith.constant 0 : i32
    %c0_i32_0 = arith.constant 0 : i32
    %c0_i32_1 = arith.constant 0 : i32
    return %c0_i32, %c0_i32_0 : i32, i32
  }
  func.func @transform_3(%arg0: i32) -> (i32, i32) {
    %c0_i32 = arith.constant 0 : i32
    %c0_i32_0 = arith.constant 0 : i32
    %c0_i32_1 = arith.constant 0 : i32
    return %c0_i32, %c0_i32_0 : i32, i32
  }
  func.func @transform_4(%arg0: i32) -> (i32, i32) {
    %c0_i32 = arith.constant 0 : i32
    %c0_i32_0 = arith.constant 0 : i32
    %c0_i32_1 = arith.constant 0 : i32
    return %c0_i32, %c0_i32_0 : i32, i32
  }
  func.func @transform_5(%arg0: i32) -> (i32, i32) {
    %c0_i32 = arith.constant 0 : i32
    %c0_i32_0 = arith.constant 0 : i32
    %c0_i32_1 = arith.constant 0 : i32
    return %c0_i32, %c0_i32_0 : i32, i32
  }
  func.func @transform_6(%arg0: i32) -> (i32, i32) {
    %c0_i32 = arith.constant 0 : i32
    %c0_i32_0 = arith.constant 0 : i32
    return %arg0, %c0_i32 : i32, i32
  }
  func.func @transform_7(%arg0: i32) -> (i32, i32) {
    %c0_i32 = arith.constant 0 : i32
    %c0_i32_0 = arith.constant 0 : i32
    return %arg0, %c0_i32 : i32, i32
  }
}

module attributes {stable_mosaic.version = 14 : i64} {
  func.func @_dense3_body(%arg0: i32, %arg1: memref<2x632x128xf32, #tpu.memory_space<vmem>>, %arg2: memref<632x256xf32, #tpu.memory_space<vmem>>, %arg3: memref<256x128xf32, #tpu.memory_space<vmem>>, %arg4: memref<1x128xf32, #tpu.memory_space<vmem>>, %arg5: memref<632x1xf32, #tpu.memory_space<vmem>>, %arg6: memref<64x128xf32, #tpu.memory_space<vmem>>, %arg7: memref<64x128xf32, #tpu.memory_space<vmem>>, %arg8: memref<64x1xf32, #tpu.memory_space<vmem>>) attributes {dimension_semantics = [#tpu.dimension_semantics<arbitrary>], iteration_bounds = array<i64: 16>, scalar_prefetch = 0 : i64, scratch_operands = 2 : i64, tpu.core_type = #tpu.core_type<tc>, window_params = [{transform_indices = @transform_0, window_bounds = array<i64: 2, 632, 128>}, {transform_indices = @transform_1, window_bounds = array<i64: 632, 256>}, {pipeline_mode = #tpu.pipeline_mode<synchronous>, transform_indices = @transform_2, window_bounds = array<i64: 256, 128>}, {pipeline_mode = #tpu.pipeline_mode<synchronous>, transform_indices = @transform_3, window_bounds = array<i64: 1, 128>}, {transform_indices = @transform_4, window_bounds = array<i64: 632, 1>}, {pipeline_mode = #tpu.pipeline_mode<synchronous>, transform_indices = @transform_5, window_bounds = array<i64: 64, 128>}]} {
    %get3A = arith.constant 0 : index
    %get3A_0 = arith.constant 0 : index
    %get3A_1 = arith.constant 0 : index
    %get3A_2 = vector.load %arg1[%get3A, %get3A_0, %get3A_1] : memref<2x632x128xf32, #tpu.memory_space<vmem>>, vector<1x632x128xf32>
    %get3A_3 = vector.shape_cast %get3A_2 : vector<1x632x128xf32> to vector<632x128xf32>
    %get3A_4 = arith.constant 1 : index
    %get3A_5 = arith.constant 0 : index
    %get3A_6 = arith.constant 0 : index
    %get3A_7 = vector.load %arg1[%get3A_4, %get3A_5, %get3A_6] : memref<2x632x128xf32, #tpu.memory_space<vmem>>, vector<1x632x128xf32>
    %get3A_8 = vector.shape_cast %get3A_7 : vector<1x632x128xf32> to vector<632x128xf32>
    %add3A = arith.addf %get3A_3, %get3A_8 : vector<632x128xf32>
    %get3A_9 = arith.constant 0 : index
    %get3A_10 = arith.constant 0 : index
    %get3A_11 = vector.load %arg2[%get3A_9, %get3A_10] : memref<632x256xf32, #tpu.memory_space<vmem>>, vector<632x256xf32>
    %get3A_12 = arith.constant 0 : index
    %get3A_13 = arith.constant 0 : index
    %get3A_14 = vector.load %arg3[%get3A_12, %get3A_13] : memref<256x128xf32, #tpu.memory_space<vmem>>, vector<256x128xf32>
    %dot_general3A = arith.constant dense<0.000000e+00> : vector<632x128xf32>
    %dot_general3A_15 = tpu.matmul %get3A_11, %get3A_14, %dot_general3A {dimension_numbers = #tpu.dot_dimension_numbers<[1], [0], [0], [1], [0, 0, 1, 1], [], []>, transpose_lhs_hint = false} : vector<632x256xf32>, vector<256x128xf32>, vector<632x128xf32> -> vector<632x128xf32>
    %add3A_16 = arith.addf %add3A, %dot_general3A_15 : vector<632x128xf32>
    %get3A_17 = arith.constant 0 : index
    %get3A_18 = arith.constant 0 : index
    %get3A_19 = vector.load %arg4[%get3A_17, %get3A_18] : memref<1x128xf32, #tpu.memory_space<vmem>>, vector<1x128xf32>
    %add3A_20 = vector.broadcast %get3A_19 : vector<1x128xf32> to vector<632x128xf32>
    %add3A_21 = arith.addf %add3A_16, %add3A_20 : vector<632x128xf32>
    %gt3A = arith.constant 0.000000e+00 : f32
    %gt3A_22 = vector.broadcast %gt3A : f32 to vector<632x128xf32>
    %gt3A_23 = arith.cmpf ogt, %add3A_21, %gt3A_22 : vector<632x128xf32>
    %exp3A = math.exp %add3A_21 : vector<632x128xf32>
    %sub3A = arith.constant 1.000000e+00 : f32
    %sub3A_24 = vector.broadcast %sub3A : f32 to vector<632x128xf32>
    %sub3A_25 = arith.subf %exp3A, %sub3A_24 : vector<632x128xf32>
    %select_n3A = arith.select %gt3A_23, %add3A_21, %sub3A_25 : vector<632x128xi1>, vector<632x128xf32>
    %iota3A = tpu.iota {dimensions = array<i32: 1>} : vector<632x64xi32>
    %convert_element_type3A = arith.sitofp %iota3A : vector<632x64xi32> to vector<632x64xf32>
    %get3A_26 = arith.constant 0 : index
    %get3A_27 = arith.constant 0 : index
    %get3A_28 = vector.load %arg5[%get3A_26, %get3A_27] : memref<632x1xf32, #tpu.memory_space<vmem>>, vector<632x1xf32>
    %eq3A = vector.broadcast %get3A_28 : vector<632x1xf32> to vector<632x64xf32>
    %eq3A_29 = arith.cmpf oeq, %eq3A, %convert_element_type3A : vector<632x64xf32>
    %convert_element_type3A_30 = arith.extui %eq3A_29 : vector<632x64xi1> to vector<632x64xi32>
    %convert_element_type3A_31 = arith.sitofp %convert_element_type3A_30 : vector<632x64xi32> to vector<632x64xf32>
    %dot_general3A_32 = arith.constant dense<0.000000e+00> : vector<64x128xf32>
    %dot_general3A_33 = tpu.matmul %convert_element_type3A_31, %select_n3A, %dot_general3A_32 {dimension_numbers = #tpu.dot_dimension_numbers<[0], [0], [1], [1], [0, 1, 1, 1], [], []>, transpose_lhs_hint = false} : vector<632x64xf32>, vector<632x128xf32>, vector<64x128xf32> -> vector<64x128xf32>
    %reduce_sum3A = arith.constant dense<0.000000e+00> : vector<64xf32>
    %reduce_sum3A_34 = vector.multi_reduction <add>, %convert_element_type3A_31, %reduce_sum3A [0] : vector<632x64xf32> to vector<64xf32>
    %broadcast_in_dim3A = vector.shape_cast %reduce_sum3A_34 : vector<64xf32> to vector<64x1xf32>
    %eq3A_35 = arith.constant 0 : i32
    %eq3A_36 = arith.cmpi eq, %arg0, %eq3A_35 : i32
    %convert_element_type3A_37 = arith.extui %eq3A_36 : i1 to i32
    %cond3A = arith.constant 0 : i32
    %cond3A_38 = arith.cmpi ne, %convert_element_type3A_37, %cond3A : i32
    scf.if %cond3A_38 {
      %swap3A = arith.constant 0 : index
      %swap3A_49 = arith.constant 0 : index
      %swap3A_50 = vector.load %arg7[%swap3A, %swap3A_49] : memref<64x128xf32, #tpu.memory_space<vmem>>, vector<64x128xf32>
      tpu.vector_store %arg7[%swap3A, %swap3A_49], %dot_general3A_33 {strides = array<i32>} : memref<64x128xf32, #tpu.memory_space<vmem>>, vector<64x128xf32>,
      %swap3A_51 = arith.constant 0 : index
      %swap3A_52 = arith.constant 0 : index
      %swap3A_53 = vector.load %arg8[%swap3A_51, %swap3A_52] : memref<64x1xf32, #tpu.memory_space<vmem>>, vector<64x1xf32>
      tpu.vector_store %arg8[%swap3A_51, %swap3A_52], %broadcast_in_dim3A {strides = array<i32>} : memref<64x1xf32, #tpu.memory_space<vmem>>, vector<64x1xf32>,
    } else {
    }
    %gt3A_39 = arith.constant 0 : i32
    %gt3A_40 = arith.cmpi sgt, %arg0, %gt3A_39 : i32
    %convert_element_type3A_41 = arith.extui %gt3A_40 : i1 to i32
    %cond3A_42 = arith.constant 0 : i32
    %cond3A_43 = arith.cmpi ne, %convert_element_type3A_41, %cond3A_42 : i32
    scf.if %cond3A_43 {
      %get3A_49 = arith.constant 0 : index
      %get3A_50 = arith.constant 0 : index
      %get3A_51 = vector.load %arg7[%get3A_49, %get3A_50] : memref<64x128xf32, #tpu.memory_space<vmem>>, vector<64x128xf32>
      %add3A_52 = arith.addf %get3A_51, %dot_general3A_33 : vector<64x128xf32>
      %swap3A = arith.constant 0 : index
      %swap3A_53 = arith.constant 0 : index
      %swap3A_54 = vector.load %arg7[%swap3A, %swap3A_53] : memref<64x128xf32, #tpu.memory_space<vmem>>, vector<64x128xf32>
      tpu.vector_store %arg7[%swap3A, %swap3A_53], %add3A_52 {strides = array<i32>} : memref<64x128xf32, #tpu.memory_space<vmem>>, vector<64x128xf32>,
      %get3A_55 = arith.constant 0 : index
      %get3A_56 = arith.constant 0 : index
      %get3A_57 = vector.load %arg8[%get3A_55, %get3A_56] : memref<64x1xf32, #tpu.memory_space<vmem>>, vector<64x1xf32>
      %add3A_58 = arith.addf %get3A_57, %broadcast_in_dim3A : vector<64x1xf32>
      %swap3A_59 = arith.constant 0 : index
      %swap3A_60 = arith.constant 0 : index
      %swap3A_61 = vector.load %arg8[%swap3A_59, %swap3A_60] : memref<64x1xf32, #tpu.memory_space<vmem>>, vector<64x1xf32>
      tpu.vector_store %arg8[%swap3A_59, %swap3A_60], %add3A_58 {strides = array<i32>} : memref<64x1xf32, #tpu.memory_space<vmem>>, vector<64x1xf32>,
    } else {
    }
    %eq3A_44 = arith.constant 15 : i32
    %eq3A_45 = arith.cmpi eq, %arg0, %eq3A_44 : i32
    %convert_element_type3A_46 = arith.extui %eq3A_45 : i1 to i32
    %cond3A_47 = arith.constant 0 : i32
    %cond3A_48 = arith.cmpi ne, %convert_element_type3A_46, %cond3A_47 : i32
    scf.if %cond3A_48 {
      %get3A_49 = arith.constant 0 : index
      %get3A_50 = arith.constant 0 : index
      %get3A_51 = vector.load %arg7[%get3A_49, %get3A_50] : memref<64x128xf32, #tpu.memory_space<vmem>>, vector<64x128xf32>
      %get3A_52 = arith.constant 0 : index
      %get3A_53 = arith.constant 0 : index
      %get3A_54 = vector.load %arg8[%get3A_52, %get3A_53] : memref<64x1xf32, #tpu.memory_space<vmem>>, vector<64x1xf32>
      %max3A = arith.constant 1.000000e+00 : f32
      %max3A_55 = vector.broadcast %max3A : f32 to vector<64x1xf32>
      %max3A_56 = arith.maximumf %get3A_54, %max3A_55 : vector<64x1xf32>
      %div3A = vector.broadcast %max3A_56 : vector<64x1xf32> to vector<64x128xf32>
      %div3A_57 = arith.divf %get3A_51, %div3A : vector<64x128xf32>
      %swap3A = arith.constant 0 : index
      %swap3A_58 = arith.constant 0 : index
      %swap3A_59 = vector.load %arg6[%swap3A, %swap3A_58] : memref<64x128xf32, #tpu.memory_space<vmem>>, vector<64x128xf32>
      tpu.vector_store %arg6[%swap3A, %swap3A_58], %div3A_57 {strides = array<i32>} : memref<64x128xf32, #tpu.memory_space<vmem>>, vector<64x128xf32>,
    } else {
    }
    return
  }
  func.func @transform_0(%arg0: i32) -> (i32, i32, i32) {
    %c0_i32 = arith.constant 0 : i32
    %c0_i32_0 = arith.constant 0 : i32
    %c0_i32_1 = arith.constant 0 : i32
    return %c0_i32, %arg0, %c0_i32_0 : i32, i32, i32
  }
  func.func @transform_1(%arg0: i32) -> (i32, i32) {
    %c0_i32 = arith.constant 0 : i32
    %c0_i32_0 = arith.constant 0 : i32
    return %arg0, %c0_i32 : i32, i32
  }
  func.func @transform_2(%arg0: i32) -> (i32, i32) {
    %c0_i32 = arith.constant 0 : i32
    %c0_i32_0 = arith.constant 0 : i32
    %c0_i32_1 = arith.constant 0 : i32
    return %c0_i32, %c0_i32_0 : i32, i32
  }
  func.func @transform_3(%arg0: i32) -> (i32, i32) {
    %c0_i32 = arith.constant 0 : i32
    %c0_i32_0 = arith.constant 0 : i32
    %c0_i32_1 = arith.constant 0 : i32
    return %c0_i32, %c0_i32_0 : i32, i32
  }
  func.func @transform_4(%arg0: i32) -> (i32, i32) {
    %c0_i32 = arith.constant 0 : i32
    %c0_i32_0 = arith.constant 0 : i32
    return %arg0, %c0_i32 : i32, i32
  }
  func.func @transform_5(%arg0: i32) -> (i32, i32) {
    %c0_i32 = arith.constant 0 : i32
    %c0_i32_0 = arith.constant 0 : i32
    %c0_i32_1 = arith.constant 0 : i32
    return %c0_i32, %c0_i32_0 : i32, i32
  }
}

</mosaic_0001>

<sc_bundles>
// kernel: kernel.11.cloned.1.call-start
scs
__scs_entry_jumppad:
0x0: {  	(pc) =	sbr.rel $0x88, $3  }
0x1: {  	(tag) =	ssettag $0x0;
	lr =	simm.s32 $0x1  }
0x2: {  	[smem:$0x3F95] =	sst lr;
	_ =	strace $0xD0000000  }
0x3: {  	_ = 	snop  }
0x4: {  	_ = 	snop  }
0x5: {  	_ = 	snop  }
0x6: {  	_ = 	snop  }
0x7: {  	_ = 	snop  }
__scs_overlays_trampoline_lowered:
0x8: {  	[smem:$0x3FA4] =	sst s0  }
0x9: {  	[smem:$0x3FA5] =	sst s1  }
0xa: {  	[smem:$0x3FA6] =	sst s2  }
0xb: {  	[smem:$0x3FA7] =	sst s3  }
0xc: {  	[smem:$0x3FA8] =	sst s4  }
0xd: {  	[smem:$0x3FA9] =	sst s5  }
0xe: {  	[smem:$0x3FAA] =	sst s6  }
0xf: {  	[smem:$0x3FAB] =	sst s7  }
0x10: {  	[smem:$0x3FAC] =	sst s8  }
0x11: {  	[smem:$0x3FAD] =	sst s9;
	s0 =	simm.s32 @!p0 $0x0  }
0x12: {  	s1 =	sld [smem:$0x3F93];
	s0 =	simm.s32 @p0 $0x1  }
0x13: {  	[smem:$0x3FAE] =	sst s0;
	s0 =	simm.s32 @!p1 $0x0  }
0x14: {  	s2 =	sld [smem:$0x3F92];
	s0 =	simm.s32 @p1 $0x1  }
0x15: {  	[smem:$0x3FAF] =	sst s0;
	s0 =	simm.s32 @!p2 $0x0  }
0x16: {  	s3 =	sld [smem:$0x3FDB];
	s0 =	simm.s32 @p2 $0x1  }
0x17: {  	s4 =	simm.s32 $0x1BF5;
	[smem:$0x3FB1] =	sst s0  }
0x18: {  	s0 =	sld [smem:$0x3F94];
	_ =	swait.ge [sflag:s4], $0x0  }
0x19: {  	s7 =	sld [smem:$0x3F95]  }
0x1a: {  	s8 =	sadd.s32 $0xFFFFE003, lr  }
0x1b: {  	s9 =	sadd.s32 $0xFFFFFEF7, lr;
	s5 =	simm.s32 $0xFFFFFFFF;
	p2 =	slt.u32 s8, $0xFFFFF086  }
0x1c: {  	p1 =	slt.u32 s9, $0xF7A;
	s5 =	simm.s32 @!p2 $0x0  }
0x1d: {  	s5 =	simm.s32 @p1 $0x1;
	p0 =	seq.s32 s7, s2  }
0x1e: {  	s7 =	smul.u32 @!p0 $0xF7A, s2;
	p2 =	seq.s32 @!p0 s5, $0x0  }
0x1f: {  	s9 =	smul.u32 $0xF7A, s1;
	s8 =	simm.s32 @!p0 $0x1BF5;
	p2 =	por !p2, p0  }
0x20: {  	[sflag:s8] =	ssyncset.s32 @!p0 $0xFFFFF086;
	s6 =	sadd.s32 @!p0 s3, s7;
	s7 =	simm.s32 @!p0 $0x108  }
0x21: {  	s3 =	sadd.s32 s3, s9;
	s6 =	sadd.s32 @!p0 $0x88, s6;
	s7 =	simm.s32 @p2 $0x1082  }
0x22: {  	[simem:s7], [sflag:s8] =	dma.local @!p0 [hbm:s6], $0xF7A  }
0x23: {  	s9 =	sor.u32 $0xD0000000, s2;
	s6 =	simm.s32 $0x108;
	_ =	swait.ge @!p0 [sflag:s8], $0x0  }
0x24: {  	s3 =	sadd.s32 $0x88, s3;
	s6 =	simm.s32 @!p1 $0x1082;
	[sflag:s4] =	ssyncset.s32 $0xFFFFF086  }
0x25: {  	[simem:s6], [sflag:s4] =	dma.local [hbm:s3], $0xF7A  }
0x26: {  	[smem:$0x3F95] =	sst s1;
	(tag) =	ssettag s2;
	_ =	strace s9  }
0x27: {  	s1 =	sld [smem:$0x3FA5]  }
0x28: {  	s2 =	sld [smem:$0x3FA6]  }
0x29: {  	s4 =	sld [smem:$0x3FA8]  }
0x2a: {  	p0 =	seq.s32 s5, $0x0;
	s5 =	sld [smem:$0x3FA9]  }
0x2b: {  	s6 =	sld [smem:$0x3FAA]  }
0x2c: {  	s7 =	sld [smem:$0x3FAB]  }
0x2d: {  	s3 =	simm.s32 $0x108;
	s8 =	sld [smem:$0x3FAC]  }
0x2e: {  	s3 =	simm.s32 @!p0 $0x1082;
	s9 =	sld [smem:$0x3FAD]  }
0x2f: {  	lr =	sadd.s32 s0, s3;
	s0 =	sld [smem:$0x3FA4]  }
0x30: {  	s3 =	sld [smem:$0x3FA7]  }
0x31: {  	[smem:$0x3FB0] =	sst s10  }
0x32: {  	s10 =	sld [smem:$0x3FAE];
	_ =	sdelay $0x3  }
0x33: {  	p0 =	seq.s32 s10, $0x1;
	s10 =	sld [smem:$0x3FB0];
	_ =	sdelay $0x3  }
0x34: {  	[smem:$0x3FB0] =	sst s10  }
0x35: {  	s10 =	sld [smem:$0x3FAF];
	_ =	sdelay $0x3  }
0x36: {  	p1 =	seq.s32 s10, $0x1;
	s10 =	sld [smem:$0x3FB0];
	_ =	sdelay $0x3  }
0x37: {  	[smem:$0x3FB0] =	sst s10  }
0x38: {  	s10 =	sld [smem:$0x3FB1]  }
0x39: {  	_ = 	snop;
	(pc) =	sbr.ind lr, $3  }
0x3a: {  	_ = 	snop  }
0x3b: {  	_ = 	snop  }
0x3c: {  	p2 =	seq.s32 s10, $0x1;
	s10 =	sld [smem:$0x3FB0]  }
0x3d: {  	_ =	shalt  }
0x3e: {  	_ =	shalt  }
0x3f: {  	_ =	shalt  }
0x40: {  	_ =	shalt  }
0x41: {  	_ =	shalt  }
0x42: {  	_ =	shalt  }
0x43: {  	_ =	shalt  }
0x44: {  	_ =	shalt  }
0x45: {  	_ =	shalt  }
0x46: {  	_ =	shalt  }
0x47: {  	_ =	shalt  }
0x48: {  	_ =	shalt  }
0x49: {  	_ =	shalt  }
0x4a: {  	_ =	shalt  }
0x4b: {  	_ =	shalt  }
0x4c: {  	_ =	shalt  }
0x4d: {  	_ =	shalt  }
0x4e: {  	_ =	shalt  }
0x4f: {  	_ =	shalt  }
0x50: {  	_ =	shalt  }
0x51: {  	_ =	shalt  }
0x52: {  	_ =	shalt  }
0x53: {  	_ =	shalt  }
0x54: {  	_ =	shalt  }
0x55: {  	_ =	shalt  }
0x56: {  	_ =	shalt  }
0x57: {  	_ =	shalt  }
0x58: {  	_ =	shalt  }
0x59: {  	_ =	shalt  }
0x5a: {  	_ =	shalt  }
0x5b: {  	_ =	shalt  }
0x5c: {  	_ =	shalt  }
0x5d: {  	_ =	shalt  }
0x5e: {  	_ =	shalt  }
0x5f: {  	_ =	shalt  }
0x60: {  	_ =	shalt  }
0x61: {  	_ =	shalt  }
0x62: {  	_ =	shalt  }
0x63: {  	_ =	shalt  }
0x64: {  	_ =	shalt  }
0x65: {  	_ =	shalt  }
0x66: {  	_ =	shalt  }
0x67: {  	_ =	shalt  }
0x68: {  	_ =	shalt  }
0x69: {  	_ =	shalt  }
0x6a: {  	_ =	shalt  }
0x6b: {  	_ =	shalt  }
0x6c: {  	_ =	shalt  }
0x6d: {  	_ =	shalt  }
0x6e: {  	_ =	shalt  }
0x6f: {  	_ =	shalt  }
0x70: {  	_ =	shalt  }
0x71: {  	_ =	shalt  }
0x72: {  	_ =	shalt  }
0x73: {  	_ =	shalt  }
0x74: {  	_ =	shalt  }
0x75: {  	_ =	shalt  }
0x76: {  	_ =	shalt  }
0x77: {  	_ =	shalt  }
0x78: {  	_ =	shalt  }
0x79: {  	_ =	shalt  }
0x7a: {  	_ =	shalt  }
0x7b: {  	_ =	shalt  }
0x7c: {  	_ =	shalt  }
0x7d: {  	_ =	shalt  }
0x7e: {  	_ =	shalt  }
0x7f: {  	_ =	shalt  }
0x80: {  	_ =	shalt  }
0x81: {  	_ =	shalt  }
0x82: {  	_ =	shalt  }
0x83: {  	_ =	shalt  }
0x84: {  	_ =	shalt  }
0x85: {  	_ =	shalt  }
0x86: {  	_ =	shalt  }
0x87: {  	_ =	shalt  }
.Lfunc_end0:
.L_simem_size_0:
called_computation.1_lowered:
.L_overlay_start_0:
0x88: {  	s2 =	sld [smem:$0x3FD9]  }
0x89: {  	s3 =	sld [smem:$0x3FFE];
	_ =	sdelay $0x1  }
0x8a: {  	s1 =	srdreg.scid  }
0x8b: {  	s0 =	sand.u32 $0x1, s1  }
0x8c: {  	s16 =	sshll.u32 s0, $0xA;
	s2 =	sadd.s32 s3, s2  }
0x8d: {  	s2 =	sadd.s32 s2, s16  }
0x8e: {  	[smem:$0x3FBC] =	sst s2  }
0x8f: {  	_ = 	snop  }
0x90: {  	(tm) =	ssettm $0x1  }
0x91: {  	s17 =	sld [smem:$0x3FFB];
	_ =	sdelay $0x3  }
0x92: {  	_ =	strace s17  }
0x93: {  	s2 =	sld [smem:$0x3FFC];
	_ =	sdelay $0x3  }
0x94: {  	_ =	strace s2  }
0x95: {  	s2 =	sld [smem:$0x3FFD];
	_ =	sdelay $0x3  }
0x96: {  	_ =	strace s2  }
0x97: {  	_ =	strace $0x8FFFFFFF  }
0x98: {  	s18 =	sld [smem:$0x3FDB];
	_ =	sdelay $0x1  }
0x99: {  	s19 =	simm.s32 $_scs_section_size  }
0x9a: {  	s4 =	simm.s32 $_size__tile_overlayer_lowered;
	s5 =	simm.s32 $_tile_overlayer_lowered  }
0x9b: {  	s22 =	simm.s32 $0x1BFF;
	s21 =	sshll.u32 s5, $0x1;
	s2 =	sadd.s32 s19, s18  }
0x9c: {  	s6 =	simm.s32 $0x0;
	s20 =	sshll.u32 s4, $0x1;
	s4 =	sadd.s32 s21, s2  }
0x9d: {  	[timem:s6], [sflag:s22] =	dma.local [hbm:s4], s20  }
0x9e: {  	_ =	swait.ge [sflag:s22], s20  }
0x9f: {  	s3 =	ssub.s32 $0x0, s20;
	[sflag:s22] =	ssyncset.done $0x0  }
0xa0: {  	[sflag:s22] =	ssyncadd.s32 s3;
	_ =	sdelay $0x1  }
0xa1: {  	s23 =	simm.s32 $0x1B8B  }
0xa2: {  	_ =	swait.ge [sflag:s23], $0x1  }
0xa3: {  	[sflag:s23] =	ssyncset.done $0x0  }
0xa4: {  	s25 =	simm.s32 $0x1B8E;
	s24 =	sld [smem:$0x3FFE];
	[sflag:s23] =	ssyncadd.s32 $0xFFFFFFFF  }
0xa5: {  	s26 =	simm.s32 $execute0_lowered;
	[smem:$0x3FD2] =	sst s25  }
0xa6: {  	s4 =	sshll.u32 s26, $0x1;
	_ =	strace $0x80000049;
	[dreg:$0x1] =	wrdreg $0xFFFFFFFF  }
0xa7: {  	s28 =	simm.s32 $_size_execute0_lowered;
	s2 =	sadd.s32 s2, s4;
	[dreg:$0x0] =	wrdreg $0x0  }
0xa8: {  	s4 =	sshll.u32 s28, $0x1;
	[dreg:$0x2] =	wrdreg s2  }
0xa9: {  	[dreg:$0x3] =	wrdreg s4  }
0xaa: {  	[dreg:$0x4] =	wrdreg $0xC0  }
0xab: {  	_ =	task [dreg:s6], $0x5FFFF  }
0xac: {  	[dreg:$0x1] =	wrdreg $0xFFFFFFFF  }
0xad: {  	[dreg:$0x0] =	wrdreg $0x60  }
0xae: {  	[dreg:$0x2] =	wrdreg s24  }
0xaf: {  	[dreg:$0x3] =	wrdreg $0xA8000  }
0xb0: {  	[dreg:$0x4] =	wrdreg $0x9  }
0xb1: {  	_ =	task.clear_ibuf [dreg:s6], $0x5FFFF;
	_ =	strace $0x90000049  }
0xb2: {  	s29 =	simm.s32 $0x9;
	_ =	strace $0x8000004B  }
0xb3: {  	_ =	swait.ge [sflag:s29], $0x1  }
0xb4: {  	[sflag:s29] =	ssyncadd.s32 $0xFFFFFFFF  }
0xb5: {  	_ =	strace $0x9000004B  }
0xb6: {  	_ =	sfence  }
0xb7: {  	s30 =	sld [smem:$0x0];
	_ =	sdelay $0x2  }
0xb8: {  	s31 =	sshll.u32 s1, $0xD;
	s1 =	sshrl.u32 s1, $0x2  }
0xb9: {  	s3 =	sand.u32 $0x4000, s31;
	s1 =	sadd.s32 s1, s30  }
0xba: {  	s0 =	sor.u32 s3, s0;
	s1 =	sshll.u32 s1, $0x11  }
0xbb: {  	s0 =	sor.u32 s1, s0  }
0xbc: {  	s0 =	sadd.s32 $0x8F2B, s0  }
0xbd: {  	[sflag:s0] =	ssyncadd.remote.s32 $0x1  }
0xbe: {  	_ =	sfence.sel $0xFFFF  }
0xbf: {  	[dreg:$0x0] =	wrdreg $0xFFFFFFFF;
	(pc) =	sbr.abs _section_cstart, $3  }
0xc0: {  	[dreg:$0x1] =	wrdreg $0xFFFFFFFF  }
0xc1: {  	_ =	task.clear_ibuf [dreg:s6], $0x2FFFF;
	_ =	strace $0x9FFFFFFF  }
0xc2: {  	(tm) =	ssettm $0x7FFFFFFF  }
0xc3: {  	_ =	shalt  }
tec
execute0_lowered:
.L_overlay_start_1:
0x0: {  	(tag) =	ssettag $0x1  }
0x1: {  	s6 =	rddreg [dreg:$0x0]  }
0x2: {  	s1 =	rddreg [dreg:$0x1]  }
0x3: {  	s0 =	rddreg [dreg:$0x2];
	s3 =	simm.s32 $0x0;
	s2 =	srdreg.scid  }
0x4: {  	s16 =	simm.s32 $0x80;
	s17 =	simm.s32 $0x2800;
	s18 =	simm.s32 $0x6800  }
0x5: {  	s19 =	simm.s32 $0x3;
	s20 =	simm.s32 $0x4;
	s21 =	simm.s32 $0x1  }
0x6: {  	s22 =	simm.s32 $0x2;
	s23 =	simm.s32 $0x2700;
	s24 =	simm.s32 $0x2780  }
0x7: {  	[smem:$0x7FF] =	sst s3;
	s7 =	sand.u32 $0x1, s2;
	s2 =	stileid.u32  }
0x8: {  	s4 =	sadd.s32 $0x3200, s6;
	s10 =	sadd.s32 $0x2AA00, s6;
	s11 =	sadd.s32 $0x34A00, s6  }
0x9: {  	s5 =	sadd.s32 $0x3EA00, s6;
	s8 =	smul.u32 $0x13C000, s7;
	_ =	strace $0x8000004A  }
0xa: {  	s9 =	smul.u32 $0x13C00, s2;
	s25 =	sshll.u32 s2, $0x1;
	s12 =	ssub.s32 $0x2, s7  }
0xb: {  	s26 =	smul.u32 $0x4F000, s2;
	s30 =	sshll.u32 s2, $0x6;
	s7 =	sor.u32 s7, s25  }
0xc: {  	s13 =	sshrl.u32 s12, $0x1;
	s25 =	simm.s32 $0x0;
	s8 =	sadd.s32 s9, s8  }
0xd: {  	s7 =	smul.u32 $0x2800, s7;
	s12 =	ssub.s32 s12, s13;
	s28 =	sshrl.u32 s26, $0x2  }
0xe: {  	s8 =	sshrl.u32 s8, $0x3;
	s29 =	sadd.s32 s28, s1;
	s12 =	smax.u32 s12, $0x1  }
0xf: {  	s14 =	sadd.s32 s8, s6;
	s31 =	sshrl.u32 s7, $0x3;
	s6 =	sor.u32 $0x1C05, s30  }
0x10: {  	s13 =	sshrl.u32 s29, $0x3;
	s7 =	sadd.s32 s10, s31;
	s15 =	sadd.s32 $0x280, s31  }
0x11: {  	s8 =	sadd.s32 s11, s31;
	s9 =	sadd.s32 s10, s15;
	s10 =	sadd.s32 s11, s15  }
0x12: {  	s11 =	sadd.s32 $0x41200, s14;
	s14 =	simm.s32 $0x5;
	s15 =	simm.s32 $0x1400  }
.LBB2_1:
0x13: {  	[spmem:s13], [sflag:s6] =	dma.local [hbm:s5], $0x2780  }
0x14: {  	_ =	swait.ge [sflag:s14], $0x2780  }
0x15: {  	[sflag:s14] =	ssyncset.done $0x0  }
0x16: {  	[sflag:s14] =	ssyncadd.s32 $0xFFFFD880  }
0x17: {  	[bflag:$0x0] =	sbarrier.arrive $0xFFFF  }
0x18: {  	[tilespmem:s3], [sflag:$0x5] =	stream.linear.gather [hbm4b:s7+s3], $0x1400, $0x38;
	[tilespmem:$0x1E400] =	vst v63  }
0x19: {  	_ =	swait.ge [sflag:s14], $0x1400  }
0x1a: {  	[sflag:s14] =	ssyncset.done $0x0  }
0x1b: {  	[sflag:s14] =	ssyncadd.s32 $0xFFFFEC00  }
0x1c: {  	[tilespmem:s15], [sflag:$0x5] =	stream.linear.gather [hbm4b:s8+s3], $0x1400, $0x38;
	[tilespmem:$0x1E400] =	vst v63  }
0x1d: {  	_ =	swait.ge [sflag:s14], $0x1400  }
0x1e: {  	[sflag:s14] =	ssyncset.done $0x0  }
0x1f: {  	[sflag:s14] =	ssyncadd.s32 $0xFFFFEC00  }
0x20: {  	[tilespmem:s17], [sflag:$0x3] =	stream.indirect.gather [hbm4b:s4+s16], $0x80, s3, s16, $0xb8;
	[tilespmem:$0x1E400] =	vst v63  }
0x21: {  	_ = 	snop  }
0x22: {  	[tilespmem:s18], [sflag:$0x4] =	stream.indirect.gather [hbm4b:s4+s16], $0x80, s16, s16, $0xb8;
	[tilespmem:$0x1E400] =	vst v63  }
0x23: {  	_ =	swait.ge [sflag:s19], $0x4000  }
0x24: {  	[sflag:s19] =	ssyncset.done $0x0  }
0x25: {  	s26 =	simm.s32 $0x1400;
	[sflag:s19] =	ssyncadd.s32 $0xFFFFC000  }
0x26: {  	[spmem:s1] =	stream.indirect.scatter.add.f32 [tilespmem:s17], [sflag:$0x1], $0x80, s26, s16, $0xb8;
	[tilespmem:$0x1E400] =	vst v63  }
0x27: {  	_ =	swait.ge [sflag:s20], $0x4000  }
0x28: {  	[sflag:s20] =	ssyncset.done $0x0  }
0x29: {  	s30 =	simm.s32 $0x1480;
	[sflag:s20] =	ssyncadd.s32 $0xFFFFC000  }
0x2a: {  	[spmem:s1] =	stream.indirect.scatter.add.f32 [tilespmem:s18], [sflag:$0x2], $0x80, s30, s16, $0xb8;
	[tilespmem:$0x1E400] =	vst v63  }
0x2b: {  	_ =	swait.ge [sflag:s21], $0x4000  }
0x2c: {  	[sflag:s21] =	ssyncset.done $0x0  }
0x2d: {  	s31 =	simm.s32 $0x100;
	[sflag:s21] =	ssyncadd.s32 $0xFFFFC000  }
0x2e: {  	[tilespmem:s17], [sflag:$0x3] =	stream.indirect.gather [hbm4b:s4+s16], $0x80, s31, s16, $0xb8;
	[tilespmem:$0x1E400] =	vst v63  }
0x2f: {  	_ =	swait.ge [sflag:s22], $0x4000  }
0x30: {  	[sflag:s22] =	ssyncset.done $0x0  }
0x31: {  	s28 =	simm.s32 $0x180;
	s26 =	simm.s32 $0x400;
	[sflag:s22] =	ssyncadd.s32 $0xFFFFC000  }
.LBB2_2:
0x32: {  	[tilespmem:s18], [sflag:$0x4] =	stream.indirect.gather [hbm4b:s4+s16], $0x80, s28, s16, $0xb8;
	[tilespmem:$0x1E400] =	vst v63  }
0x33: {  	s28 =	smov.u32 s26  }
0x34: {  	p0 =	sne.s32 s26, $0x4800;
	s26 =	sadd.s32 $0x400, s26;
	_ =	swait.ge [sflag:s19], $0x4000  }
0x35: {  	s28 =	sshra.s32 s28, $0x2;
	[sflag:s19] =	ssyncset.done $0x0  }
0x36: {  	s29 =	sadd.s32 $0x1400, s28;
	[sflag:s19] =	ssyncadd.s32 $0xFFFFC000  }
0x37: {  	[spmem:s1] =	stream.indirect.scatter.add.f32 [tilespmem:s17], [sflag:$0x1], $0x80, s29, s16, $0xb8;
	[tilespmem:$0x1E400] =	vst v63  }
0x38: {  	_ =	swait.ge [sflag:s20], $0x4000  }
0x39: {  	[sflag:s20] =	ssyncset.done $0x0  }
0x3a: {  	s29 =	sadd.s32 $0x1480, s28;
	[sflag:s20] =	ssyncadd.s32 $0xFFFFC000  }
0x3b: {  	[spmem:s1] =	stream.indirect.scatter.add.f32 [tilespmem:s18], [sflag:$0x2], $0x80, s29, s16, $0xb8;
	[tilespmem:$0x1E400] =	vst v63  }
0x3c: {  	_ =	swait.ge [sflag:s21], $0x4000  }
0x3d: {  	[sflag:s21] =	ssyncset.done $0x0  }
.Ltmp0:
0x3e: {  	s29 =	sadd.s32 $0x100, s28;
	[sflag:s21] =	ssyncadd.s32 $0xFFFFC000;
	(pc) =	sbr.rel @p0 .LBB2_2-.Ltmp0, $4  }
0x3f: {  	[tilespmem:s17], [sflag:$0x3] =	stream.indirect.gather [hbm4b:s4+s16], $0x80, s29, s16, $0xb8;
	[tilespmem:$0x1E400] =	vst v63  }
0x40: {  	_ =	swait.ge [sflag:s22], $0x4000  }
0x41: {  	[sflag:s22] =	ssyncset.done $0x0  }
0x42: {  	s28 =	sadd.s32 $0x180, s28;
	[sflag:s22] =	ssyncadd.s32 $0xFFFFC000  }
0x43: {  	[tilespmem:s18], [sflag:$0x4] =	stream.indirect.gather [hbm4b:s4+s16], $0x80, s28, s16, $0xb8;
	[tilespmem:$0x1E400] =	vst v63  }
0x44: {  	_ =	swait.ge [sflag:s19], $0x4000  }
0x45: {  	[sflag:s19] =	ssyncset.done $0x0  }
0x46: {  	[sflag:s19] =	ssyncadd.s32 $0xFFFFC000  }
0x47: {  	[spmem:s1] =	stream.indirect.scatter.add.f32 [tilespmem:s17], [sflag:$0x1], $0x80, s23, s16, $0xb8;
	[tilespmem:$0x1E400] =	vst v63  }
0x48: {  	_ =	swait.ge [sflag:s20], $0x4000  }
0x49: {  	[sflag:s20] =	ssyncset.done $0x0  }
0x4a: {  	[sflag:s20] =	ssyncadd.s32 $0xFFFFC000  }
0x4b: {  	[spmem:s1] =	stream.indirect.scatter.add.f32 [tilespmem:s18], [sflag:$0x2], $0x80, s24, s16, $0xb8;
	[tilespmem:$0x1E400] =	vst v63  }
0x4c: {  	_ =	swait.ge [sflag:s21], $0x4000  }
0x4d: {  	[sflag:s21] =	ssyncset.done $0x0  }
0x4e: {  	[sflag:s21] =	ssyncadd.s32 $0xFFFFC000  }
0x4f: {  	_ =	swait.ge [sflag:s22], $0x4000  }
0x50: {  	[sflag:s22] =	ssyncset.done $0x0  }
0x51: {  	s26 =	simm.s32 $0x0;
	[sflag:s22] =	ssyncadd.s32 $0xFFFFC000  }
0x52: {  	[tilespmem:s26], [sflag:$0x5] =	stream.linear.gather [hbm4b:s9+s26], $0x1400, $0x38;
	[tilespmem:$0x1E400] =	vst v63  }
0x53: {  	_ =	swait.ge [sflag:s14], $0x1400  }
0x54: {  	[sflag:s14] =	ssyncset.done $0x0  }
0x55: {  	[sflag:s14] =	ssyncadd.s32 $0xFFFFEC00  }
0x56: {  	[tilespmem:s15], [sflag:$0x5] =	stream.linear.gather [hbm4b:s10+s26], $0x1400, $0x38;
	[tilespmem:$0x1E400] =	vst v63  }
0x57: {  	_ =	swait.ge [sflag:s14], $0x1400  }
0x58: {  	[sflag:s14] =	ssyncset.done $0x0  }
0x59: {  	[sflag:s14] =	ssyncadd.s32 $0xFFFFEC00  }
0x5a: {  	[tilespmem:s17], [sflag:$0x3] =	stream.indirect.gather [hbm4b:s4+s16], $0x80, s26, s16, $0xb8;
	[tilespmem:$0x1E400] =	vst v63  }
0x5b: {  	_ = 	snop  }
0x5c: {  	[tilespmem:s18], [sflag:$0x4] =	stream.indirect.gather [hbm4b:s4+s16], $0x80, s16, s16, $0xb8;
	[tilespmem:$0x1E400] =	vst v63  }
0x5d: {  	_ =	swait.ge [sflag:s19], $0x4000  }
0x5e: {  	[sflag:s19] =	ssyncset.done $0x0  }
0x5f: {  	s29 =	simm.s32 $0x1400;
	[sflag:s19] =	ssyncadd.s32 $0xFFFFC000  }
0x60: {  	[spmem:s1] =	stream.indirect.scatter.add.f32 [tilespmem:s17], [sflag:$0x1], $0x80, s29, s16, $0xb8;
	[tilespmem:$0x1E400] =	vst v63  }
0x61: {  	_ =	swait.ge [sflag:s20], $0x4000  }
0x62: {  	[sflag:s20] =	ssyncset.done $0x0  }
0x63: {  	s30 =	simm.s32 $0x1480;
	[sflag:s20] =	ssyncadd.s32 $0xFFFFC000  }
0x64: {  	[spmem:s1] =	stream.indirect.scatter.add.f32 [tilespmem:s18], [sflag:$0x2], $0x80, s30, s16, $0xb8;
	[tilespmem:$0x1E400] =	vst v63  }
0x65: {  	_ =	swait.ge [sflag:s21], $0x4000  }
0x66: {  	[sflag:s21] =	ssyncset.done $0x0  }
0x67: {  	s31 =	simm.s32 $0x100;
	[sflag:s21] =	ssyncadd.s32 $0xFFFFC000  }
0x68: {  	[tilespmem:s17], [sflag:$0x3] =	stream.indirect.gather [hbm4b:s4+s16], $0x80, s31, s16, $0xb8;
	[tilespmem:$0x1E400] =	vst v63  }
0x69: {  	_ =	swait.ge [sflag:s22], $0x4000  }
0x6a: {  	[sflag:s22] =	ssyncset.done $0x0  }
0x6b: {  	s28 =	simm.s32 $0x180;
	s26 =	simm.s32 $0x400;
	[sflag:s22] =	ssyncadd.s32 $0xFFFFC000  }
.LBB2_4:
0x6c: {  	[tilespmem:s18], [sflag:$0x4] =	stream.indirect.gather [hbm4b:s4+s16], $0x80, s28, s16, $0xb8;
	[tilespmem:$0x1E400] =	vst v63  }
0x6d: {  	s28 =	smov.u32 s26  }
0x6e: {  	p0 =	sne.s32 s26, $0x4800;
	s26 =	sadd.s32 $0x400, s26;
	_ =	swait.ge [sflag:s19], $0x4000  }
0x6f: {  	s28 =	sshra.s32 s28, $0x2;
	[sflag:s19] =	ssyncset.done $0x0  }
0x70: {  	s29 =	sadd.s32 $0x1400, s28;
	[sflag:s19] =	ssyncadd.s32 $0xFFFFC000  }
0x71: {  	[spmem:s1] =	stream.indirect.scatter.add.f32 [tilespmem:s17], [sflag:$0x1], $0x80, s29, s16, $0xb8;
	[tilespmem:$0x1E400] =	vst v63  }
0x72: {  	_ =	swait.ge [sflag:s20], $0x4000  }
0x73: {  	[sflag:s20] =	ssyncset.done $0x0  }
0x74: {  	s29 =	sadd.s32 $0x1480, s28;
	[sflag:s20] =	ssyncadd.s32 $0xFFFFC000  }
0x75: {  	[spmem:s1] =	stream.indirect.scatter.add.f32 [tilespmem:s18], [sflag:$0x2], $0x80, s29, s16, $0xb8;
	[tilespmem:$0x1E400] =	vst v63  }
0x76: {  	_ =	swait.ge [sflag:s21], $0x4000  }
0x77: {  	[sflag:s21] =	ssyncset.done $0x0  }
.Ltmp1:
0x78: {  	s29 =	sadd.s32 $0x100, s28;
	[sflag:s21] =	ssyncadd.s32 $0xFFFFC000;
	(pc) =	sbr.rel @p0 .LBB2_4-.Ltmp1, $4  }
0x79: {  	[tilespmem:s17], [sflag:$0x3] =	stream.indirect.gather [hbm4b:s4+s16], $0x80, s29, s16, $0xb8;
	[tilespmem:$0x1E400] =	vst v63  }
0x7a: {  	_ =	swait.ge [sflag:s22], $0x4000  }
0x7b: {  	[sflag:s22] =	ssyncset.done $0x0  }
0x7c: {  	s28 =	sadd.s32 $0x180, s28;
	[sflag:s22] =	ssyncadd.s32 $0xFFFFC000  }
0x7d: {  	[tilespmem:s18], [sflag:$0x4] =	stream.indirect.gather [hbm4b:s4+s16], $0x80, s28, s16, $0xb8;
	[tilespmem:$0x1E400] =	vst v63  }
0x7e: {  	_ =	swait.ge [sflag:s19], $0x4000  }
0x7f: {  	[sflag:s19] =	ssyncset.done $0x0  }
0x80: {  	[sflag:s19] =	ssyncadd.s32 $0xFFFFC000  }
0x81: {  	[spmem:s1] =	stream.indirect.scatter.add.f32 [tilespmem:s17], [sflag:$0x1], $0x80, s23, s16, $0xb8;
	[tilespmem:$0x1E400] =	vst v63  }
0x82: {  	_ =	swait.ge [sflag:s20], $0x4000  }
0x83: {  	[sflag:s20] =	ssyncset.done $0x0  }
0x84: {  	[sflag:s20] =	ssyncadd.s32 $0xFFFFC000  }
0x85: {  	[spmem:s1] =	stream.indirect.scatter.add.f32 [tilespmem:s18], [sflag:$0x2], $0x80, s24, s16, $0xb8;
	[tilespmem:$0x1E400] =	vst v63  }
0x86: {  	_ =	swait.ge [sflag:s21], $0x4000  }
0x87: {  	[sflag:s21] =	ssyncset.done $0x0  }
0x88: {  	[sflag:s21] =	ssyncadd.s32 $0xFFFFC000  }
0x89: {  	_ =	swait.ge [sflag:s22], $0x4000  }
0x8a: {  	s25 =	sadd.s32 $0x1, s25;
	[sflag:s22] =	ssyncset.done $0x0  }
0x8b: {  	p0 =	sne.s32 s25, s12;
	[sflag:s22] =	ssyncadd.s32 $0xFFFFC000  }
.Ltmp2:
0x8c: {  	[bflag:$0x0] =	sbarrier.arrive $0xFFFF;
	(pc) =	sbr.rel @p0 .LBB2_1-.Ltmp2, $4  }
0x8d: {  	[hbm:s11], [sflag:s6] =	dma.local [spmem:s13], $0x2780  }
0x8e: {  	_ =	swait.ge [sflag:s14], $0x2780  }
0x8f: {  	[sflag:s14] =	ssyncset.done $0x0  }
0x90: {  	[sflag:s14] =	ssyncadd.s32 $0xFFFFD880  }
0x91: {  	_ =	sfence.sel $0x180000  }
0x92: {  	[bflag:$0x0] =	sbarrier.arrive $0xFFFF  }
0x93: {  	p0 =	sne.s32 s2, $0x0;
	_ =	strace $0x9000004A  }
0x94: {  	s0 =	sadd.s32 @!p0 $0x100000, s0;
	[bflag:$0x2] =	sbarrier.arrive $0xFFFF  }
0x95: {  	[sflag:s0] =	ssyncadd.tile.s32 @!p0 $0x1;
	_ =	shalt  }
.Lfunc_end2:
_tile_overlayer_lowered:
.L_overlay_start_2:
0x96: {  	(tag) =	ssettag $0x2  }
0x97: {  	s0 =	rddreg [dreg:$0x0];
	s2 =	stileid.u32  }
0x98: {  	s1 =	rddreg [dreg:$0x1];
	p0 =	sne.s32 s2, $0x0  }
0x99: {  	s3 =	rddreg [dreg:$0x2];
	[bflag:$0x3] =	sbarrier.arrive $0xFFFF;
	s2 =	simm.s32 @!p0 $0x1C05  }
0x9a: {  	[timem:s3], [sflag:s2] =	dma.local @!p0 [hbm:s0], s1  }
0x9b: {  	s0 =	simm.s32 @!p0 $0x5  }
0x9c: {  	_ =	swait.ge @!p0 [sflag:s0], s1  }
0x9d: {  	s1 =	ssub.s32 @!p0 $0x0, s1;
	[sflag:s0] =	ssyncset.done @!p0 $0x0  }
0x9e: {  	[sflag:s0] =	ssyncadd.s32 @!p0 s1  }
0x9f: {  	[bflag:$0x3] =	sbarrier.arrive $0xFFFF  }
0xa0: {  	_ =	shalt  }

// kernel: kernel.14.cloned.1.call-start
scs
__scs_entry_jumppad:
0x0: {  	(pc) =	sbr.rel $0x88, $3  }
0x1: {  	(tag) =	ssettag $0x0;
	lr =	simm.s32 $0x1  }
0x2: {  	[smem:$0x3F95] =	sst lr;
	_ =	strace $0xD0000000  }
0x3: {  	_ = 	snop  }
0x4: {  	_ = 	snop  }
0x5: {  	_ = 	snop  }
0x6: {  	_ = 	snop  }
0x7: {  	_ = 	snop  }
__scs_overlays_trampoline_lowered:
0x8: {  	[smem:$0x3FA4] =	sst s0  }
0x9: {  	[smem:$0x3FA5] =	sst s1  }
0xa: {  	[smem:$0x3FA6] =	sst s2  }
0xb: {  	[smem:$0x3FA7] =	sst s3  }
0xc: {  	[smem:$0x3FA8] =	sst s4  }
0xd: {  	[smem:$0x3FA9] =	sst s5  }
0xe: {  	[smem:$0x3FAA] =	sst s6  }
0xf: {  	[smem:$0x3FAB] =	sst s7  }
0x10: {  	[smem:$0x3FAC] =	sst s8  }
0x11: {  	[smem:$0x3FAD] =	sst s9;
	s0 =	simm.s32 @!p0 $0x0  }
0x12: {  	s1 =	sld [smem:$0x3F93];
	s0 =	simm.s32 @p0 $0x1  }
0x13: {  	[smem:$0x3FAE] =	sst s0;
	s0 =	simm.s32 @!p1 $0x0  }
0x14: {  	s2 =	sld [smem:$0x3F92];
	s0 =	simm.s32 @p1 $0x1  }
0x15: {  	[smem:$0x3FAF] =	sst s0;
	s0 =	simm.s32 @!p2 $0x0  }
0x16: {  	s3 =	sld [smem:$0x3FDB];
	s0 =	simm.s32 @p2 $0x1  }
0x17: {  	s4 =	simm.s32 $0x1BF5;
	[smem:$0x3FB1] =	sst s0  }
0x18: {  	s0 =	sld [smem:$0x3F94];
	_ =	swait.ge [sflag:s4], $0x0  }
0x19: {  	s7 =	sld [smem:$0x3F95]  }
0x1a: {  	s8 =	sadd.s32 $0xFFFFE003, lr  }
0x1b: {  	s9 =	sadd.s32 $0xFFFFFEF7, lr;
	s5 =	simm.s32 $0xFFFFFFFF;
	p2 =	slt.u32 s8, $0xFFFFF086  }
0x1c: {  	p1 =	slt.u32 s9, $0xF7A;
	s5 =	simm.s32 @!p2 $0x0  }
0x1d: {  	s5 =	simm.s32 @p1 $0x1;
	p0 =	seq.s32 s7, s2  }
0x1e: {  	s7 =	smul.u32 @!p0 $0xF7A, s2;
	p2 =	seq.s32 @!p0 s5, $0x0  }
0x1f: {  	s9 =	smul.u32 $0xF7A, s1;
	s8 =	simm.s32 @!p0 $0x1BF5;
	p2 =	por !p2, p0  }
0x20: {  	[sflag:s8] =	ssyncset.s32 @!p0 $0xFFFFF086;
	s6 =	sadd.s32 @!p0 s3, s7;
	s7 =	simm.s32 @!p0 $0x108  }
0x21: {  	s3 =	sadd.s32 s3, s9;
	s6 =	sadd.s32 @!p0 $0x88, s6;
	s7 =	simm.s32 @p2 $0x1082  }
0x22: {  	[simem:s7], [sflag:s8] =	dma.local @!p0 [hbm:s6], $0xF7A  }
0x23: {  	s9 =	sor.u32 $0xD0000000, s2;
	s6 =	simm.s32 $0x108;
	_ =	swait.ge @!p0 [sflag:s8], $0x0  }
0x24: {  	s3 =	sadd.s32 $0x88, s3;
	s6 =	simm.s32 @!p1 $0x1082;
	[sflag:s4] =	ssyncset.s32 $0xFFFFF086  }
0x25: {  	[simem:s6], [sflag:s4] =	dma.local [hbm:s3], $0xF7A  }
0x26: {  	[smem:$0x3F95] =	sst s1;
	(tag) =	ssettag s2;
	_ =	strace s9  }
0x27: {  	s1 =	sld [smem:$0x3FA5]  }
0x28: {  	s2 =	sld [smem:$0x3FA6]  }
0x29: {  	s4 =	sld [smem:$0x3FA8]  }
0x2a: {  	p0 =	seq.s32 s5, $0x0;
	s5 =	sld [smem:$0x3FA9]  }
0x2b: {  	s6 =	sld [smem:$0x3FAA]  }
0x2c: {  	s7 =	sld [smem:$0x3FAB]  }
0x2d: {  	s3 =	simm.s32 $0x108;
	s8 =	sld [smem:$0x3FAC]  }
0x2e: {  	s3 =	simm.s32 @!p0 $0x1082;
	s9 =	sld [smem:$0x3FAD]  }
0x2f: {  	lr =	sadd.s32 s0, s3;
	s0 =	sld [smem:$0x3FA4]  }
0x30: {  	s3 =	sld [smem:$0x3FA7]  }
0x31: {  	[smem:$0x3FB0] =	sst s10  }
0x32: {  	s10 =	sld [smem:$0x3FAE];
	_ =	sdelay $0x3  }
0x33: {  	p0 =	seq.s32 s10, $0x1;
	s10 =	sld [smem:$0x3FB0];
	_ =	sdelay $0x3  }
0x34: {  	[smem:$0x3FB0] =	sst s10  }
0x35: {  	s10 =	sld [smem:$0x3FAF];
	_ =	sdelay $0x3  }
0x36: {  	p1 =	seq.s32 s10, $0x1;
	s10 =	sld [smem:$0x3FB0];
	_ =	sdelay $0x3  }
0x37: {  	[smem:$0x3FB0] =	sst s10  }
0x38: {  	s10 =	sld [smem:$0x3FB1]  }
0x39: {  	_ = 	snop;
	(pc) =	sbr.ind lr, $3  }
0x3a: {  	_ = 	snop  }
0x3b: {  	_ = 	snop  }
0x3c: {  	p2 =	seq.s32 s10, $0x1;
	s10 =	sld [smem:$0x3FB0]  }
0x3d: {  	_ =	shalt  }
0x3e: {  	_ =	shalt  }
0x3f: {  	_ =	shalt  }
0x40: {  	_ =	shalt  }
0x41: {  	_ =	shalt  }
0x42: {  	_ =	shalt  }
0x43: {  	_ =	shalt  }
0x44: {  	_ =	shalt  }
0x45: {  	_ =	shalt  }
0x46: {  	_ =	shalt  }
0x47: {  	_ =	shalt  }
0x48: {  	_ =	shalt  }
0x49: {  	_ =	shalt  }
0x4a: {  	_ =	shalt  }
0x4b: {  	_ =	shalt  }
0x4c: {  	_ =	shalt  }
0x4d: {  	_ =	shalt  }
0x4e: {  	_ =	shalt  }
0x4f: {  	_ =	shalt  }
0x50: {  	_ =	shalt  }
0x51: {  	_ =	shalt  }
0x52: {  	_ =	shalt  }
0x53: {  	_ =	shalt  }
0x54: {  	_ =	shalt  }
0x55: {  	_ =	shalt  }
0x56: {  	_ =	shalt  }
0x57: {  	_ =	shalt  }
0x58: {  	_ =	shalt  }
0x59: {  	_ =	shalt  }
0x5a: {  	_ =	shalt  }
0x5b: {  	_ =	shalt  }
0x5c: {  	_ =	shalt  }
0x5d: {  	_ =	shalt  }
0x5e: {  	_ =	shalt  }
0x5f: {  	_ =	shalt  }
0x60: {  	_ =	shalt  }
0x61: {  	_ =	shalt  }
0x62: {  	_ =	shalt  }
0x63: {  	_ =	shalt  }
0x64: {  	_ =	shalt  }
0x65: {  	_ =	shalt  }
0x66: {  	_ =	shalt  }
0x67: {  	_ =	shalt  }
0x68: {  	_ =	shalt  }
0x69: {  	_ =	shalt  }
0x6a: {  	_ =	shalt  }
0x6b: {  	_ =	shalt  }
0x6c: {  	_ =	shalt  }
0x6d: {  	_ =	shalt  }
0x6e: {  	_ =	shalt  }
0x6f: {  	_ =	shalt  }
0x70: {  	_ =	shalt  }
0x71: {  	_ =	shalt  }
0x72: {  	_ =	shalt  }
0x73: {  	_ =	shalt  }
0x74: {  	_ =	shalt  }
0x75: {  	_ =	shalt  }
0x76: {  	_ =	shalt  }
0x77: {  	_ =	shalt  }
0x78: {  	_ =	shalt  }
0x79: {  	_ =	shalt  }
0x7a: {  	_ =	shalt  }
0x7b: {  	_ =	shalt  }
0x7c: {  	_ =	shalt  }
0x7d: {  	_ =	shalt  }
0x7e: {  	_ =	shalt  }
0x7f: {  	_ =	shalt  }
0x80: {  	_ =	shalt  }
0x81: {  	_ =	shalt  }
0x82: {  	_ =	shalt  }
0x83: {  	_ =	shalt  }
0x84: {  	_ =	shalt  }
0x85: {  	_ =	shalt  }
0x86: {  	_ =	shalt  }
0x87: {  	_ =	shalt  }
.Lfunc_end0:
.L_simem_size_0:
called_computation.2_lowered:
.L_overlay_start_0:
0x88: {  	s2 =	sld [smem:$0x3FD9]  }
0x89: {  	s3 =	sld [smem:$0x3FFE];
	_ =	sdelay $0x1  }
0x8a: {  	s1 =	srdreg.scid  }
0x8b: {  	s0 =	sand.u32 $0x1, s1  }
0x8c: {  	s16 =	sshll.u32 s0, $0xA;
	s2 =	sadd.s32 s3, s2  }
0x8d: {  	s2 =	sadd.s32 s2, s16  }
0x8e: {  	[smem:$0x3FBC] =	sst s2  }
0x8f: {  	_ = 	snop  }
0x90: {  	(tm) =	ssettm $0x1  }
0x91: {  	s17 =	sld [smem:$0x3FFB];
	_ =	sdelay $0x3  }
0x92: {  	_ =	strace s17  }
0x93: {  	s2 =	sld [smem:$0x3FFC];
	_ =	sdelay $0x3  }
0x94: {  	_ =	strace s2  }
0x95: {  	s2 =	sld [smem:$0x3FFD];
	_ =	sdelay $0x3  }
0x96: {  	_ =	strace s2  }
0x97: {  	_ =	strace $0x8FFFFFFF  }
0x98: {  	s18 =	sld [smem:$0x3FDB];
	_ =	sdelay $0x1  }
0x99: {  	s19 =	simm.s32 $_scs_section_size  }
0x9a: {  	s4 =	simm.s32 $_size__tile_overlayer_lowered;
	s5 =	simm.s32 $_tile_overlayer_lowered  }
0x9b: {  	s22 =	simm.s32 $0x1BFF;
	s21 =	sshll.u32 s5, $0x1;
	s2 =	sadd.s32 s19, s18  }
0x9c: {  	s6 =	simm.s32 $0x0;
	s20 =	sshll.u32 s4, $0x1;
	s4 =	sadd.s32 s21, s2  }
0x9d: {  	[timem:s6], [sflag:s22] =	dma.local [hbm:s4], s20  }
0x9e: {  	_ =	swait.ge [sflag:s22], s20  }
0x9f: {  	s3 =	ssub.s32 $0x0, s20;
	[sflag:s22] =	ssyncset.done $0x0  }
0xa0: {  	[sflag:s22] =	ssyncadd.s32 s3;
	_ =	sdelay $0x1  }
0xa1: {  	s23 =	simm.s32 $0x1B8B  }
0xa2: {  	_ =	swait.ge [sflag:s23], $0x1  }
0xa3: {  	[sflag:s23] =	ssyncset.done $0x0  }
0xa4: {  	s25 =	simm.s32 $0x1B8E;
	s24 =	sld [smem:$0x3FFE];
	[sflag:s23] =	ssyncadd.s32 $0xFFFFFFFF  }
0xa5: {  	s26 =	simm.s32 $execute0_lowered;
	[smem:$0x3FD2] =	sst s25  }
0xa6: {  	s4 =	sshll.u32 s26, $0x1;
	_ =	strace $0x8000004C;
	[dreg:$0x1] =	wrdreg $0xFFFFFFFF  }
0xa7: {  	s28 =	simm.s32 $_size_execute0_lowered;
	s2 =	sadd.s32 s2, s4;
	[dreg:$0x0] =	wrdreg $0x0  }
0xa8: {  	s4 =	sshll.u32 s28, $0x1;
	[dreg:$0x2] =	wrdreg s2  }
0xa9: {  	[dreg:$0x3] =	wrdreg s4  }
0xaa: {  	[dreg:$0x4] =	wrdreg $0xC0  }
0xab: {  	_ =	task [dreg:s6], $0x5FFFF  }
0xac: {  	[dreg:$0x1] =	wrdreg $0xFFFFFFFF  }
0xad: {  	[dreg:$0x0] =	wrdreg $0x60  }
0xae: {  	[dreg:$0x2] =	wrdreg s24  }
0xaf: {  	[dreg:$0x3] =	wrdreg $0xA8000  }
0xb0: {  	[dreg:$0x4] =	wrdreg $0x9  }
0xb1: {  	_ =	task.clear_ibuf [dreg:s6], $0x5FFFF;
	_ =	strace $0x9000004C  }
0xb2: {  	s29 =	simm.s32 $0x9;
	_ =	strace $0x8000004E  }
0xb3: {  	_ =	swait.ge [sflag:s29], $0x1  }
0xb4: {  	[sflag:s29] =	ssyncadd.s32 $0xFFFFFFFF  }
0xb5: {  	_ =	strace $0x9000004E  }
0xb6: {  	_ =	sfence  }
0xb7: {  	s30 =	sld [smem:$0x0];
	_ =	sdelay $0x2  }
0xb8: {  	s31 =	sshll.u32 s1, $0xD;
	s1 =	sshrl.u32 s1, $0x2  }
0xb9: {  	s3 =	sand.u32 $0x4000, s31;
	s1 =	sadd.s32 s1, s30  }
0xba: {  	s0 =	sor.u32 s3, s0;
	s1 =	sshll.u32 s1, $0x11  }
0xbb: {  	s0 =	sor.u32 s1, s0  }
0xbc: {  	s0 =	sadd.s32 $0x8F2B, s0  }
0xbd: {  	[sflag:s0] =	ssyncadd.remote.s32 $0x1  }
0xbe: {  	_ =	sfence.sel $0xFFFF  }
0xbf: {  	[dreg:$0x0] =	wrdreg $0xFFFFFFFF;
	(pc) =	sbr.abs _section_cstart, $3  }
0xc0: {  	[dreg:$0x1] =	wrdreg $0xFFFFFFFF  }
0xc1: {  	_ =	task.clear_ibuf [dreg:s6], $0x2FFFF;
	_ =	strace $0x9FFFFFFF  }
0xc2: {  	(tm) =	ssettm $0x7FFFFFFF  }
0xc3: {  	_ =	shalt  }
tec
execute0_lowered:
.L_overlay_start_1:
0x0: {  	(tag) =	ssettag $0x1  }
0x1: {  	s6 =	rddreg [dreg:$0x0]  }
0x2: {  	s1 =	rddreg [dreg:$0x1]  }
0x3: {  	s0 =	rddreg [dreg:$0x2];
	s3 =	simm.s32 $0x0;
	s2 =	srdreg.scid  }
0x4: {  	s16 =	simm.s32 $0x80;
	s17 =	simm.s32 $0x2800;
	s18 =	simm.s32 $0x6800  }
0x5: {  	s19 =	simm.s32 $0x3;
	s20 =	simm.s32 $0x4;
	s21 =	simm.s32 $0x1  }
0x6: {  	s22 =	simm.s32 $0x2;
	s23 =	simm.s32 $0x2700;
	s24 =	simm.s32 $0x2780  }
0x7: {  	[smem:$0x7FF] =	sst s3;
	s7 =	sand.u32 $0x1, s2;
	s2 =	stileid.u32  }
0x8: {  	s4 =	sadd.s32 $0x3200, s6;
	s10 =	sadd.s32 $0x2AA00, s6;
	s11 =	sadd.s32 $0x34A00, s6  }
0x9: {  	s5 =	sadd.s32 $0x3EA00, s6;
	s8 =	smul.u32 $0x13C000, s7;
	_ =	strace $0x8000004D  }
0xa: {  	s9 =	smul.u32 $0x13C00, s2;
	s25 =	sshll.u32 s2, $0x1;
	s12 =	ssub.s32 $0x2, s7  }
0xb: {  	s26 =	smul.u32 $0x4F000, s2;
	s30 =	sshll.u32 s2, $0x6;
	s7 =	sor.u32 s7, s25  }
0xc: {  	s13 =	sshrl.u32 s12, $0x1;
	s25 =	simm.s32 $0x0;
	s8 =	sadd.s32 s9, s8  }
0xd: {  	s7 =	smul.u32 $0x2800, s7;
	s12 =	ssub.s32 s12, s13;
	s28 =	sshrl.u32 s26, $0x2  }
0xe: {  	s8 =	sshrl.u32 s8, $0x3;
	s29 =	sadd.s32 s28, s1;
	s12 =	smax.u32 s12, $0x1  }
0xf: {  	s14 =	sadd.s32 s8, s6;
	s31 =	sshrl.u32 s7, $0x3;
	s6 =	sor.u32 $0x1C05, s30  }
0x10: {  	s13 =	sshrl.u32 s29, $0x3;
	s7 =	sadd.s32 s10, s31;
	s15 =	sadd.s32 $0x280, s31  }
0x11: {  	s8 =	sadd.s32 s11, s31;
	s9 =	sadd.s32 s10, s15;
	s10 =	sadd.s32 s11, s15  }
0x12: {  	s11 =	sadd.s32 $0x90200, s14;
	s14 =	simm.s32 $0x5;
	s15 =	simm.s32 $0x1400  }
.LBB2_1:
0x13: {  	[spmem:s13], [sflag:s6] =	dma.local [hbm:s5], $0x2780  }
0x14: {  	_ =	swait.ge [sflag:s14], $0x2780  }
0x15: {  	[sflag:s14] =	ssyncset.done $0x0  }
0x16: {  	[sflag:s14] =	ssyncadd.s32 $0xFFFFD880  }
0x17: {  	[bflag:$0x0] =	sbarrier.arrive $0xFFFF  }
0x18: {  	[tilespmem:s3], [sflag:$0x5] =	stream.linear.gather [hbm4b:s7+s3], $0x1400, $0x38;
	[tilespmem:$0x1E400] =	vst v63  }
0x19: {  	_ =	swait.ge [sflag:s14], $0x1400  }
0x1a: {  	[sflag:s14] =	ssyncset.done $0x0  }
0x1b: {  	[sflag:s14] =	ssyncadd.s32 $0xFFFFEC00  }
0x1c: {  	[tilespmem:s15], [sflag:$0x5] =	stream.linear.gather [hbm4b:s8+s3], $0x1400, $0x38;
	[tilespmem:$0x1E400] =	vst v63  }
0x1d: {  	_ =	swait.ge [sflag:s14], $0x1400  }
0x1e: {  	[sflag:s14] =	ssyncset.done $0x0  }
0x1f: {  	[sflag:s14] =	ssyncadd.s32 $0xFFFFEC00  }
0x20: {  	[tilespmem:s17], [sflag:$0x3] =	stream.indirect.gather [hbm4b:s4+s16], $0x80, s3, s16, $0xb8;
	[tilespmem:$0x1E400] =	vst v63  }
0x21: {  	_ = 	snop  }
0x22: {  	[tilespmem:s18], [sflag:$0x4] =	stream.indirect.gather [hbm4b:s4+s16], $0x80, s16, s16, $0xb8;
	[tilespmem:$0x1E400] =	vst v63  }
0x23: {  	_ =	swait.ge [sflag:s19], $0x4000  }
0x24: {  	[sflag:s19] =	ssyncset.done $0x0  }
0x25: {  	s26 =	simm.s32 $0x1400;
	[sflag:s19] =	ssyncadd.s32 $0xFFFFC000  }
0x26: {  	[spmem:s1] =	stream.indirect.scatter.add.f32 [tilespmem:s17], [sflag:$0x1], $0x80, s26, s16, $0xb8;
	[tilespmem:$0x1E400] =	vst v63  }
0x27: {  	_ =	swait.ge [sflag:s20], $0x4000  }
0x28: {  	[sflag:s20] =	ssyncset.done $0x0  }
0x29: {  	s30 =	simm.s32 $0x1480;
	[sflag:s20] =	ssyncadd.s32 $0xFFFFC000  }
0x2a: {  	[spmem:s1] =	stream.indirect.scatter.add.f32 [tilespmem:s18], [sflag:$0x2], $0x80, s30, s16, $0xb8;
	[tilespmem:$0x1E400] =	vst v63  }
0x2b: {  	_ =	swait.ge [sflag:s21], $0x4000  }
0x2c: {  	[sflag:s21] =	ssyncset.done $0x0  }
0x2d: {  	s31 =	simm.s32 $0x100;
	[sflag:s21] =	ssyncadd.s32 $0xFFFFC000  }
0x2e: {  	[tilespmem:s17], [sflag:$0x3] =	stream.indirect.gather [hbm4b:s4+s16], $0x80, s31, s16, $0xb8;
	[tilespmem:$0x1E400] =	vst v63  }
0x2f: {  	_ =	swait.ge [sflag:s22], $0x4000  }
0x30: {  	[sflag:s22] =	ssyncset.done $0x0  }
0x31: {  	s28 =	simm.s32 $0x180;
	s26 =	simm.s32 $0x400;
	[sflag:s22] =	ssyncadd.s32 $0xFFFFC000  }
.LBB2_2:
0x32: {  	[tilespmem:s18], [sflag:$0x4] =	stream.indirect.gather [hbm4b:s4+s16], $0x80, s28, s16, $0xb8;
	[tilespmem:$0x1E400] =	vst v63  }
0x33: {  	s28 =	smov.u32 s26  }
0x34: {  	p0 =	sne.s32 s26, $0x4800;
	s26 =	sadd.s32 $0x400, s26;
	_ =	swait.ge [sflag:s19], $0x4000  }
0x35: {  	s28 =	sshra.s32 s28, $0x2;
	[sflag:s19] =	ssyncset.done $0x0  }
0x36: {  	s29 =	sadd.s32 $0x1400, s28;
	[sflag:s19] =	ssyncadd.s32 $0xFFFFC000  }
0x37: {  	[spmem:s1] =	stream.indirect.scatter.add.f32 [tilespmem:s17], [sflag:$0x1], $0x80, s29, s16, $0xb8;
	[tilespmem:$0x1E400] =	vst v63  }
0x38: {  	_ =	swait.ge [sflag:s20], $0x4000  }
0x39: {  	[sflag:s20] =	ssyncset.done $0x0  }
0x3a: {  	s29 =	sadd.s32 $0x1480, s28;
	[sflag:s20] =	ssyncadd.s32 $0xFFFFC000  }
0x3b: {  	[spmem:s1] =	stream.indirect.scatter.add.f32 [tilespmem:s18], [sflag:$0x2], $0x80, s29, s16, $0xb8;
	[tilespmem:$0x1E400] =	vst v63  }
0x3c: {  	_ =	swait.ge [sflag:s21], $0x4000  }
0x3d: {  	[sflag:s21] =	ssyncset.done $0x0  }
.Ltmp0:
0x3e: {  	s29 =	sadd.s32 $0x100, s28;
	[sflag:s21] =	ssyncadd.s32 $0xFFFFC000;
	(pc) =	sbr.rel @p0 .LBB2_2-.Ltmp0, $4  }
0x3f: {  	[tilespmem:s17], [sflag:$0x3] =	stream.indirect.gather [hbm4b:s4+s16], $0x80, s29, s16, $0xb8;
	[tilespmem:$0x1E400] =	vst v63  }
0x40: {  	_ =	swait.ge [sflag:s22], $0x4000  }
0x41: {  	[sflag:s22] =	ssyncset.done $0x0  }
0x42: {  	s28 =	sadd.s32 $0x180, s28;
	[sflag:s22] =	ssyncadd.s32 $0xFFFFC000  }
0x43: {  	[tilespmem:s18], [sflag:$0x4] =	stream.indirect.gather [hbm4b:s4+s16], $0x80, s28, s16, $0xb8;
	[tilespmem:$0x1E400] =	vst v63  }
0x44: {  	_ =	swait.ge [sflag:s19], $0x4000  }
0x45: {  	[sflag:s19] =	ssyncset.done $0x0  }
0x46: {  	[sflag:s19] =	ssyncadd.s32 $0xFFFFC000  }
0x47: {  	[spmem:s1] =	stream.indirect.scatter.add.f32 [tilespmem:s17], [sflag:$0x1], $0x80, s23, s16, $0xb8;
	[tilespmem:$0x1E400] =	vst v63  }
0x48: {  	_ =	swait.ge [sflag:s20], $0x4000  }
0x49: {  	[sflag:s20] =	ssyncset.done $0x0  }
0x4a: {  	[sflag:s20] =	ssyncadd.s32 $0xFFFFC000  }
0x4b: {  	[spmem:s1] =	stream.indirect.scatter.add.f32 [tilespmem:s18], [sflag:$0x2], $0x80, s24, s16, $0xb8;
	[tilespmem:$0x1E400] =	vst v63  }
0x4c: {  	_ =	swait.ge [sflag:s21], $0x4000  }
0x4d: {  	[sflag:s21] =	ssyncset.done $0x0  }
0x4e: {  	[sflag:s21] =	ssyncadd.s32 $0xFFFFC000  }
0x4f: {  	_ =	swait.ge [sflag:s22], $0x4000  }
0x50: {  	[sflag:s22] =	ssyncset.done $0x0  }
0x51: {  	s26 =	simm.s32 $0x0;
	[sflag:s22] =	ssyncadd.s32 $0xFFFFC000  }
0x52: {  	[tilespmem:s26], [sflag:$0x5] =	stream.linear.gather [hbm4b:s9+s26], $0x1400, $0x38;
	[tilespmem:$0x1E400] =	vst v63  }
0x53: {  	_ =	swait.ge [sflag:s14], $0x1400  }
0x54: {  	[sflag:s14] =	ssyncset.done $0x0  }
0x55: {  	[sflag:s14] =	ssyncadd.s32 $0xFFFFEC00  }
0x56: {  	[tilespmem:s15], [sflag:$0x5] =	stream.linear.gather [hbm4b:s10+s26], $0x1400, $0x38;
	[tilespmem:$0x1E400] =	vst v63  }
0x57: {  	_ =	swait.ge [sflag:s14], $0x1400  }
0x58: {  	[sflag:s14] =	ssyncset.done $0x0  }
0x59: {  	[sflag:s14] =	ssyncadd.s32 $0xFFFFEC00  }
0x5a: {  	[tilespmem:s17], [sflag:$0x3] =	stream.indirect.gather [hbm4b:s4+s16], $0x80, s26, s16, $0xb8;
	[tilespmem:$0x1E400] =	vst v63  }
0x5b: {  	_ = 	snop  }
0x5c: {  	[tilespmem:s18], [sflag:$0x4] =	stream.indirect.gather [hbm4b:s4+s16], $0x80, s16, s16, $0xb8;
	[tilespmem:$0x1E400] =	vst v63  }
0x5d: {  	_ =	swait.ge [sflag:s19], $0x4000  }
0x5e: {  	[sflag:s19] =	ssyncset.done $0x0  }
0x5f: {  	s29 =	simm.s32 $0x1400;
	[sflag:s19] =	ssyncadd.s32 $0xFFFFC000  }
0x60: {  	[spmem:s1] =	stream.indirect.scatter.add.f32 [tilespmem:s17], [sflag:$0x1], $0x80, s29, s16, $0xb8;
	[tilespmem:$0x1E400] =	vst v63  }
0x61: {  	_ =	swait.ge [sflag:s20], $0x4000  }
0x62: {  	[sflag:s20] =	ssyncset.done $0x0  }
0x63: {  	s30 =	simm.s32 $0x1480;
	[sflag:s20] =	ssyncadd.s32 $0xFFFFC000  }
0x64: {  	[spmem:s1] =	stream.indirect.scatter.add.f32 [tilespmem:s18], [sflag:$0x2], $0x80, s30, s16, $0xb8;
	[tilespmem:$0x1E400] =	vst v63  }
0x65: {  	_ =	swait.ge [sflag:s21], $0x4000  }
0x66: {  	[sflag:s21] =	ssyncset.done $0x0  }
0x67: {  	s31 =	simm.s32 $0x100;
	[sflag:s21] =	ssyncadd.s32 $0xFFFFC000  }
0x68: {  	[tilespmem:s17], [sflag:$0x3] =	stream.indirect.gather [hbm4b:s4+s16], $0x80, s31, s16, $0xb8;
	[tilespmem:$0x1E400] =	vst v63  }
0x69: {  	_ =	swait.ge [sflag:s22], $0x4000  }
0x6a: {  	[sflag:s22] =	ssyncset.done $0x0  }
0x6b: {  	s28 =	simm.s32 $0x180;
	s26 =	simm.s32 $0x400;
	[sflag:s22] =	ssyncadd.s32 $0xFFFFC000  }
.LBB2_4:
0x6c: {  	[tilespmem:s18], [sflag:$0x4] =	stream.indirect.gather [hbm4b:s4+s16], $0x80, s28, s16, $0xb8;
	[tilespmem:$0x1E400] =	vst v63  }
0x6d: {  	s28 =	smov.u32 s26  }
0x6e: {  	p0 =	sne.s32 s26, $0x4800;
	s26 =	sadd.s32 $0x400, s26;
	_ =	swait.ge [sflag:s19], $0x4000  }
0x6f: {  	s28 =	sshra.s32 s28, $0x2;
	[sflag:s19] =	ssyncset.done $0x0  }
0x70: {  	s29 =	sadd.s32 $0x1400, s28;
	[sflag:s19] =	ssyncadd.s32 $0xFFFFC000  }
0x71: {  	[spmem:s1] =	stream.indirect.scatter.add.f32 [tilespmem:s17], [sflag:$0x1], $0x80, s29, s16, $0xb8;
	[tilespmem:$0x1E400] =	vst v63  }
0x72: {  	_ =	swait.ge [sflag:s20], $0x4000  }
0x73: {  	[sflag:s20] =	ssyncset.done $0x0  }
0x74: {  	s29 =	sadd.s32 $0x1480, s28;
	[sflag:s20] =	ssyncadd.s32 $0xFFFFC000  }
0x75: {  	[spmem:s1] =	stream.indirect.scatter.add.f32 [tilespmem:s18], [sflag:$0x2], $0x80, s29, s16, $0xb8;
	[tilespmem:$0x1E400] =	vst v63  }
0x76: {  	_ =	swait.ge [sflag:s21], $0x4000  }
0x77: {  	[sflag:s21] =	ssyncset.done $0x0  }
.Ltmp1:
0x78: {  	s29 =	sadd.s32 $0x100, s28;
	[sflag:s21] =	ssyncadd.s32 $0xFFFFC000;
	(pc) =	sbr.rel @p0 .LBB2_4-.Ltmp1, $4  }
0x79: {  	[tilespmem:s17], [sflag:$0x3] =	stream.indirect.gather [hbm4b:s4+s16], $0x80, s29, s16, $0xb8;
	[tilespmem:$0x1E400] =	vst v63  }
0x7a: {  	_ =	swait.ge [sflag:s22], $0x4000  }
0x7b: {  	[sflag:s22] =	ssyncset.done $0x0  }
0x7c: {  	s28 =	sadd.s32 $0x180, s28;
	[sflag:s22] =	ssyncadd.s32 $0xFFFFC000  }
0x7d: {  	[tilespmem:s18], [sflag:$0x4] =	stream.indirect.gather [hbm4b:s4+s16], $0x80, s28, s16, $0xb8;
	[tilespmem:$0x1E400] =	vst v63  }
0x7e: {  	_ =	swait.ge [sflag:s19], $0x4000  }
0x7f: {  	[sflag:s19] =	ssyncset.done $0x0  }
0x80: {  	[sflag:s19] =	ssyncadd.s32 $0xFFFFC000  }
0x81: {  	[spmem:s1] =	stream.indirect.scatter.add.f32 [tilespmem:s17], [sflag:$0x1], $0x80, s23, s16, $0xb8;
	[tilespmem:$0x1E400] =	vst v63  }
0x82: {  	_ =	swait.ge [sflag:s20], $0x4000  }
0x83: {  	[sflag:s20] =	ssyncset.done $0x0  }
0x84: {  	[sflag:s20] =	ssyncadd.s32 $0xFFFFC000  }
0x85: {  	[spmem:s1] =	stream.indirect.scatter.add.f32 [tilespmem:s18], [sflag:$0x2], $0x80, s24, s16, $0xb8;
	[tilespmem:$0x1E400] =	vst v63  }
0x86: {  	_ =	swait.ge [sflag:s21], $0x4000  }
0x87: {  	[sflag:s21] =	ssyncset.done $0x0  }
0x88: {  	[sflag:s21] =	ssyncadd.s32 $0xFFFFC000  }
0x89: {  	_ =	swait.ge [sflag:s22], $0x4000  }
0x8a: {  	s25 =	sadd.s32 $0x1, s25;
	[sflag:s22] =	ssyncset.done $0x0  }
0x8b: {  	p0 =	sne.s32 s25, s12;
	[sflag:s22] =	ssyncadd.s32 $0xFFFFC000  }
.Ltmp2:
0x8c: {  	[bflag:$0x0] =	sbarrier.arrive $0xFFFF;
	(pc) =	sbr.rel @p0 .LBB2_1-.Ltmp2, $4  }
0x8d: {  	[hbm:s11], [sflag:s6] =	dma.local [spmem:s13], $0x2780  }
0x8e: {  	_ =	swait.ge [sflag:s14], $0x2780  }
0x8f: {  	[sflag:s14] =	ssyncset.done $0x0  }
0x90: {  	[sflag:s14] =	ssyncadd.s32 $0xFFFFD880  }
0x91: {  	_ =	sfence.sel $0x180000  }
0x92: {  	[bflag:$0x0] =	sbarrier.arrive $0xFFFF  }
0x93: {  	p0 =	sne.s32 s2, $0x0;
	_ =	strace $0x9000004D  }
0x94: {  	s0 =	sadd.s32 @!p0 $0x100000, s0;
	[bflag:$0x2] =	sbarrier.arrive $0xFFFF  }
0x95: {  	[sflag:s0] =	ssyncadd.tile.s32 @!p0 $0x1;
	_ =	shalt  }
.Lfunc_end2:
_tile_overlayer_lowered:
.L_overlay_start_2:
0x96: {  	(tag) =	ssettag $0x2  }
0x97: {  	s0 =	rddreg [dreg:$0x0];
	s2 =	stileid.u32  }
0x98: {  	s1 =	rddreg [dreg:$0x1];
	p0 =	sne.s32 s2, $0x0  }
0x99: {  	s3 =	rddreg [dreg:$0x2];
	[bflag:$0x3] =	sbarrier.arrive $0xFFFF;
	s2 =	simm.s32 @!p0 $0x1C05  }
0x9a: {  	[timem:s3], [sflag:s2] =	dma.local @!p0 [hbm:s0], s1  }
0x9b: {  	s0 =	simm.s32 @!p0 $0x5  }
0x9c: {  	_ =	swait.ge @!p0 [sflag:s0], s1  }
0x9d: {  	s1 =	ssub.s32 @!p0 $0x0, s1;
	[sflag:s0] =	ssyncset.done @!p0 $0x0  }
0x9e: {  	[sflag:s0] =	ssyncadd.s32 @!p0 s1  }
0x9f: {  	[bflag:$0x3] =	sbarrier.arrive $0xFFFF  }
0xa0: {  	_ =	shalt  }

// kernel: kernel.8.cloned.1.call-start
scs
__scs_entry_jumppad:
0x0: {  	(pc) =	sbr.rel $0x88, $3  }
0x1: {  	(tag) =	ssettag $0x0;
	lr =	simm.s32 $0x1  }
0x2: {  	[smem:$0x3F95] =	sst lr;
	_ =	strace $0xD0000000  }
0x3: {  	_ = 	snop  }
0x4: {  	_ = 	snop  }
0x5: {  	_ = 	snop  }
0x6: {  	_ = 	snop  }
0x7: {  	_ = 	snop  }
__scs_overlays_trampoline_lowered:
0x8: {  	[smem:$0x3FA4] =	sst s0  }
0x9: {  	[smem:$0x3FA5] =	sst s1  }
0xa: {  	[smem:$0x3FA6] =	sst s2  }
0xb: {  	[smem:$0x3FA7] =	sst s3  }
0xc: {  	[smem:$0x3FA8] =	sst s4  }
0xd: {  	[smem:$0x3FA9] =	sst s5  }
0xe: {  	[smem:$0x3FAA] =	sst s6  }
0xf: {  	[smem:$0x3FAB] =	sst s7  }
0x10: {  	[smem:$0x3FAC] =	sst s8  }
0x11: {  	[smem:$0x3FAD] =	sst s9;
	s0 =	simm.s32 @!p0 $0x0  }
0x12: {  	s1 =	sld [smem:$0x3F93];
	s0 =	simm.s32 @p0 $0x1  }
0x13: {  	[smem:$0x3FAE] =	sst s0;
	s0 =	simm.s32 @!p1 $0x0  }
0x14: {  	s2 =	sld [smem:$0x3F92];
	s0 =	simm.s32 @p1 $0x1  }
0x15: {  	[smem:$0x3FAF] =	sst s0;
	s0 =	simm.s32 @!p2 $0x0  }
0x16: {  	s3 =	sld [smem:$0x3FDB];
	s0 =	simm.s32 @p2 $0x1  }
0x17: {  	s4 =	simm.s32 $0x1BF5;
	[smem:$0x3FB1] =	sst s0  }
0x18: {  	s0 =	sld [smem:$0x3F94];
	_ =	swait.ge [sflag:s4], $0x0  }
0x19: {  	s7 =	sld [smem:$0x3F95]  }
0x1a: {  	s8 =	sadd.s32 $0xFFFFE003, lr  }
0x1b: {  	s9 =	sadd.s32 $0xFFFFFEF7, lr;
	s5 =	simm.s32 $0xFFFFFFFF;
	p2 =	slt.u32 s8, $0xFFFFF086  }
0x1c: {  	p1 =	slt.u32 s9, $0xF7A;
	s5 =	simm.s32 @!p2 $0x0  }
0x1d: {  	s5 =	simm.s32 @p1 $0x1;
	p0 =	seq.s32 s7, s2  }
0x1e: {  	s7 =	smul.u32 @!p0 $0xF7A, s2;
	p2 =	seq.s32 @!p0 s5, $0x0  }
0x1f: {  	s9 =	smul.u32 $0xF7A, s1;
	s8 =	simm.s32 @!p0 $0x1BF5;
	p2 =	por !p2, p0  }
0x20: {  	[sflag:s8] =	ssyncset.s32 @!p0 $0xFFFFF086;
	s6 =	sadd.s32 @!p0 s3, s7;
	s7 =	simm.s32 @!p0 $0x108  }
0x21: {  	s3 =	sadd.s32 s3, s9;
	s6 =	sadd.s32 @!p0 $0x88, s6;
	s7 =	simm.s32 @p2 $0x1082  }
0x22: {  	[simem:s7], [sflag:s8] =	dma.local @!p0 [hbm:s6], $0xF7A  }
0x23: {  	s9 =	sor.u32 $0xD0000000, s2;
	s6 =	simm.s32 $0x108;
	_ =	swait.ge @!p0 [sflag:s8], $0x0  }
0x24: {  	s3 =	sadd.s32 $0x88, s3;
	s6 =	simm.s32 @!p1 $0x1082;
	[sflag:s4] =	ssyncset.s32 $0xFFFFF086  }
0x25: {  	[simem:s6], [sflag:s4] =	dma.local [hbm:s3], $0xF7A  }
0x26: {  	[smem:$0x3F95] =	sst s1;
	(tag) =	ssettag s2;
	_ =	strace s9  }
0x27: {  	s1 =	sld [smem:$0x3FA5]  }
0x28: {  	s2 =	sld [smem:$0x3FA6]  }
0x29: {  	s4 =	sld [smem:$0x3FA8]  }
0x2a: {  	p0 =	seq.s32 s5, $0x0;
	s5 =	sld [smem:$0x3FA9]  }
0x2b: {  	s6 =	sld [smem:$0x3FAA]  }
0x2c: {  	s7 =	sld [smem:$0x3FAB]  }
0x2d: {  	s3 =	simm.s32 $0x108;
	s8 =	sld [smem:$0x3FAC]  }
0x2e: {  	s3 =	simm.s32 @!p0 $0x1082;
	s9 =	sld [smem:$0x3FAD]  }
0x2f: {  	lr =	sadd.s32 s0, s3;
	s0 =	sld [smem:$0x3FA4]  }
0x30: {  	s3 =	sld [smem:$0x3FA7]  }
0x31: {  	[smem:$0x3FB0] =	sst s10  }
0x32: {  	s10 =	sld [smem:$0x3FAE];
	_ =	sdelay $0x3  }
0x33: {  	p0 =	seq.s32 s10, $0x1;
	s10 =	sld [smem:$0x3FB0];
	_ =	sdelay $0x3  }
0x34: {  	[smem:$0x3FB0] =	sst s10  }
0x35: {  	s10 =	sld [smem:$0x3FAF];
	_ =	sdelay $0x3  }
0x36: {  	p1 =	seq.s32 s10, $0x1;
	s10 =	sld [smem:$0x3FB0];
	_ =	sdelay $0x3  }
0x37: {  	[smem:$0x3FB0] =	sst s10  }
0x38: {  	s10 =	sld [smem:$0x3FB1]  }
0x39: {  	_ = 	snop;
	(pc) =	sbr.ind lr, $3  }
0x3a: {  	_ = 	snop  }
0x3b: {  	_ = 	snop  }
0x3c: {  	p2 =	seq.s32 s10, $0x1;
	s10 =	sld [smem:$0x3FB0]  }
0x3d: {  	_ =	shalt  }
0x3e: {  	_ =	shalt  }
0x3f: {  	_ =	shalt  }
0x40: {  	_ =	shalt  }
0x41: {  	_ =	shalt  }
0x42: {  	_ =	shalt  }
0x43: {  	_ =	shalt  }
0x44: {  	_ =	shalt  }
0x45: {  	_ =	shalt  }
0x46: {  	_ =	shalt  }
0x47: {  	_ =	shalt  }
0x48: {  	_ =	shalt  }
0x49: {  	_ =	shalt  }
0x4a: {  	_ =	shalt  }
0x4b: {  	_ =	shalt  }
0x4c: {  	_ =	shalt  }
0x4d: {  	_ =	shalt  }
0x4e: {  	_ =	shalt  }
0x4f: {  	_ =	shalt  }
0x50: {  	_ =	shalt  }
0x51: {  	_ =	shalt  }
0x52: {  	_ =	shalt  }
0x53: {  	_ =	shalt  }
0x54: {  	_ =	shalt  }
0x55: {  	_ =	shalt  }
0x56: {  	_ =	shalt  }
0x57: {  	_ =	shalt  }
0x58: {  	_ =	shalt  }
0x59: {  	_ =	shalt  }
0x5a: {  	_ =	shalt  }
0x5b: {  	_ =	shalt  }
0x5c: {  	_ =	shalt  }
0x5d: {  	_ =	shalt  }
0x5e: {  	_ =	shalt  }
0x5f: {  	_ =	shalt  }
0x60: {  	_ =	shalt  }
0x61: {  	_ =	shalt  }
0x62: {  	_ =	shalt  }
0x63: {  	_ =	shalt  }
0x64: {  	_ =	shalt  }
0x65: {  	_ =	shalt  }
0x66: {  	_ =	shalt  }
0x67: {  	_ =	shalt  }
0x68: {  	_ =	shalt  }
0x69: {  	_ =	shalt  }
0x6a: {  	_ =	shalt  }
0x6b: {  	_ =	shalt  }
0x6c: {  	_ =	shalt  }
0x6d: {  	_ =	shalt  }
0x6e: {  	_ =	shalt  }
0x6f: {  	_ =	shalt  }
0x70: {  	_ =	shalt  }
0x71: {  	_ =	shalt  }
0x72: {  	_ =	shalt  }
0x73: {  	_ =	shalt  }
0x74: {  	_ =	shalt  }
0x75: {  	_ =	shalt  }
0x76: {  	_ =	shalt  }
0x77: {  	_ =	shalt  }
0x78: {  	_ =	shalt  }
0x79: {  	_ =	shalt  }
0x7a: {  	_ =	shalt  }
0x7b: {  	_ =	shalt  }
0x7c: {  	_ =	shalt  }
0x7d: {  	_ =	shalt  }
0x7e: {  	_ =	shalt  }
0x7f: {  	_ =	shalt  }
0x80: {  	_ =	shalt  }
0x81: {  	_ =	shalt  }
0x82: {  	_ =	shalt  }
0x83: {  	_ =	shalt  }
0x84: {  	_ =	shalt  }
0x85: {  	_ =	shalt  }
0x86: {  	_ =	shalt  }
0x87: {  	_ =	shalt  }
.Lfunc_end0:
.L_simem_size_0:
called_computation_lowered:
.L_overlay_start_0:
0x88: {  	s2 =	sld [smem:$0x3FD9]  }
0x89: {  	s3 =	sld [smem:$0x3FFE];
	_ =	sdelay $0x1  }
0x8a: {  	s1 =	srdreg.scid  }
0x8b: {  	s0 =	sand.u32 $0x1, s1  }
0x8c: {  	s16 =	sshll.u32 s0, $0xA;
	s2 =	sadd.s32 s3, s2  }
0x8d: {  	s2 =	sadd.s32 s2, s16  }
0x8e: {  	[smem:$0x3FBC] =	sst s2  }
0x8f: {  	_ = 	snop  }
0x90: {  	(tm) =	ssettm $0x1  }
0x91: {  	s17 =	sld [smem:$0x3FFB];
	_ =	sdelay $0x3  }
0x92: {  	_ =	strace s17  }
0x93: {  	s2 =	sld [smem:$0x3FFC];
	_ =	sdelay $0x3  }
0x94: {  	_ =	strace s2  }
0x95: {  	s2 =	sld [smem:$0x3FFD];
	_ =	sdelay $0x3  }
0x96: {  	_ =	strace s2  }
0x97: {  	_ =	strace $0x8FFFFFFF  }
0x98: {  	s18 =	sld [smem:$0x3FDB];
	_ =	sdelay $0x1  }
0x99: {  	s19 =	simm.s32 $_scs_section_size  }
0x9a: {  	s4 =	simm.s32 $_size__tile_overlayer_lowered;
	s5 =	simm.s32 $_tile_overlayer_lowered  }
0x9b: {  	s22 =	simm.s32 $0x1BFF;
	s21 =	sshll.u32 s5, $0x1;
	s2 =	sadd.s32 s19, s18  }
0x9c: {  	s6 =	simm.s32 $0x0;
	s20 =	sshll.u32 s4, $0x1;
	s4 =	sadd.s32 s21, s2  }
0x9d: {  	[timem:s6], [sflag:s22] =	dma.local [hbm:s4], s20  }
0x9e: {  	_ =	swait.ge [sflag:s22], s20  }
0x9f: {  	s3 =	ssub.s32 $0x0, s20;
	[sflag:s22] =	ssyncset.done $0x0  }
0xa0: {  	[sflag:s22] =	ssyncadd.s32 s3;
	_ =	sdelay $0x1  }
0xa1: {  	s23 =	simm.s32 $0x1B8B  }
0xa2: {  	_ =	swait.ge [sflag:s23], $0x1  }
0xa3: {  	[sflag:s23] =	ssyncset.done $0x0  }
0xa4: {  	s25 =	simm.s32 $0x1B8E;
	s24 =	sld [smem:$0x3FFE];
	[sflag:s23] =	ssyncadd.s32 $0xFFFFFFFF  }
0xa5: {  	s26 =	simm.s32 $execute0_lowered;
	[smem:$0x3FD2] =	sst s25  }
0xa6: {  	s4 =	sshll.u32 s26, $0x1;
	_ =	strace $0x80000046;
	[dreg:$0x1] =	wrdreg $0xFFFFFFFF  }
0xa7: {  	s28 =	simm.s32 $_size_execute0_lowered;
	s2 =	sadd.s32 s2, s4;
	[dreg:$0x0] =	wrdreg $0x0  }
0xa8: {  	s4 =	sshll.u32 s28, $0x1;
	[dreg:$0x2] =	wrdreg s2  }
0xa9: {  	[dreg:$0x3] =	wrdreg s4  }
0xaa: {  	[dreg:$0x4] =	wrdreg $0xC0  }
0xab: {  	_ =	task [dreg:s6], $0x5FFFF  }
0xac: {  	[dreg:$0x1] =	wrdreg $0xFFFFFFFF  }
0xad: {  	[dreg:$0x0] =	wrdreg $0x60  }
0xae: {  	[dreg:$0x2] =	wrdreg s24  }
0xaf: {  	[dreg:$0x3] =	wrdreg $0xA8000  }
0xb0: {  	[dreg:$0x4] =	wrdreg $0x9  }
0xb1: {  	_ =	task.clear_ibuf [dreg:s6], $0x5FFFF;
	_ =	strace $0x90000046  }
0xb2: {  	s29 =	simm.s32 $0x9;
	_ =	strace $0x80000048  }
0xb3: {  	_ =	swait.ge [sflag:s29], $0x1  }
0xb4: {  	[sflag:s29] =	ssyncadd.s32 $0xFFFFFFFF  }
0xb5: {  	_ =	strace $0x90000048  }
0xb6: {  	_ =	sfence  }
0xb7: {  	s30 =	sld [smem:$0x0];
	_ =	sdelay $0x2  }
0xb8: {  	s31 =	sshll.u32 s1, $0xD;
	s1 =	sshrl.u32 s1, $0x2  }
0xb9: {  	s3 =	sand.u32 $0x4000, s31;
	s1 =	sadd.s32 s1, s30  }
0xba: {  	s0 =	sor.u32 s3, s0;
	s1 =	sshll.u32 s1, $0x11  }
0xbb: {  	s0 =	sor.u32 s1, s0  }
0xbc: {  	s0 =	sadd.s32 $0x8F2B, s0  }
0xbd: {  	[sflag:s0] =	ssyncadd.remote.s32 $0x1  }
0xbe: {  	_ =	sfence.sel $0xFFFF  }
0xbf: {  	[dreg:$0x0] =	wrdreg $0xFFFFFFFF;
	(pc) =	sbr.abs _section_cstart, $3  }
0xc0: {  	[dreg:$0x1] =	wrdreg $0xFFFFFFFF  }
0xc1: {  	_ =	task.clear_ibuf [dreg:s6], $0x2FFFF;
	_ =	strace $0x9FFFFFFF  }
0xc2: {  	(tm) =	ssettm $0x7FFFFFFF  }
0xc3: {  	_ =	shalt  }
tec
execute0_lowered:
.L_overlay_start_1:
0x0: {  	(tag) =	ssettag $0x1  }
0x1: {  	s6 =	rddreg [dreg:$0x0]  }
0x2: {  	s1 =	rddreg [dreg:$0x1]  }
0x3: {  	s0 =	rddreg [dreg:$0x2];
	s3 =	simm.s32 $0x0;
	s2 =	srdreg.scid  }
0x4: {  	s16 =	simm.s32 $0x80;
	s17 =	simm.s32 $0x2800;
	s18 =	simm.s32 $0x6800  }
0x5: {  	s19 =	simm.s32 $0x3;
	s20 =	simm.s32 $0x4;
	s21 =	simm.s32 $0x1  }
0x6: {  	s22 =	simm.s32 $0x2;
	s23 =	simm.s32 $0x2700;
	s24 =	simm.s32 $0x2780  }
0x7: {  	[smem:$0x7FF] =	sst s3;
	s7 =	sand.u32 $0x1, s2;
	s2 =	stileid.u32  }
0x8: {  	s4 =	sadd.s32 $0x3200, s6;
	s10 =	sadd.s32 $0x2AA00, s6;
	s11 =	sadd.s32 $0x34A00, s6  }
0x9: {  	s5 =	sadd.s32 $0x3EA00, s6;
	s8 =	smul.u32 $0x13C000, s7;
	_ =	strace $0x80000047  }
0xa: {  	s9 =	smul.u32 $0x13C00, s2;
	s25 =	sshll.u32 s2, $0x1;
	s12 =	ssub.s32 $0x2, s7  }
0xb: {  	s26 =	smul.u32 $0x4F000, s2;
	s30 =	sshll.u32 s2, $0x6;
	s7 =	sor.u32 s7, s25  }
0xc: {  	s13 =	sshrl.u32 s12, $0x1;
	s25 =	simm.s32 $0x0;
	s8 =	sadd.s32 s9, s8  }
0xd: {  	s7 =	smul.u32 $0x2800, s7;
	s12 =	ssub.s32 s12, s13;
	s28 =	sshrl.u32 s26, $0x2  }
0xe: {  	s8 =	sshrl.u32 s8, $0x3;
	s29 =	sadd.s32 s28, s1;
	s12 =	smax.u32 s12, $0x1  }
0xf: {  	s14 =	sadd.s32 s8, s6;
	s31 =	sshrl.u32 s7, $0x3;
	s6 =	sor.u32 $0x1C05, s30  }
0x10: {  	s13 =	sshrl.u32 s29, $0x3;
	s7 =	sadd.s32 s10, s31;
	s15 =	sadd.s32 $0x280, s31  }
0x11: {  	s8 =	sadd.s32 s11, s31;
	s9 =	sadd.s32 s10, s15;
	s10 =	sadd.s32 s11, s15  }
0x12: {  	s11 =	sadd.s32 $0x41200, s14;
	s14 =	simm.s32 $0x5;
	s15 =	simm.s32 $0x1400  }
.LBB2_1:
0x13: {  	[spmem:s13], [sflag:s6] =	dma.local [hbm:s5], $0x2780  }
0x14: {  	_ =	swait.ge [sflag:s14], $0x2780  }
0x15: {  	[sflag:s14] =	ssyncset.done $0x0  }
0x16: {  	[sflag:s14] =	ssyncadd.s32 $0xFFFFD880  }
0x17: {  	[bflag:$0x0] =	sbarrier.arrive $0xFFFF  }
0x18: {  	[tilespmem:s3], [sflag:$0x5] =	stream.linear.gather [hbm4b:s7+s3], $0x1400, $0x38;
	[tilespmem:$0x1E400] =	vst v63  }
0x19: {  	_ =	swait.ge [sflag:s14], $0x1400  }
0x1a: {  	[sflag:s14] =	ssyncset.done $0x0  }
0x1b: {  	[sflag:s14] =	ssyncadd.s32 $0xFFFFEC00  }
0x1c: {  	[tilespmem:s15], [sflag:$0x5] =	stream.linear.gather [hbm4b:s8+s3], $0x1400, $0x38;
	[tilespmem:$0x1E400] =	vst v63  }
0x1d: {  	_ =	swait.ge [sflag:s14], $0x1400  }
0x1e: {  	[sflag:s14] =	ssyncset.done $0x0  }
0x1f: {  	[sflag:s14] =	ssyncadd.s32 $0xFFFFEC00  }
0x20: {  	[tilespmem:s17], [sflag:$0x3] =	stream.indirect.gather [hbm4b:s4+s16], $0x80, s3, s16, $0xb8;
	[tilespmem:$0x1E400] =	vst v63  }
0x21: {  	_ = 	snop  }
0x22: {  	[tilespmem:s18], [sflag:$0x4] =	stream.indirect.gather [hbm4b:s4+s16], $0x80, s16, s16, $0xb8;
	[tilespmem:$0x1E400] =	vst v63  }
0x23: {  	_ =	swait.ge [sflag:s19], $0x4000  }
0x24: {  	[sflag:s19] =	ssyncset.done $0x0  }
0x25: {  	s26 =	simm.s32 $0x1400;
	[sflag:s19] =	ssyncadd.s32 $0xFFFFC000  }
0x26: {  	[spmem:s1] =	stream.indirect.scatter.add.f32 [tilespmem:s17], [sflag:$0x1], $0x80, s26, s16, $0xb8;
	[tilespmem:$0x1E400] =	vst v63  }
0x27: {  	_ =	swait.ge [sflag:s20], $0x4000  }
0x28: {  	[sflag:s20] =	ssyncset.done $0x0  }
0x29: {  	s30 =	simm.s32 $0x1480;
	[sflag:s20] =	ssyncadd.s32 $0xFFFFC000  }
0x2a: {  	[spmem:s1] =	stream.indirect.scatter.add.f32 [tilespmem:s18], [sflag:$0x2], $0x80, s30, s16, $0xb8;
	[tilespmem:$0x1E400] =	vst v63  }
0x2b: {  	_ =	swait.ge [sflag:s21], $0x4000  }
0x2c: {  	[sflag:s21] =	ssyncset.done $0x0  }
0x2d: {  	s31 =	simm.s32 $0x100;
	[sflag:s21] =	ssyncadd.s32 $0xFFFFC000  }
0x2e: {  	[tilespmem:s17], [sflag:$0x3] =	stream.indirect.gather [hbm4b:s4+s16], $0x80, s31, s16, $0xb8;
	[tilespmem:$0x1E400] =	vst v63  }
0x2f: {  	_ =	swait.ge [sflag:s22], $0x4000  }
0x30: {  	[sflag:s22] =	ssyncset.done $0x0  }
0x31: {  	s28 =	simm.s32 $0x180;
	s26 =	simm.s32 $0x400;
	[sflag:s22] =	ssyncadd.s32 $0xFFFFC000  }
.LBB2_2:
0x32: {  	[tilespmem:s18], [sflag:$0x4] =	stream.indirect.gather [hbm4b:s4+s16], $0x80, s28, s16, $0xb8;
	[tilespmem:$0x1E400] =	vst v63  }
0x33: {  	s28 =	smov.u32 s26  }
0x34: {  	p0 =	sne.s32 s26, $0x4800;
	s26 =	sadd.s32 $0x400, s26;
	_ =	swait.ge [sflag:s19], $0x4000  }
0x35: {  	s28 =	sshra.s32 s28, $0x2;
	[sflag:s19] =	ssyncset.done $0x0  }
0x36: {  	s29 =	sadd.s32 $0x1400, s28;
	[sflag:s19] =	ssyncadd.s32 $0xFFFFC000  }
0x37: {  	[spmem:s1] =	stream.indirect.scatter.add.f32 [tilespmem:s17], [sflag:$0x1], $0x80, s29, s16, $0xb8;
	[tilespmem:$0x1E400] =	vst v63  }
0x38: {  	_ =	swait.ge [sflag:s20], $0x4000  }
0x39: {  	[sflag:s20] =	ssyncset.done $0x0  }
0x3a: {  	s29 =	sadd.s32 $0x1480, s28;
	[sflag:s20] =	ssyncadd.s32 $0xFFFFC000  }
0x3b: {  	[spmem:s1] =	stream.indirect.scatter.add.f32 [tilespmem:s18], [sflag:$0x2], $0x80, s29, s16, $0xb8;
	[tilespmem:$0x1E400] =	vst v63  }
0x3c: {  	_ =	swait.ge [sflag:s21], $0x4000  }
0x3d: {  	[sflag:s21] =	ssyncset.done $0x0  }
.Ltmp0:
0x3e: {  	s29 =	sadd.s32 $0x100, s28;
	[sflag:s21] =	ssyncadd.s32 $0xFFFFC000;
	(pc) =	sbr.rel @p0 .LBB2_2-.Ltmp0, $4  }
0x3f: {  	[tilespmem:s17], [sflag:$0x3] =	stream.indirect.gather [hbm4b:s4+s16], $0x80, s29, s16, $0xb8;
	[tilespmem:$0x1E400] =	vst v63  }
0x40: {  	_ =	swait.ge [sflag:s22], $0x4000  }
0x41: {  	[sflag:s22] =	ssyncset.done $0x0  }
0x42: {  	s28 =	sadd.s32 $0x180, s28;
	[sflag:s22] =	ssyncadd.s32 $0xFFFFC000  }
0x43: {  	[tilespmem:s18], [sflag:$0x4] =	stream.indirect.gather [hbm4b:s4+s16], $0x80, s28, s16, $0xb8;
	[tilespmem:$0x1E400] =	vst v63  }
0x44: {  	_ =	swait.ge [sflag:s19], $0x4000  }
0x45: {  	[sflag:s19] =	ssyncset.done $0x0  }
0x46: {  	[sflag:s19] =	ssyncadd.s32 $0xFFFFC000  }
0x47: {  	[spmem:s1] =	stream.indirect.scatter.add.f32 [tilespmem:s17], [sflag:$0x1], $0x80, s23, s16, $0xb8;
	[tilespmem:$0x1E400] =	vst v63  }
0x48: {  	_ =	swait.ge [sflag:s20], $0x4000  }
0x49: {  	[sflag:s20] =	ssyncset.done $0x0  }
0x4a: {  	[sflag:s20] =	ssyncadd.s32 $0xFFFFC000  }
0x4b: {  	[spmem:s1] =	stream.indirect.scatter.add.f32 [tilespmem:s18], [sflag:$0x2], $0x80, s24, s16, $0xb8;
	[tilespmem:$0x1E400] =	vst v63  }
0x4c: {  	_ =	swait.ge [sflag:s21], $0x4000  }
0x4d: {  	[sflag:s21] =	ssyncset.done $0x0  }
0x4e: {  	[sflag:s21] =	ssyncadd.s32 $0xFFFFC000  }
0x4f: {  	_ =	swait.ge [sflag:s22], $0x4000  }
0x50: {  	[sflag:s22] =	ssyncset.done $0x0  }
0x51: {  	s26 =	simm.s32 $0x0;
	[sflag:s22] =	ssyncadd.s32 $0xFFFFC000  }
0x52: {  	[tilespmem:s26], [sflag:$0x5] =	stream.linear.gather [hbm4b:s9+s26], $0x1400, $0x38;
	[tilespmem:$0x1E400] =	vst v63  }
0x53: {  	_ =	swait.ge [sflag:s14], $0x1400  }
0x54: {  	[sflag:s14] =	ssyncset.done $0x0  }
0x55: {  	[sflag:s14] =	ssyncadd.s32 $0xFFFFEC00  }
0x56: {  	[tilespmem:s15], [sflag:$0x5] =	stream.linear.gather [hbm4b:s10+s26], $0x1400, $0x38;
	[tilespmem:$0x1E400] =	vst v63  }
0x57: {  	_ =	swait.ge [sflag:s14], $0x1400  }
0x58: {  	[sflag:s14] =	ssyncset.done $0x0  }
0x59: {  	[sflag:s14] =	ssyncadd.s32 $0xFFFFEC00  }
0x5a: {  	[tilespmem:s17], [sflag:$0x3] =	stream.indirect.gather [hbm4b:s4+s16], $0x80, s26, s16, $0xb8;
	[tilespmem:$0x1E400] =	vst v63  }
0x5b: {  	_ = 	snop  }
0x5c: {  	[tilespmem:s18], [sflag:$0x4] =	stream.indirect.gather [hbm4b:s4+s16], $0x80, s16, s16, $0xb8;
	[tilespmem:$0x1E400] =	vst v63  }
0x5d: {  	_ =	swait.ge [sflag:s19], $0x4000  }
0x5e: {  	[sflag:s19] =	ssyncset.done $0x0  }
0x5f: {  	s29 =	simm.s32 $0x1400;
	[sflag:s19] =	ssyncadd.s32 $0xFFFFC000  }
0x60: {  	[spmem:s1] =	stream.indirect.scatter.add.f32 [tilespmem:s17], [sflag:$0x1], $0x80, s29, s16, $0xb8;
	[tilespmem:$0x1E400] =	vst v63  }
0x61: {  	_ =	swait.ge [sflag:s20], $0x4000  }
0x62: {  	[sflag:s20] =	ssyncset.done $0x0  }
0x63: {  	s30 =	simm.s32 $0x1480;
	[sflag:s20] =	ssyncadd.s32 $0xFFFFC000  }
0x64: {  	[spmem:s1] =	stream.indirect.scatter.add.f32 [tilespmem:s18], [sflag:$0x2], $0x80, s30, s16, $0xb8;
	[tilespmem:$0x1E400] =	vst v63  }
0x65: {  	_ =	swait.ge [sflag:s21], $0x4000  }
0x66: {  	[sflag:s21] =	ssyncset.done $0x0  }
0x67: {  	s31 =	simm.s32 $0x100;
	[sflag:s21] =	ssyncadd.s32 $0xFFFFC000  }
0x68: {  	[tilespmem:s17], [sflag:$0x3] =	stream.indirect.gather [hbm4b:s4+s16], $0x80, s31, s16, $0xb8;
	[tilespmem:$0x1E400] =	vst v63  }
0x69: {  	_ =	swait.ge [sflag:s22], $0x4000  }
0x6a: {  	[sflag:s22] =	ssyncset.done $0x0  }
0x6b: {  	s28 =	simm.s32 $0x180;
	s26 =	simm.s32 $0x400;
	[sflag:s22] =	ssyncadd.s32 $0xFFFFC000  }
.LBB2_4:
0x6c: {  	[tilespmem:s18], [sflag:$0x4] =	stream.indirect.gather [hbm4b:s4+s16], $0x80, s28, s16, $0xb8;
	[tilespmem:$0x1E400] =	vst v63  }
0x6d: {  	s28 =	smov.u32 s26  }
0x6e: {  	p0 =	sne.s32 s26, $0x4800;
	s26 =	sadd.s32 $0x400, s26;
	_ =	swait.ge [sflag:s19], $0x4000  }
0x6f: {  	s28 =	sshra.s32 s28, $0x2;
	[sflag:s19] =	ssyncset.done $0x0  }
0x70: {  	s29 =	sadd.s32 $0x1400, s28;
	[sflag:s19] =	ssyncadd.s32 $0xFFFFC000  }
0x71: {  	[spmem:s1] =	stream.indirect.scatter.add.f32 [tilespmem:s17], [sflag:$0x1], $0x80, s29, s16, $0xb8;
	[tilespmem:$0x1E400] =	vst v63  }
0x72: {  	_ =	swait.ge [sflag:s20], $0x4000  }
0x73: {  	[sflag:s20] =	ssyncset.done $0x0  }
0x74: {  	s29 =	sadd.s32 $0x1480, s28;
	[sflag:s20] =	ssyncadd.s32 $0xFFFFC000  }
0x75: {  	[spmem:s1] =	stream.indirect.scatter.add.f32 [tilespmem:s18], [sflag:$0x2], $0x80, s29, s16, $0xb8;
	[tilespmem:$0x1E400] =	vst v63  }
0x76: {  	_ =	swait.ge [sflag:s21], $0x4000  }
0x77: {  	[sflag:s21] =	ssyncset.done $0x0  }
.Ltmp1:
0x78: {  	s29 =	sadd.s32 $0x100, s28;
	[sflag:s21] =	ssyncadd.s32 $0xFFFFC000;
	(pc) =	sbr.rel @p0 .LBB2_4-.Ltmp1, $4  }
0x79: {  	[tilespmem:s17], [sflag:$0x3] =	stream.indirect.gather [hbm4b:s4+s16], $0x80, s29, s16, $0xb8;
	[tilespmem:$0x1E400] =	vst v63  }
0x7a: {  	_ =	swait.ge [sflag:s22], $0x4000  }
0x7b: {  	[sflag:s22] =	ssyncset.done $0x0  }
0x7c: {  	s28 =	sadd.s32 $0x180, s28;
	[sflag:s22] =	ssyncadd.s32 $0xFFFFC000  }
0x7d: {  	[tilespmem:s18], [sflag:$0x4] =	stream.indirect.gather [hbm4b:s4+s16], $0x80, s28, s16, $0xb8;
	[tilespmem:$0x1E400] =	vst v63  }
0x7e: {  	_ =	swait.ge [sflag:s19], $0x4000  }
0x7f: {  	[sflag:s19] =	ssyncset.done $0x0  }
0x80: {  	[sflag:s19] =	ssyncadd.s32 $0xFFFFC000  }
0x81: {  	[spmem:s1] =	stream.indirect.scatter.add.f32 [tilespmem:s17], [sflag:$0x1], $0x80, s23, s16, $0xb8;
	[tilespmem:$0x1E400] =	vst v63  }
0x82: {  	_ =	swait.ge [sflag:s20], $0x4000  }
0x83: {  	[sflag:s20] =	ssyncset.done $0x0  }
0x84: {  	[sflag:s20] =	ssyncadd.s32 $0xFFFFC000  }
0x85: {  	[spmem:s1] =	stream.indirect.scatter.add.f32 [tilespmem:s18], [sflag:$0x2], $0x80, s24, s16, $0xb8;
	[tilespmem:$0x1E400] =	vst v63  }
0x86: {  	_ =	swait.ge [sflag:s21], $0x4000  }
0x87: {  	[sflag:s21] =	ssyncset.done $0x0  }
0x88: {  	[sflag:s21] =	ssyncadd.s32 $0xFFFFC000  }
0x89: {  	_ =	swait.ge [sflag:s22], $0x4000  }
0x8a: {  	s25 =	sadd.s32 $0x1, s25;
	[sflag:s22] =	ssyncset.done $0x0  }
0x8b: {  	p0 =	sne.s32 s25, s12;
	[sflag:s22] =	ssyncadd.s32 $0xFFFFC000  }
.Ltmp2:
0x8c: {  	[bflag:$0x0] =	sbarrier.arrive $0xFFFF;
	(pc) =	sbr.rel @p0 .LBB2_1-.Ltmp2, $4  }
0x8d: {  	[hbm:s11], [sflag:s6] =	dma.local [spmem:s13], $0x2780  }
0x8e: {  	_ =	swait.ge [sflag:s14], $0x2780  }
0x8f: {  	[sflag:s14] =	ssyncset.done $0x0  }
0x90: {  	[sflag:s14] =	ssyncadd.s32 $0xFFFFD880  }
0x91: {  	_ =	sfence.sel $0x180000  }
0x92: {  	[bflag:$0x0] =	sbarrier.arrive $0xFFFF  }
0x93: {  	p0 =	sne.s32 s2, $0x0;
	_ =	strace $0x90000047  }
0x94: {  	s0 =	sadd.s32 @!p0 $0x100000, s0;
	[bflag:$0x2] =	sbarrier.arrive $0xFFFF  }
0x95: {  	[sflag:s0] =	ssyncadd.tile.s32 @!p0 $0x1;
	_ =	shalt  }
.Lfunc_end2:
_tile_overlayer_lowered:
.L_overlay_start_2:
0x96: {  	(tag) =	ssettag $0x2  }
0x97: {  	s0 =	rddreg [dreg:$0x0];
	s2 =	stileid.u32  }
0x98: {  	s1 =	rddreg [dreg:$0x1];
	p0 =	sne.s32 s2, $0x0  }
0x99: {  	s3 =	rddreg [dreg:$0x2];
	[bflag:$0x3] =	sbarrier.arrive $0xFFFF;
	s2 =	simm.s32 @!p0 $0x1C05  }
0x9a: {  	[timem:s3], [sflag:s2] =	dma.local @!p0 [hbm:s0], s1  }
0x9b: {  	s0 =	simm.s32 @!p0 $0x5  }
0x9c: {  	_ =	swait.ge @!p0 [sflag:s0], s1  }
0x9d: {  	s1 =	ssub.s32 @!p0 $0x0, s1;
	[sflag:s0] =	ssyncset.done @!p0 $0x0  }
0x9e: {  	[sflag:s0] =	ssyncadd.s32 @!p0 s1  }
0x9f: {  	[bflag:$0x3] =	sbarrier.arrive $0xFFFF  }
0xa0: {  	_ =	shalt  }

</sc_bundles>
